<compile_context>
chip_gen: v7x
topology: tpu7x:2x2x1
jax: 0.10.2.dev20260603
libtpu: 0.0.44.dev20260713+nightly
codegen_flags: <defaults>
</compile_context>

<pallas_src>
import functools

import jax
import jax.numpy as jnp
from jax import lax
from jax.experimental import pallas as pl
from jax.experimental.pallas import tpu as pltpu
from jax.experimental.pallas import tpu_sc as plsc

B, N, K, C, OUT = 4, 4096, 16, 128, 128

QA = 256
QC = 256

SC_NC = 2
SC_NS = 16
NW = SC_NC * SC_NS
ROWS_B = N * K
ROWS_PER_W = ROWS_B // NW
GCH = 128
NCH = ROWS_PER_W // GCH


def _xyz_table_body(pc_ref, out_ref):
    pc = pc_ref[0]
    cols = []
    for c in range(3):
        acc = pc[:, c:c + 1]
        for k in range(1, K):
            acc = acc + pc[:, 3 * k + c:3 * k + c + 1]
        cols.append(acc * (1.0 / K))
    sq = cols[0] * cols[0] + cols[1] * cols[1] + cols[2] * cols[2]
    rcols = [c.astype(jnp.bfloat16).astype(jnp.float32) for c in cols]
    zeros = jnp.zeros_like(pc[:, :4])
    out_ref[0] = jnp.concatenate([rcols[0], rcols[1], rcols[2], sq, zeros],
                                 axis=1)


def _xyz_table(pc48):
    return pl.pallas_call(
        _xyz_table_body,
        grid=(B,),
        in_specs=[pl.BlockSpec((1, N, 3 * K), lambda b: (b, 0, 0))],
        out_specs=pl.BlockSpec((1, N, 8), lambda b: (b, 0, 0)),
        out_shape=jax.ShapeDtypeStruct((B, N, 8), jnp.float32),
    )(pc48)


def _knn_body(q_ref, t_ref, out_ref, *, base):
    xq = q_ref[0]
    xm = t_ref[0]
    prod = (xq[:, 0:1] * xm[0:1, :] + xq[:, 1:2] * xm[1:2, :]
            + xq[:, 2:3] * xm[2:3, :])
    d = (-2.0 * prod + xq[:, 3:4]) + xm[3:4, :]
    iota = lax.broadcasted_iota(jnp.int32, (QA, N), 1)
    big = jnp.float32(3.0e38)
    for j in range(K):
        am = jnp.argmin(d, axis=1).astype(jnp.int32)
        out_ref[0, :, j] = am + base
        d = jnp.where(iota == am[:, None], big, d)


def _knn_topk_b(xyzs, xyzsT, b):
    return pl.pallas_call(
        functools.partial(_knn_body, base=b * N),
        grid=(N // QA,),
        in_specs=[
            pl.BlockSpec((1, QA, 8), lambda q: (b, q, 0)),
            pl.BlockSpec((1, 8, N), lambda q: (b, 0, 0)),
        ],
        out_specs=pl.BlockSpec((1, QA, K), lambda q: (0, q, 0)),
        out_shape=jax.ShapeDtypeStruct((1, N, K), jnp.int32),
    )(xyzs, xyzsT)


def _project_body(f_ref, w_ref, out_ref):
    out_ref[0] = jnp.dot(f_ref[0], w_ref[...],
                         preferred_element_type=jnp.float32)


def _project(features, a1f):
    return pl.pallas_call(
        _project_body,
        grid=(B,),
        in_specs=[
            pl.BlockSpec((1, N, C), lambda b: (b, 0, 0)),
            pl.BlockSpec((C, OUT), lambda b: (0, 0)),
        ],
        out_specs=pl.BlockSpec((1, N, OUT), lambda b: (b, 0, 0)),
        out_shape=jax.ShapeDtypeStruct((B, N, OUT), jnp.float32),
    )(features, a1f)


def _sc_gather_body(table_hbm, idx_hbm, out_hbm, idx_v, buf, sem):
    wid = lax.axis_index("s") * SC_NC + lax.axis_index("c")
    base = wid * ROWS_PER_W
    pltpu.sync_copy(idx_hbm.at[wid], idx_v)

    def chunk(ci, carry):
        pltpu.async_copy(table_hbm.at[idx_v.at[ci]], buf, sem).wait()
        pltpu.sync_copy(buf, out_hbm.at[pl.ds(base + ci * GCH, GCH)])
        return carry

    lax.fori_loop(0, NCH, chunk, 0)


def _sc_gather(pf2, idx3):
    mesh = plsc.VectorSubcoreMesh(core_axis_name="c", subcore_axis_name="s")
    run = pl.kernel(
        _sc_gather_body,
        out_type=jax.ShapeDtypeStruct((ROWS_B, OUT), jnp.float32),
        mesh=mesh,
        scratch_types=[
            pltpu.VMEM((NCH, GCH), jnp.int32),
            pltpu.VMEM((GCH, OUT), jnp.float32),
            pltpu.SemaphoreType.DMA,
        ],
    )
    return run(pf2, idx3)


def _mlp_body(g_ref, p_ref, a1p_ref, c1_ref, a2_ref, c2_ref, a3_ref, c3_ref,
              out_ref):
    g = g_ref[0]
    p = p_ref[0]
    pw = (p[:, 0:1] * a1p_ref[0:1, :] + p[:, 1:2] * a1p_ref[1:2, :]
          + p[:, 2:3] * a1p_ref[2:3, :])
    h = jnp.maximum(g + pw + c1_ref[...], 0.0)
    h = jnp.maximum(
        jnp.dot(h, a2_ref[...], preferred_element_type=jnp.float32)
        + c2_ref[...], 0.0)
    y = (jnp.dot(h, a3_ref[...], preferred_element_type=jnp.float32)
         + c3_ref[...])
    out_ref[0] = jnp.max(y.reshape(QC, K, OUT), axis=1)


def _mlp_maxpool_b(gout, pc3, a1p, c1, a2, c2, a3, c3, b):
    return pl.pallas_call(
        _mlp_body,
        grid=(N // QC,),
        in_specs=[
            pl.BlockSpec((1, QC * K, OUT), lambda q: (0, q, 0)),
            pl.BlockSpec((1, QC * K, 3), lambda q: (b, q, 0)),
            pl.BlockSpec((3, OUT), lambda q: (0, 0)),
            pl.BlockSpec((1, OUT), lambda q: (0, 0)),
            pl.BlockSpec((OUT, OUT), lambda q: (0, 0)),
            pl.BlockSpec((1, OUT), lambda q: (0, 0)),
            pl.BlockSpec((OUT, OUT), lambda q: (0, 0)),
            pl.BlockSpec((1, OUT), lambda q: (0, 0)),
        ],
        out_specs=pl.BlockSpec((1, QC, OUT), lambda q: (0, q, 0)),
        out_shape=jax.ShapeDtypeStruct((1, N, OUT), jnp.float32),
    )(gout, pc3, a1p, c1, a2, c2, a3, c3)


def kernel(features, position_condition, W1, b1, g1, be1, W2, b2, g2, be2,
           W3, b3):
    s = jnp.float32(1.0) / jnp.sqrt(jnp.float32(1.0 + 1e-5))
    sc1 = g1 * s
    a1 = W1 * sc1[None, :]
    c1 = (b1 * sc1 + be1)[None, :]
    sc2 = g2 * s
    a2 = W2 * sc2[None, :]
    c2 = (b2 * sc2 + be2)[None, :]
    c3 = b3[None, :]

    pc48 = position_condition.reshape(B, N, 3 * K)
    pc3 = position_condition.reshape(B, N * K, 3)
    xyzs = _xyz_table(pc48)
    xyzsT = jnp.transpose(xyzs, (0, 2, 1))
    pf = _project(features, a1[:C])
    pf2 = pf.reshape(B * N, OUT)

    outs = []
    for b in range(B):
        idx_b = _knn_topk_b(xyzs, xyzsT, b)
        g_b = _sc_gather(pf2, idx_b.reshape(NW, NCH, GCH))
        outs.append(_mlp_maxpool_b(g_b.reshape(1, N * K, OUT), pc3,
                                   a1[C:], c1, a2, c2, W3, c3, b))
    return jnp.concatenate(outs, axis=0)

# --- scband reference (transcript-rebuilt; emitter-appended) ---
"""Pipeline reference for scband-denoising-network-56710748176537 (READ-ONLY COPY).

The authoritative reference and input builder live on the scoring server;
editing this copy changes nothing except your own understanding.
"""

import jax, jax.numpy as jnp
import numpy as np

B, N, K, C, OUT = 4, 4096, 16, 128, 128


def _bn(x, g, b):
    # eval-mode BatchNorm1d: running_mean=0, running_var=1
    return x / jnp.sqrt(1.0 + 1e-5) * g + b


def setup_inputs(seed: int = 0) -> dict:
    key = jax.random.key(seed)
    ks = jax.random.split(key, 12)
    inp = {
        "features": jax.random.normal(ks[0], (B, N, C), dtype=jnp.float32),
        "position_condition": jax.random.normal(ks[1], (B, N, K, 3), dtype=jnp.float32),
        "W1": jax.random.normal(ks[2], (C + 3, OUT), dtype=jnp.float32) * 0.02,
        "b1": jnp.zeros((OUT,), dtype=jnp.float32),
        "g1": jnp.ones((OUT,), dtype=jnp.float32),
        "be1": jnp.zeros((OUT,), dtype=jnp.float32),
        "W2": jax.random.normal(ks[3], (OUT, OUT), dtype=jnp.float32) * 0.02,
        "b2": jnp.zeros((OUT,), dtype=jnp.float32),
        "g2": jnp.ones((OUT,), dtype=jnp.float32),
        "be2": jnp.zeros((OUT,), dtype=jnp.float32),
        "W3": jax.random.normal(ks[4], (OUT, OUT), dtype=jnp.float32) * 0.02,
        "b3": jnp.zeros((OUT,), dtype=jnp.float32),
    }
    return inp


def reference(features, position_condition, W1, b1, g1, be1, W2, b2, g2, be2, W3, b3):
    Bb, Nn, Cc = features.shape
    k = position_condition.shape[2]
    # xyz_approx = position_condition.mean(dim=2)
    xyz = jnp.mean(position_condition, axis=2)  # [B, N, 3]
    # knn_point: pairwise squared distances + topk smallest
    sq = jnp.sum(xyz ** 2, axis=-1)  # [B, N]
    d = -2.0 * jnp.einsum('bnc,bmc->bnm', xyz, xyz) + sq[:, :, None] + sq[:, None, :]
    _, idx = jax.lax.top_k(-d, k)  # [B, N, k] indices of k smallest distances
    # index_points: gather neighbor features
    grouped = jax.vmap(lambda f, i: f[i])(features, idx)  # [B, N, k, C]
    combined = jnp.concatenate([grouped, position_condition], axis=-1)  # [B, N, k, C+3]
    h = combined.reshape(-1, Cc + 3)
    h = jax.nn.relu(_bn(h @ W1 + b1, g1, be1))
    h = jax.nn.relu(_bn(h @ W2 + b2, g2, be2))
    h = h @ W3 + b3
    h = h.reshape(Bb, Nn, k, -1)
    out = jnp.max(h, axis=2)  # maxpool over K neighborhood points
    return out

if __name__ == "__main__":
    import jax
    _d = setup_inputs()
    print(jax.jit(kernel)(*tuple(_d.values())))

</pallas_src>

<mosaic_0001>
#map = affine_map<(d0, d1) -> (0, 0)>
#map1 = affine_map<(d0, d1) -> (0, 0, 0)>
module attributes {stable_mosaic.version = 14 : i64} {
  func.func @_sc_gather_body(%arg0: i32, %arg1: i32, %arg2: memref<16384x128xf32, #tpu.memory_space<hbm>>, %arg3: memref<32x16x128xi32, #tpu.memory_space<hbm>>, %arg4: memref<65536x128xf32, #tpu.memory_space<hbm>>, %arg5: memref<16x128xi32, #tpu.memory_space<vmem>>, %arg6: memref<128x128xf32, #tpu.memory_space<vmem>>, %arg7: memref<!tpu.dma_semaphore, #tpu.memory_space<semaphore_mem>>) attributes {dimension_semantics = [#tpu.dimension_semantics<core_parallel>, #tpu.dimension_semantics<subcore_parallel>], iteration_bounds = array<i64: 2, 16>, scalar_prefetch = 0 : i64, scratch_operands = 3 : i64, tpu.core_type = #tpu.core_type<sc_vector_subcore>, window_params = [{transform_indices = #map}, {transform_indices = #map1}, {transform_indices = #map}]} {
    %mul3A = arith.constant 2 : i32
    %mul3A_0 = arith.muli %arg1, %mul3A : i32
    %add3A = arith.addi %mul3A_0, %arg0 : i32
    %mul3A_1 = arith.constant 2048 : i32
    %mul3A_2 = arith.muli %add3A, %mul3A_1 : i32
    "tpu.region"() ({
      %run_scoped3A = tpu.sem_alloc : memref<!tpu.dma_semaphore, #tpu.memory_space<semaphore_mem>>
      %dma_start3A = arith.constant 0 : i32
      %dma_start3A_8 = arith.constant 0 : i32
      %dma_start3A_9 = tpu.memref_slice %arg3[%add3A, %dma_start3A, %dma_start3A_8] : memref<32x16x128xi32, #tpu.memory_space<hbm>> -> memref<1x16x128xi32, #tpu.memory_space<hbm>>
      %dma_start3A_10 = tpu.memref_squeeze %dma_start3A_9 : memref<1x16x128xi32, #tpu.memory_space<hbm>> -> memref<16x128xi32, #tpu.memory_space<hbm>>
      %dma_start3A_11 = arith.constant 0 : i32
      %dma_start3A_12 = arith.constant 0 : i32
      %dma_start3A_13 = tpu.memref_slice %arg3[%add3A, %dma_start3A_11, %dma_start3A_12] : memref<32x16x128xi32, #tpu.memory_space<hbm>> -> memref<1x16x128xi32, #tpu.memory_space<hbm>>
      %dma_start3A_14 = tpu.memref_squeeze %dma_start3A_13 : memref<1x16x128xi32, #tpu.memory_space<hbm>> -> memref<16x128xi32, #tpu.memory_space<hbm>>
      tpu.enqueue_dma source(%dma_start3A_14 : memref<16x128xi32, #tpu.memory_space<hbm>>) target(%arg5 : memref<16x128xi32, #tpu.memory_space<vmem>>) target_semaphore(%run_scoped3A : memref<!tpu.dma_semaphore, #tpu.memory_space<semaphore_mem>>)
      %dma_wait3A = arith.constant 0 : i32
      %dma_wait3A_15 = arith.constant 0 : i32
      %dma_wait3A_16 = tpu.memref_slice %arg3[%add3A, %dma_wait3A, %dma_wait3A_15] : memref<32x16x128xi32, #tpu.memory_space<hbm>> -> memref<1x16x128xi32, #tpu.memory_space<hbm>>
      %dma_wait3A_17 = tpu.memref_squeeze %dma_wait3A_16 : memref<1x16x128xi32, #tpu.memory_space<hbm>> -> memref<16x128xi32, #tpu.memory_space<hbm>>
      %dma_wait3A_18 = arith.constant 0 : i32
      %dma_wait3A_19 = arith.constant 0 : i32
      %dma_wait3A_20 = tpu.memref_slice %arg3[%add3A, %dma_wait3A_18, %dma_wait3A_19] : memref<32x16x128xi32, #tpu.memory_space<hbm>> -> memref<1x16x128xi32, #tpu.memory_space<hbm>>
      %dma_wait3A_21 = tpu.memref_squeeze %dma_wait3A_20 : memref<1x16x128xi32, #tpu.memory_space<hbm>> -> memref<16x128xi32, #tpu.memory_space<hbm>>
      tpu.wait_dma2 semaphore(%run_scoped3A : memref<!tpu.dma_semaphore, #tpu.memory_space<semaphore_mem>>) src(%dma_wait3A_21 : memref<16x128xi32, #tpu.memory_space<hbm>>) dst(%arg5 : memref<16x128xi32, #tpu.memory_space<vmem>>)
      tpu.yield
    }) : () -> ()
    %scan3A = arith.constant 0 : i32
    %scan3A_3 = arith.constant 0 : i32
    %scan3A_4 = arith.constant 16 : i32
    %scan3A_5 = arith.addi %scan3A_3, %scan3A_4 : i32
    %scan3A_6 = arith.constant 1 : i32
    scf.for %scan3A_8 = %scan3A_3 to %scan3A_5 step %scan3A_6  : i32 {
      %dma_start3A = arith.constant 0 : i32
      %dma_start3A_9 = tpu.memref_slice %arg5[%scan3A_8, %dma_start3A] : memref<16x128xi32, #tpu.memory_space<vmem>> -> memref<1x128xi32, #tpu.memory_space<vmem>>
      %dma_start3A_10 = tpu.memref_squeeze %dma_start3A_9 : memref<1x128xi32, #tpu.memory_space<vmem>> -> memref<128xi32, #tpu.memory_space<vmem>>
      %dma_start3A_11 = arith.constant 0 : i32
      %dma_start3A_12 = arith.constant 0 : i32
      %dma_start3A_13 = tpu.memref_slice %arg2[%dma_start3A_11, %dma_start3A_12] : memref<16384x128xf32, #tpu.memory_space<hbm>> -> memref<16384x128xf32, #tpu.memory_space<hbm>>
      tpu.enqueue_indirect_dma source(%dma_start3A_13 : memref<16384x128xf32, #tpu.memory_space<hbm>>) target(%arg6 : memref<128x128xf32, #tpu.memory_space<vmem>>) offsets(%dma_start3A_10 : memref<128xi32, #tpu.memory_space<vmem>>) semaphore(%arg7 : memref<!tpu.dma_semaphore, #tpu.memory_space<semaphore_mem>>)
      %dma_wait3A = arith.constant 0 : i32
      %dma_wait3A_14 = tpu.memref_slice %arg5[%scan3A_8, %dma_wait3A] : memref<16x128xi32, #tpu.memory_space<vmem>> -> memref<1x128xi32, #tpu.memory_space<vmem>>
      %dma_wait3A_15 = tpu.memref_squeeze %dma_wait3A_14 : memref<1x128xi32, #tpu.memory_space<vmem>> -> memref<128xi32, #tpu.memory_space<vmem>>
      %dma_wait3A_16 = arith.constant 0 : i32
      %dma_wait3A_17 = arith.constant 0 : i32
      %dma_wait3A_18 = tpu.memref_slice %arg2[%dma_wait3A_16, %dma_wait3A_17] : memref<16384x128xf32, #tpu.memory_space<hbm>> -> memref<16384x128xf32, #tpu.memory_space<hbm>>
      tpu.wait_indirect_dma semaphore(%arg7 : memref<!tpu.dma_semaphore, #tpu.memory_space<semaphore_mem>>) src(%dma_wait3A_18 : memref<16384x128xf32, #tpu.memory_space<hbm>>) dst(%arg6 : memref<128x128xf32, #tpu.memory_space<vmem>>)
      %mul3A_19 = arith.constant 128 : i32
      %mul3A_20 = arith.muli %scan3A_8, %mul3A_19 : i32
      %add3A_21 = arith.addi %mul3A_2, %mul3A_20 : i32
      "tpu.region"() ({
        %run_scoped3A = tpu.sem_alloc : memref<!tpu.dma_semaphore, #tpu.memory_space<semaphore_mem>>
        %dma_start3A_22 = arith.constant 0 : i32
        %dma_start3A_23 = tpu.memref_slice %arg4[%add3A_21, %dma_start3A_22] : memref<65536x128xf32, #tpu.memory_space<hbm>> -> memref<128x128xf32, #tpu.memory_space<hbm>>
        %dma_start3A_24 = arith.constant 0 : i32
        %dma_start3A_25 = tpu.memref_slice %arg4[%add3A_21, %dma_start3A_24] : memref<65536x128xf32, #tpu.memory_space<hbm>> -> memref<128x128xf32, #tpu.memory_space<hbm>>
        tpu.enqueue_dma source(%arg6 : memref<128x128xf32, #tpu.memory_space<vmem>>) target(%dma_start3A_25 : memref<128x128xf32, #tpu.memory_space<hbm>>) target_semaphore(%run_scoped3A : memref<!tpu.dma_semaphore, #tpu.memory_space<semaphore_mem>>)
        %dma_wait3A_26 = arith.constant 0 : i32
        %dma_wait3A_27 = tpu.memref_slice %arg4[%add3A_21, %dma_wait3A_26] : memref<65536x128xf32, #tpu.memory_space<hbm>> -> memref<128x128xf32, #tpu.memory_space<hbm>>
        %dma_wait3A_28 = arith.constant 0 : i32
        %dma_wait3A_29 = tpu.memref_slice %arg4[%add3A_21, %dma_wait3A_28] : memref<65536x128xf32, #tpu.memory_space<hbm>> -> memref<128x128xf32, #tpu.memory_space<hbm>>
        tpu.wait_dma2 semaphore(%run_scoped3A : memref<!tpu.dma_semaphore, #tpu.memory_space<semaphore_mem>>) src(%arg6 : memref<128x128xf32, #tpu.memory_space<vmem>>) dst(%dma_wait3A_29 : memref<128x128xf32, #tpu.memory_space<hbm>>)
        tpu.yield
      }) : () -> ()
    }
    %scan3A_7 = arith.constant 16 : i32
    return
  }
}

#map = affine_map<(d0, d1) -> (0, 0)>
#map1 = affine_map<(d0, d1) -> (0, 0, 0)>
module attributes {stable_mosaic.version = 14 : i64} {
  func.func @_sc_gather_body(%arg0: i32, %arg1: i32, %arg2: memref<16384x128xf32, #tpu.memory_space<hbm>>, %arg3: memref<32x16x128xi32, #tpu.memory_space<hbm>>, %arg4: memref<65536x128xf32, #tpu.memory_space<hbm>>, %arg5: memref<16x128xi32, #tpu.memory_space<vmem>>, %arg6: memref<128x128xf32, #tpu.memory_space<vmem>>, %arg7: memref<!tpu.dma_semaphore, #tpu.memory_space<semaphore_mem>>) attributes {dimension_semantics = [#tpu.dimension_semantics<core_parallel>, #tpu.dimension_semantics<subcore_parallel>], iteration_bounds = array<i64: 2, 16>, scalar_prefetch = 0 : i64, scratch_operands = 3 : i64, tpu.core_type = #tpu.core_type<sc_vector_subcore>, window_params = [{transform_indices = #map}, {transform_indices = #map1}, {transform_indices = #map}]} {
    %mul3A = arith.constant 2 : i32
    %mul3A_0 = arith.muli %arg1, %mul3A : i32
    %add3A = arith.addi %mul3A_0, %arg0 : i32
    %mul3A_1 = arith.constant 2048 : i32
    %mul3A_2 = arith.muli %add3A, %mul3A_1 : i32
    "tpu.region"() ({
      %run_scoped3A = tpu.sem_alloc : memref<!tpu.dma_semaphore, #tpu.memory_space<semaphore_mem>>
      %dma_start3A = arith.constant 0 : i32
      %dma_start3A_8 = arith.constant 0 : i32
      %dma_start3A_9 = tpu.memref_slice %arg3[%add3A, %dma_start3A, %dma_start3A_8] : memref<32x16x128xi32, #tpu.memory_space<hbm>> -> memref<1x16x128xi32, #tpu.memory_space<hbm>>
      %dma_start3A_10 = tpu.memref_squeeze %dma_start3A_9 : memref<1x16x128xi32, #tpu.memory_space<hbm>> -> memref<16x128xi32, #tpu.memory_space<hbm>>
      %dma_start3A_11 = arith.constant 0 : i32
      %dma_start3A_12 = arith.constant 0 : i32
      %dma_start3A_13 = tpu.memref_slice %arg3[%add3A, %dma_start3A_11, %dma_start3A_12] : memref<32x16x128xi32, #tpu.memory_space<hbm>> -> memref<1x16x128xi32, #tpu.memory_space<hbm>>
      %dma_start3A_14 = tpu.memref_squeeze %dma_start3A_13 : memref<1x16x128xi32, #tpu.memory_space<hbm>> -> memref<16x128xi32, #tpu.memory_space<hbm>>
      tpu.enqueue_dma source(%dma_start3A_14 : memref<16x128xi32, #tpu.memory_space<hbm>>) target(%arg5 : memref<16x128xi32, #tpu.memory_space<vmem>>) target_semaphore(%run_scoped3A : memref<!tpu.dma_semaphore, #tpu.memory_space<semaphore_mem>>)
      %dma_wait3A = arith.constant 0 : i32
      %dma_wait3A_15 = arith.constant 0 : i32
      %dma_wait3A_16 = tpu.memref_slice %arg3[%add3A, %dma_wait3A, %dma_wait3A_15] : memref<32x16x128xi32, #tpu.memory_space<hbm>> -> memref<1x16x128xi32, #tpu.memory_space<hbm>>
      %dma_wait3A_17 = tpu.memref_squeeze %dma_wait3A_16 : memref<1x16x128xi32, #tpu.memory_space<hbm>> -> memref<16x128xi32, #tpu.memory_space<hbm>>
      %dma_wait3A_18 = arith.constant 0 : i32
      %dma_wait3A_19 = arith.constant 0 : i32
      %dma_wait3A_20 = tpu.memref_slice %arg3[%add3A, %dma_wait3A_18, %dma_wait3A_19] : memref<32x16x128xi32, #tpu.memory_space<hbm>> -> memref<1x16x128xi32, #tpu.memory_space<hbm>>
      %dma_wait3A_21 = tpu.memref_squeeze %dma_wait3A_20 : memref<1x16x128xi32, #tpu.memory_space<hbm>> -> memref<16x128xi32, #tpu.memory_space<hbm>>
      tpu.wait_dma2 semaphore(%run_scoped3A : memref<!tpu.dma_semaphore, #tpu.memory_space<semaphore_mem>>) src(%dma_wait3A_21 : memref<16x128xi32, #tpu.memory_space<hbm>>) dst(%arg5 : memref<16x128xi32, #tpu.memory_space<vmem>>)
      tpu.yield
    }) : () -> ()
    %scan3A = arith.constant 0 : i32
    %scan3A_3 = arith.constant 0 : i32
    %scan3A_4 = arith.constant 16 : i32
    %scan3A_5 = arith.addi %scan3A_3, %scan3A_4 : i32
    %scan3A_6 = arith.constant 1 : i32
    scf.for %scan3A_8 = %scan3A_3 to %scan3A_5 step %scan3A_6  : i32 {
      %dma_start3A = arith.constant 0 : i32
      %dma_start3A_9 = tpu.memref_slice %arg5[%scan3A_8, %dma_start3A] : memref<16x128xi32, #tpu.memory_space<vmem>> -> memref<1x128xi32, #tpu.memory_space<vmem>>
      %dma_start3A_10 = tpu.memref_squeeze %dma_start3A_9 : memref<1x128xi32, #tpu.memory_space<vmem>> -> memref<128xi32, #tpu.memory_space<vmem>>
      %dma_start3A_11 = arith.constant 0 : i32
      %dma_start3A_12 = arith.constant 0 : i32
      %dma_start3A_13 = tpu.memref_slice %arg2[%dma_start3A_11, %dma_start3A_12] : memref<16384x128xf32, #tpu.memory_space<hbm>> -> memref<16384x128xf32, #tpu.memory_space<hbm>>
      tpu.enqueue_indirect_dma source(%dma_start3A_13 : memref<16384x128xf32, #tpu.memory_space<hbm>>) target(%arg6 : memref<128x128xf32, #tpu.memory_space<vmem>>) offsets(%dma_start3A_10 : memref<128xi32, #tpu.memory_space<vmem>>) semaphore(%arg7 : memref<!tpu.dma_semaphore, #tpu.memory_space<semaphore_mem>>)
      %dma_wait3A = arith.constant 0 : i32
      %dma_wait3A_14 = tpu.memref_slice %arg5[%scan3A_8, %dma_wait3A] : memref<16x128xi32, #tpu.memory_space<vmem>> -> memref<1x128xi32, #tpu.memory_space<vmem>>
      %dma_wait3A_15 = tpu.memref_squeeze %dma_wait3A_14 : memref<1x128xi32, #tpu.memory_space<vmem>> -> memref<128xi32, #tpu.memory_space<vmem>>
      %dma_wait3A_16 = arith.constant 0 : i32
      %dma_wait3A_17 = arith.constant 0 : i32
      %dma_wait3A_18 = tpu.memref_slice %arg2[%dma_wait3A_16, %dma_wait3A_17] : memref<16384x128xf32, #tpu.memory_space<hbm>> -> memref<16384x128xf32, #tpu.memory_space<hbm>>
      tpu.wait_indirect_dma semaphore(%arg7 : memref<!tpu.dma_semaphore, #tpu.memory_space<semaphore_mem>>) src(%dma_wait3A_18 : memref<16384x128xf32, #tpu.memory_space<hbm>>) dst(%arg6 : memref<128x128xf32, #tpu.memory_space<vmem>>)
      %mul3A_19 = arith.constant 128 : i32
      %mul3A_20 = arith.muli %scan3A_8, %mul3A_19 : i32
      %add3A_21 = arith.addi %mul3A_2, %mul3A_20 : i32
      "tpu.region"() ({
        %run_scoped3A = tpu.sem_alloc : memref<!tpu.dma_semaphore, #tpu.memory_space<semaphore_mem>>
        %dma_start3A_22 = arith.constant 0 : i32
        %dma_start3A_23 = tpu.memref_slice %arg4[%add3A_21, %dma_start3A_22] : memref<65536x128xf32, #tpu.memory_space<hbm>> -> memref<128x128xf32, #tpu.memory_space<hbm>>
        %dma_start3A_24 = arith.constant 0 : i32
        %dma_start3A_25 = tpu.memref_slice %arg4[%add3A_21, %dma_start3A_24] : memref<65536x128xf32, #tpu.memory_space<hbm>> -> memref<128x128xf32, #tpu.memory_space<hbm>>
        tpu.enqueue_dma source(%arg6 : memref<128x128xf32, #tpu.memory_space<vmem>>) target(%dma_start3A_25 : memref<128x128xf32, #tpu.memory_space<hbm>>) target_semaphore(%run_scoped3A : memref<!tpu.dma_semaphore, #tpu.memory_space<semaphore_mem>>)
        %dma_wait3A_26 = arith.constant 0 : i32
        %dma_wait3A_27 = tpu.memref_slice %arg4[%add3A_21, %dma_wait3A_26] : memref<65536x128xf32, #tpu.memory_space<hbm>> -> memref<128x128xf32, #tpu.memory_space<hbm>>
        %dma_wait3A_28 = arith.constant 0 : i32
        %dma_wait3A_29 = tpu.memref_slice %arg4[%add3A_21, %dma_wait3A_28] : memref<65536x128xf32, #tpu.memory_space<hbm>> -> memref<128x128xf32, #tpu.memory_space<hbm>>
        tpu.wait_dma2 semaphore(%run_scoped3A : memref<!tpu.dma_semaphore, #tpu.memory_space<semaphore_mem>>) src(%arg6 : memref<128x128xf32, #tpu.memory_space<vmem>>) dst(%dma_wait3A_29 : memref<128x128xf32, #tpu.memory_space<hbm>>)
        tpu.yield
      }) : () -> ()
    }
    %scan3A_7 = arith.constant 16 : i32
    return
  }
}

#map = affine_map<(d0, d1) -> (0, 0)>
#map1 = affine_map<(d0, d1) -> (0, 0, 0)>
module attributes {stable_mosaic.version = 14 : i64} {
  func.func @_sc_gather_body(%arg0: i32, %arg1: i32, %arg2: memref<16384x128xf32, #tpu.memory_space<hbm>>, %arg3: memref<32x16x128xi32, #tpu.memory_space<hbm>>, %arg4: memref<65536x128xf32, #tpu.memory_space<hbm>>, %arg5: memref<16x128xi32, #tpu.memory_space<vmem>>, %arg6: memref<128x128xf32, #tpu.memory_space<vmem>>, %arg7: memref<!tpu.dma_semaphore, #tpu.memory_space<semaphore_mem>>) attributes {dimension_semantics = [#tpu.dimension_semantics<core_parallel>, #tpu.dimension_semantics<subcore_parallel>], iteration_bounds = array<i64: 2, 16>, scalar_prefetch = 0 : i64, scratch_operands = 3 : i64, tpu.core_type = #tpu.core_type<sc_vector_subcore>, window_params = [{transform_indices = #map}, {transform_indices = #map1}, {transform_indices = #map}]} {
    %mul3A = arith.constant 2 : i32
    %mul3A_0 = arith.muli %arg1, %mul3A : i32
    %add3A = arith.addi %mul3A_0, %arg0 : i32
    %mul3A_1 = arith.constant 2048 : i32
    %mul3A_2 = arith.muli %add3A, %mul3A_1 : i32
    "tpu.region"() ({
      %run_scoped3A = tpu.sem_alloc : memref<!tpu.dma_semaphore, #tpu.memory_space<semaphore_mem>>
      %dma_start3A = arith.constant 0 : i32
      %dma_start3A_8 = arith.constant 0 : i32
      %dma_start3A_9 = tpu.memref_slice %arg3[%add3A, %dma_start3A, %dma_start3A_8] : memref<32x16x128xi32, #tpu.memory_space<hbm>> -> memref<1x16x128xi32, #tpu.memory_space<hbm>>
      %dma_start3A_10 = tpu.memref_squeeze %dma_start3A_9 : memref<1x16x128xi32, #tpu.memory_space<hbm>> -> memref<16x128xi32, #tpu.memory_space<hbm>>
      %dma_start3A_11 = arith.constant 0 : i32
      %dma_start3A_12 = arith.constant 0 : i32
      %dma_start3A_13 = tpu.memref_slice %arg3[%add3A, %dma_start3A_11, %dma_start3A_12] : memref<32x16x128xi32, #tpu.memory_space<hbm>> -> memref<1x16x128xi32, #tpu.memory_space<hbm>>
      %dma_start3A_14 = tpu.memref_squeeze %dma_start3A_13 : memref<1x16x128xi32, #tpu.memory_space<hbm>> -> memref<16x128xi32, #tpu.memory_space<hbm>>
      tpu.enqueue_dma source(%dma_start3A_14 : memref<16x128xi32, #tpu.memory_space<hbm>>) target(%arg5 : memref<16x128xi32, #tpu.memory_space<vmem>>) target_semaphore(%run_scoped3A : memref<!tpu.dma_semaphore, #tpu.memory_space<semaphore_mem>>)
      %dma_wait3A = arith.constant 0 : i32
      %dma_wait3A_15 = arith.constant 0 : i32
      %dma_wait3A_16 = tpu.memref_slice %arg3[%add3A, %dma_wait3A, %dma_wait3A_15] : memref<32x16x128xi32, #tpu.memory_space<hbm>> -> memref<1x16x128xi32, #tpu.memory_space<hbm>>
      %dma_wait3A_17 = tpu.memref_squeeze %dma_wait3A_16 : memref<1x16x128xi32, #tpu.memory_space<hbm>> -> memref<16x128xi32, #tpu.memory_space<hbm>>
      %dma_wait3A_18 = arith.constant 0 : i32
      %dma_wait3A_19 = arith.constant 0 : i32
      %dma_wait3A_20 = tpu.memref_slice %arg3[%add3A, %dma_wait3A_18, %dma_wait3A_19] : memref<32x16x128xi32, #tpu.memory_space<hbm>> -> memref<1x16x128xi32, #tpu.memory_space<hbm>>
      %dma_wait3A_21 = tpu.memref_squeeze %dma_wait3A_20 : memref<1x16x128xi32, #tpu.memory_space<hbm>> -> memref<16x128xi32, #tpu.memory_space<hbm>>
      tpu.wait_dma2 semaphore(%run_scoped3A : memref<!tpu.dma_semaphore, #tpu.memory_space<semaphore_mem>>) src(%dma_wait3A_21 : memref<16x128xi32, #tpu.memory_space<hbm>>) dst(%arg5 : memref<16x128xi32, #tpu.memory_space<vmem>>)
      tpu.yield
    }) : () -> ()
    %scan3A = arith.constant 0 : i32
    %scan3A_3 = arith.constant 0 : i32
    %scan3A_4 = arith.constant 16 : i32
    %scan3A_5 = arith.addi %scan3A_3, %scan3A_4 : i32
    %scan3A_6 = arith.constant 1 : i32
    scf.for %scan3A_8 = %scan3A_3 to %scan3A_5 step %scan3A_6  : i32 {
      %dma_start3A = arith.constant 0 : i32
      %dma_start3A_9 = tpu.memref_slice %arg5[%scan3A_8, %dma_start3A] : memref<16x128xi32, #tpu.memory_space<vmem>> -> memref<1x128xi32, #tpu.memory_space<vmem>>
      %dma_start3A_10 = tpu.memref_squeeze %dma_start3A_9 : memref<1x128xi32, #tpu.memory_space<vmem>> -> memref<128xi32, #tpu.memory_space<vmem>>
      %dma_start3A_11 = arith.constant 0 : i32
      %dma_start3A_12 = arith.constant 0 : i32
      %dma_start3A_13 = tpu.memref_slice %arg2[%dma_start3A_11, %dma_start3A_12] : memref<16384x128xf32, #tpu.memory_space<hbm>> -> memref<16384x128xf32, #tpu.memory_space<hbm>>
      tpu.enqueue_indirect_dma source(%dma_start3A_13 : memref<16384x128xf32, #tpu.memory_space<hbm>>) target(%arg6 : memref<128x128xf32, #tpu.memory_space<vmem>>) offsets(%dma_start3A_10 : memref<128xi32, #tpu.memory_space<vmem>>) semaphore(%arg7 : memref<!tpu.dma_semaphore, #tpu.memory_space<semaphore_mem>>)
      %dma_wait3A = arith.constant 0 : i32
      %dma_wait3A_14 = tpu.memref_slice %arg5[%scan3A_8, %dma_wait3A] : memref<16x128xi32, #tpu.memory_space<vmem>> -> memref<1x128xi32, #tpu.memory_space<vmem>>
      %dma_wait3A_15 = tpu.memref_squeeze %dma_wait3A_14 : memref<1x128xi32, #tpu.memory_space<vmem>> -> memref<128xi32, #tpu.memory_space<vmem>>
      %dma_wait3A_16 = arith.constant 0 : i32
      %dma_wait3A_17 = arith.constant 0 : i32
      %dma_wait3A_18 = tpu.memref_slice %arg2[%dma_wait3A_16, %dma_wait3A_17] : memref<16384x128xf32, #tpu.memory_space<hbm>> -> memref<16384x128xf32, #tpu.memory_space<hbm>>
      tpu.wait_indirect_dma semaphore(%arg7 : memref<!tpu.dma_semaphore, #tpu.memory_space<semaphore_mem>>) src(%dma_wait3A_18 : memref<16384x128xf32, #tpu.memory_space<hbm>>) dst(%arg6 : memref<128x128xf32, #tpu.memory_space<vmem>>)
      %mul3A_19 = arith.constant 128 : i32
      %mul3A_20 = arith.muli %scan3A_8, %mul3A_19 : i32
      %add3A_21 = arith.addi %mul3A_2, %mul3A_20 : i32
      "tpu.region"() ({
        %run_scoped3A = tpu.sem_alloc : memref<!tpu.dma_semaphore, #tpu.memory_space<semaphore_mem>>
        %dma_start3A_22 = arith.constant 0 : i32
        %dma_start3A_23 = tpu.memref_slice %arg4[%add3A_21, %dma_start3A_22] : memref<65536x128xf32, #tpu.memory_space<hbm>> -> memref<128x128xf32, #tpu.memory_space<hbm>>
        %dma_start3A_24 = arith.constant 0 : i32
        %dma_start3A_25 = tpu.memref_slice %arg4[%add3A_21, %dma_start3A_24] : memref<65536x128xf32, #tpu.memory_space<hbm>> -> memref<128x128xf32, #tpu.memory_space<hbm>>
        tpu.enqueue_dma source(%arg6 : memref<128x128xf32, #tpu.memory_space<vmem>>) target(%dma_start3A_25 : memref<128x128xf32, #tpu.memory_space<hbm>>) target_semaphore(%run_scoped3A : memref<!tpu.dma_semaphore, #tpu.memory_space<semaphore_mem>>)
        %dma_wait3A_26 = arith.constant 0 : i32
        %dma_wait3A_27 = tpu.memref_slice %arg4[%add3A_21, %dma_wait3A_26] : memref<65536x128xf32, #tpu.memory_space<hbm>> -> memref<128x128xf32, #tpu.memory_space<hbm>>
        %dma_wait3A_28 = arith.constant 0 : i32
        %dma_wait3A_29 = tpu.memref_slice %arg4[%add3A_21, %dma_wait3A_28] : memref<65536x128xf32, #tpu.memory_space<hbm>> -> memref<128x128xf32, #tpu.memory_space<hbm>>
        tpu.wait_dma2 semaphore(%run_scoped3A : memref<!tpu.dma_semaphore, #tpu.memory_space<semaphore_mem>>) src(%arg6 : memref<128x128xf32, #tpu.memory_space<vmem>>) dst(%dma_wait3A_29 : memref<128x128xf32, #tpu.memory_space<hbm>>)
        tpu.yield
      }) : () -> ()
    }
    %scan3A_7 = arith.constant 16 : i32
    return
  }
}

#map = affine_map<(d0, d1) -> (0, 0)>
#map1 = affine_map<(d0, d1) -> (0, 0, 0)>
module attributes {stable_mosaic.version = 14 : i64} {
  func.func @_sc_gather_body(%arg0: i32, %arg1: i32, %arg2: memref<16384x128xf32, #tpu.memory_space<hbm>>, %arg3: memref<32x16x128xi32, #tpu.memory_space<hbm>>, %arg4: memref<65536x128xf32, #tpu.memory_space<hbm>>, %arg5: memref<16x128xi32, #tpu.memory_space<vmem>>, %arg6: memref<128x128xf32, #tpu.memory_space<vmem>>, %arg7: memref<!tpu.dma_semaphore, #tpu.memory_space<semaphore_mem>>) attributes {dimension_semantics = [#tpu.dimension_semantics<core_parallel>, #tpu.dimension_semantics<subcore_parallel>], iteration_bounds = array<i64: 2, 16>, scalar_prefetch = 0 : i64, scratch_operands = 3 : i64, tpu.core_type = #tpu.core_type<sc_vector_subcore>, window_params = [{transform_indices = #map}, {transform_indices = #map1}, {transform_indices = #map}]} {
    %mul3A = arith.constant 2 : i32
    %mul3A_0 = arith.muli %arg1, %mul3A : i32
    %add3A = arith.addi %mul3A_0, %arg0 : i32
    %mul3A_1 = arith.constant 2048 : i32
    %mul3A_2 = arith.muli %add3A, %mul3A_1 : i32
    "tpu.region"() ({
      %run_scoped3A = tpu.sem_alloc : memref<!tpu.dma_semaphore, #tpu.memory_space<semaphore_mem>>
      %dma_start3A = arith.constant 0 : i32
      %dma_start3A_8 = arith.constant 0 : i32
      %dma_start3A_9 = tpu.memref_slice %arg3[%add3A, %dma_start3A, %dma_start3A_8] : memref<32x16x128xi32, #tpu.memory_space<hbm>> -> memref<1x16x128xi32, #tpu.memory_space<hbm>>
      %dma_start3A_10 = tpu.memref_squeeze %dma_start3A_9 : memref<1x16x128xi32, #tpu.memory_space<hbm>> -> memref<16x128xi32, #tpu.memory_space<hbm>>
      %dma_start3A_11 = arith.constant 0 : i32
      %dma_start3A_12 = arith.constant 0 : i32
      %dma_start3A_13 = tpu.memref_slice %arg3[%add3A, %dma_start3A_11, %dma_start3A_12] : memref<32x16x128xi32, #tpu.memory_space<hbm>> -> memref<1x16x128xi32, #tpu.memory_space<hbm>>
      %dma_start3A_14 = tpu.memref_squeeze %dma_start3A_13 : memref<1x16x128xi32, #tpu.memory_space<hbm>> -> memref<16x128xi32, #tpu.memory_space<hbm>>
      tpu.enqueue_dma source(%dma_start3A_14 : memref<16x128xi32, #tpu.memory_space<hbm>>) target(%arg5 : memref<16x128xi32, #tpu.memory_space<vmem>>) target_semaphore(%run_scoped3A : memref<!tpu.dma_semaphore, #tpu.memory_space<semaphore_mem>>)
      %dma_wait3A = arith.constant 0 : i32
      %dma_wait3A_15 = arith.constant 0 : i32
      %dma_wait3A_16 = tpu.memref_slice %arg3[%add3A, %dma_wait3A, %dma_wait3A_15] : memref<32x16x128xi32, #tpu.memory_space<hbm>> -> memref<1x16x128xi32, #tpu.memory_space<hbm>>
      %dma_wait3A_17 = tpu.memref_squeeze %dma_wait3A_16 : memref<1x16x128xi32, #tpu.memory_space<hbm>> -> memref<16x128xi32, #tpu.memory_space<hbm>>
      %dma_wait3A_18 = arith.constant 0 : i32
      %dma_wait3A_19 = arith.constant 0 : i32
      %dma_wait3A_20 = tpu.memref_slice %arg3[%add3A, %dma_wait3A_18, %dma_wait3A_19] : memref<32x16x128xi32, #tpu.memory_space<hbm>> -> memref<1x16x128xi32, #tpu.memory_space<hbm>>
      %dma_wait3A_21 = tpu.memref_squeeze %dma_wait3A_20 : memref<1x16x128xi32, #tpu.memory_space<hbm>> -> memref<16x128xi32, #tpu.memory_space<hbm>>
      tpu.wait_dma2 semaphore(%run_scoped3A : memref<!tpu.dma_semaphore, #tpu.memory_space<semaphore_mem>>) src(%dma_wait3A_21 : memref<16x128xi32, #tpu.memory_space<hbm>>) dst(%arg5 : memref<16x128xi32, #tpu.memory_space<vmem>>)
      tpu.yield
    }) : () -> ()
    %scan3A = arith.constant 0 : i32
    %scan3A_3 = arith.constant 0 : i32
    %scan3A_4 = arith.constant 16 : i32
    %scan3A_5 = arith.addi %scan3A_3, %scan3A_4 : i32
    %scan3A_6 = arith.constant 1 : i32
    scf.for %scan3A_8 = %scan3A_3 to %scan3A_5 step %scan3A_6  : i32 {
      %dma_start3A = arith.constant 0 : i32
      %dma_start3A_9 = tpu.memref_slice %arg5[%scan3A_8, %dma_start3A] : memref<16x128xi32, #tpu.memory_space<vmem>> -> memref<1x128xi32, #tpu.memory_space<vmem>>
      %dma_start3A_10 = tpu.memref_squeeze %dma_start3A_9 : memref<1x128xi32, #tpu.memory_space<vmem>> -> memref<128xi32, #tpu.memory_space<vmem>>
      %dma_start3A_11 = arith.constant 0 : i32
      %dma_start3A_12 = arith.constant 0 : i32
      %dma_start3A_13 = tpu.memref_slice %arg2[%dma_start3A_11, %dma_start3A_12] : memref<16384x128xf32, #tpu.memory_space<hbm>> -> memref<16384x128xf32, #tpu.memory_space<hbm>>
      tpu.enqueue_indirect_dma source(%dma_start3A_13 : memref<16384x128xf32, #tpu.memory_space<hbm>>) target(%arg6 : memref<128x128xf32, #tpu.memory_space<vmem>>) offsets(%dma_start3A_10 : memref<128xi32, #tpu.memory_space<vmem>>) semaphore(%arg7 : memref<!tpu.dma_semaphore, #tpu.memory_space<semaphore_mem>>)
      %dma_wait3A = arith.constant 0 : i32
      %dma_wait3A_14 = tpu.memref_slice %arg5[%scan3A_8, %dma_wait3A] : memref<16x128xi32, #tpu.memory_space<vmem>> -> memref<1x128xi32, #tpu.memory_space<vmem>>
      %dma_wait3A_15 = tpu.memref_squeeze %dma_wait3A_14 : memref<1x128xi32, #tpu.memory_space<vmem>> -> memref<128xi32, #tpu.memory_space<vmem>>
      %dma_wait3A_16 = arith.constant 0 : i32
      %dma_wait3A_17 = arith.constant 0 : i32
      %dma_wait3A_18 = tpu.memref_slice %arg2[%dma_wait3A_16, %dma_wait3A_17] : memref<16384x128xf32, #tpu.memory_space<hbm>> -> memref<16384x128xf32, #tpu.memory_space<hbm>>
      tpu.wait_indirect_dma semaphore(%arg7 : memref<!tpu.dma_semaphore, #tpu.memory_space<semaphore_mem>>) src(%dma_wait3A_18 : memref<16384x128xf32, #tpu.memory_space<hbm>>) dst(%arg6 : memref<128x128xf32, #tpu.memory_space<vmem>>)
      %mul3A_19 = arith.constant 128 : i32
      %mul3A_20 = arith.muli %scan3A_8, %mul3A_19 : i32
      %add3A_21 = arith.addi %mul3A_2, %mul3A_20 : i32
      "tpu.region"() ({
        %run_scoped3A = tpu.sem_alloc : memref<!tpu.dma_semaphore, #tpu.memory_space<semaphore_mem>>
        %dma_start3A_22 = arith.constant 0 : i32
        %dma_start3A_23 = tpu.memref_slice %arg4[%add3A_21, %dma_start3A_22] : memref<65536x128xf32, #tpu.memory_space<hbm>> -> memref<128x128xf32, #tpu.memory_space<hbm>>
        %dma_start3A_24 = arith.constant 0 : i32
        %dma_start3A_25 = tpu.memref_slice %arg4[%add3A_21, %dma_start3A_24] : memref<65536x128xf32, #tpu.memory_space<hbm>> -> memref<128x128xf32, #tpu.memory_space<hbm>>
        tpu.enqueue_dma source(%arg6 : memref<128x128xf32, #tpu.memory_space<vmem>>) target(%dma_start3A_25 : memref<128x128xf32, #tpu.memory_space<hbm>>) target_semaphore(%run_scoped3A : memref<!tpu.dma_semaphore, #tpu.memory_space<semaphore_mem>>)
        %dma_wait3A_26 = arith.constant 0 : i32
        %dma_wait3A_27 = tpu.memref_slice %arg4[%add3A_21, %dma_wait3A_26] : memref<65536x128xf32, #tpu.memory_space<hbm>> -> memref<128x128xf32, #tpu.memory_space<hbm>>
        %dma_wait3A_28 = arith.constant 0 : i32
        %dma_wait3A_29 = tpu.memref_slice %arg4[%add3A_21, %dma_wait3A_28] : memref<65536x128xf32, #tpu.memory_space<hbm>> -> memref<128x128xf32, #tpu.memory_space<hbm>>
        tpu.wait_dma2 semaphore(%run_scoped3A : memref<!tpu.dma_semaphore, #tpu.memory_space<semaphore_mem>>) src(%arg6 : memref<128x128xf32, #tpu.memory_space<vmem>>) dst(%dma_wait3A_29 : memref<128x128xf32, #tpu.memory_space<hbm>>)
        tpu.yield
      }) : () -> ()
    }
    %scan3A_7 = arith.constant 16 : i32
    return
  }
}

module attributes {stable_mosaic.version = 14 : i64} {
  func.func @_xyz_table_body(%arg0: i32, %arg1: memref<1x4096x48xf32, #tpu.memory_space<vmem>>, %arg2: memref<1x4096x8xf32, #tpu.memory_space<vmem>>) attributes {dimension_semantics = [#tpu.dimension_semantics<arbitrary>], iteration_bounds = array<i64: 4>, scalar_prefetch = 0 : i64, scratch_operands = 0 : i64, tpu.core_type = #tpu.core_type<tc>, window_params = [{transform_indices = @transform_0, window_bounds = array<i64: 1, 4096, 48>}, {transform_indices = @transform_1, window_bounds = array<i64: 1, 4096, 8>}]} {
    %get3A = arith.constant 0 : index
    %get3A_0 = arith.constant 0 : index
    %get3A_1 = arith.constant 0 : index
    %get3A_2 = vector.load %arg1[%get3A, %get3A_0, %get3A_1] : memref<1x4096x48xf32, #tpu.memory_space<vmem>>, vector<1x4096x48xf32>
    %get3A_3 = vector.shape_cast %get3A_2 : vector<1x4096x48xf32> to vector<4096x48xf32>
    %slice3A = vector.extract_strided_slice %get3A_3 {offsets = [0, 0], sizes = [4096, 1], strides = [1, 1]} : vector<4096x48xf32> to vector<4096x1xf32>
    %slice3A_4 = vector.extract_strided_slice %get3A_3 {offsets = [0, 3], sizes = [4096, 1], strides = [1, 1]} : vector<4096x48xf32> to vector<4096x1xf32>
    %add3A = arith.addf %slice3A, %slice3A_4 : vector<4096x1xf32>
    %slice3A_5 = vector.extract_strided_slice %get3A_3 {offsets = [0, 6], sizes = [4096, 1], strides = [1, 1]} : vector<4096x48xf32> to vector<4096x1xf32>
    %add3A_6 = arith.addf %add3A, %slice3A_5 : vector<4096x1xf32>
    %slice3A_7 = vector.extract_strided_slice %get3A_3 {offsets = [0, 9], sizes = [4096, 1], strides = [1, 1]} : vector<4096x48xf32> to vector<4096x1xf32>
    %add3A_8 = arith.addf %add3A_6, %slice3A_7 : vector<4096x1xf32>
    %slice3A_9 = vector.extract_strided_slice %get3A_3 {offsets = [0, 12], sizes = [4096, 1], strides = [1, 1]} : vector<4096x48xf32> to vector<4096x1xf32>
    %add3A_10 = arith.addf %add3A_8, %slice3A_9 : vector<4096x1xf32>
    %slice3A_11 = vector.extract_strided_slice %get3A_3 {offsets = [0, 15], sizes = [4096, 1], strides = [1, 1]} : vector<4096x48xf32> to vector<4096x1xf32>
    %add3A_12 = arith.addf %add3A_10, %slice3A_11 : vector<4096x1xf32>
    %slice3A_13 = vector.extract_strided_slice %get3A_3 {offsets = [0, 18], sizes = [4096, 1], strides = [1, 1]} : vector<4096x48xf32> to vector<4096x1xf32>
    %add3A_14 = arith.addf %add3A_12, %slice3A_13 : vector<4096x1xf32>
    %slice3A_15 = vector.extract_strided_slice %get3A_3 {offsets = [0, 21], sizes = [4096, 1], strides = [1, 1]} : vector<4096x48xf32> to vector<4096x1xf32>
    %add3A_16 = arith.addf %add3A_14, %slice3A_15 : vector<4096x1xf32>
    %slice3A_17 = vector.extract_strided_slice %get3A_3 {offsets = [0, 24], sizes = [4096, 1], strides = [1, 1]} : vector<4096x48xf32> to vector<4096x1xf32>
    %add3A_18 = arith.addf %add3A_16, %slice3A_17 : vector<4096x1xf32>
    %slice3A_19 = vector.extract_strided_slice %get3A_3 {offsets = [0, 27], sizes = [4096, 1], strides = [1, 1]} : vector<4096x48xf32> to vector<4096x1xf32>
    %add3A_20 = arith.addf %add3A_18, %slice3A_19 : vector<4096x1xf32>
    %slice3A_21 = vector.extract_strided_slice %get3A_3 {offsets = [0, 30], sizes = [4096, 1], strides = [1, 1]} : vector<4096x48xf32> to vector<4096x1xf32>
    %add3A_22 = arith.addf %add3A_20, %slice3A_21 : vector<4096x1xf32>
    %slice3A_23 = vector.extract_strided_slice %get3A_3 {offsets = [0, 33], sizes = [4096, 1], strides = [1, 1]} : vector<4096x48xf32> to vector<4096x1xf32>
    %add3A_24 = arith.addf %add3A_22, %slice3A_23 : vector<4096x1xf32>
    %slice3A_25 = vector.extract_strided_slice %get3A_3 {offsets = [0, 36], sizes = [4096, 1], strides = [1, 1]} : vector<4096x48xf32> to vector<4096x1xf32>
    %add3A_26 = arith.addf %add3A_24, %slice3A_25 : vector<4096x1xf32>
    %slice3A_27 = vector.extract_strided_slice %get3A_3 {offsets = [0, 39], sizes = [4096, 1], strides = [1, 1]} : vector<4096x48xf32> to vector<4096x1xf32>
    %add3A_28 = arith.addf %add3A_26, %slice3A_27 : vector<4096x1xf32>
    %slice3A_29 = vector.extract_strided_slice %get3A_3 {offsets = [0, 42], sizes = [4096, 1], strides = [1, 1]} : vector<4096x48xf32> to vector<4096x1xf32>
    %add3A_30 = arith.addf %add3A_28, %slice3A_29 : vector<4096x1xf32>
    %slice3A_31 = vector.extract_strided_slice %get3A_3 {offsets = [0, 45], sizes = [4096, 1], strides = [1, 1]} : vector<4096x48xf32> to vector<4096x1xf32>
    %add3A_32 = arith.addf %add3A_30, %slice3A_31 : vector<4096x1xf32>
    %mul3A = arith.constant 6.250000e-02 : f32
    %mul3A_33 = vector.broadcast %mul3A : f32 to vector<4096x1xf32>
    %mul3A_34 = arith.mulf %add3A_32, %mul3A_33 : vector<4096x1xf32>
    %slice3A_35 = vector.extract_strided_slice %get3A_3 {offsets = [0, 1], sizes = [4096, 1], strides = [1, 1]} : vector<4096x48xf32> to vector<4096x1xf32>
    %slice3A_36 = vector.extract_strided_slice %get3A_3 {offsets = [0, 4], sizes = [4096, 1], strides = [1, 1]} : vector<4096x48xf32> to vector<4096x1xf32>
    %add3A_37 = arith.addf %slice3A_35, %slice3A_36 : vector<4096x1xf32>
    %slice3A_38 = vector.extract_strided_slice %get3A_3 {offsets = [0, 7], sizes = [4096, 1], strides = [1, 1]} : vector<4096x48xf32> to vector<4096x1xf32>
    %add3A_39 = arith.addf %add3A_37, %slice3A_38 : vector<4096x1xf32>
    %slice3A_40 = vector.extract_strided_slice %get3A_3 {offsets = [0, 10], sizes = [4096, 1], strides = [1, 1]} : vector<4096x48xf32> to vector<4096x1xf32>
    %add3A_41 = arith.addf %add3A_39, %slice3A_40 : vector<4096x1xf32>
    %slice3A_42 = vector.extract_strided_slice %get3A_3 {offsets = [0, 13], sizes = [4096, 1], strides = [1, 1]} : vector<4096x48xf32> to vector<4096x1xf32>
    %add3A_43 = arith.addf %add3A_41, %slice3A_42 : vector<4096x1xf32>
    %slice3A_44 = vector.extract_strided_slice %get3A_3 {offsets = [0, 16], sizes = [4096, 1], strides = [1, 1]} : vector<4096x48xf32> to vector<4096x1xf32>
    %add3A_45 = arith.addf %add3A_43, %slice3A_44 : vector<4096x1xf32>
    %slice3A_46 = vector.extract_strided_slice %get3A_3 {offsets = [0, 19], sizes = [4096, 1], strides = [1, 1]} : vector<4096x48xf32> to vector<4096x1xf32>
    %add3A_47 = arith.addf %add3A_45, %slice3A_46 : vector<4096x1xf32>
    %slice3A_48 = vector.extract_strided_slice %get3A_3 {offsets = [0, 22], sizes = [4096, 1], strides = [1, 1]} : vector<4096x48xf32> to vector<4096x1xf32>
    %add3A_49 = arith.addf %add3A_47, %slice3A_48 : vector<4096x1xf32>
    %slice3A_50 = vector.extract_strided_slice %get3A_3 {offsets = [0, 25], sizes = [4096, 1], strides = [1, 1]} : vector<4096x48xf32> to vector<4096x1xf32>
    %add3A_51 = arith.addf %add3A_49, %slice3A_50 : vector<4096x1xf32>
    %slice3A_52 = vector.extract_strided_slice %get3A_3 {offsets = [0, 28], sizes = [4096, 1], strides = [1, 1]} : vector<4096x48xf32> to vector<4096x1xf32>
    %add3A_53 = arith.addf %add3A_51, %slice3A_52 : vector<4096x1xf32>
    %slice3A_54 = vector.extract_strided_slice %get3A_3 {offsets = [0, 31], sizes = [4096, 1], strides = [1, 1]} : vector<4096x48xf32> to vector<4096x1xf32>
    %add3A_55 = arith.addf %add3A_53, %slice3A_54 : vector<4096x1xf32>
    %slice3A_56 = vector.extract_strided_slice %get3A_3 {offsets = [0, 34], sizes = [4096, 1], strides = [1, 1]} : vector<4096x48xf32> to vector<4096x1xf32>
    %add3A_57 = arith.addf %add3A_55, %slice3A_56 : vector<4096x1xf32>
    %slice3A_58 = vector.extract_strided_slice %get3A_3 {offsets = [0, 37], sizes = [4096, 1], strides = [1, 1]} : vector<4096x48xf32> to vector<4096x1xf32>
    %add3A_59 = arith.addf %add3A_57, %slice3A_58 : vector<4096x1xf32>
    %slice3A_60 = vector.extract_strided_slice %get3A_3 {offsets = [0, 40], sizes = [4096, 1], strides = [1, 1]} : vector<4096x48xf32> to vector<4096x1xf32>
    %add3A_61 = arith.addf %add3A_59, %slice3A_60 : vector<4096x1xf32>
    %slice3A_62 = vector.extract_strided_slice %get3A_3 {offsets = [0, 43], sizes = [4096, 1], strides = [1, 1]} : vector<4096x48xf32> to vector<4096x1xf32>
    %add3A_63 = arith.addf %add3A_61, %slice3A_62 : vector<4096x1xf32>
    %slice3A_64 = vector.extract_strided_slice %get3A_3 {offsets = [0, 46], sizes = [4096, 1], strides = [1, 1]} : vector<4096x48xf32> to vector<4096x1xf32>
    %add3A_65 = arith.addf %add3A_63, %slice3A_64 : vector<4096x1xf32>
    %mul3A_66 = arith.constant 6.250000e-02 : f32
    %mul3A_67 = vector.broadcast %mul3A_66 : f32 to vector<4096x1xf32>
    %mul3A_68 = arith.mulf %add3A_65, %mul3A_67 : vector<4096x1xf32>
    %slice3A_69 = vector.extract_strided_slice %get3A_3 {offsets = [0, 2], sizes = [4096, 1], strides = [1, 1]} : vector<4096x48xf32> to vector<4096x1xf32>
    %slice3A_70 = vector.extract_strided_slice %get3A_3 {offsets = [0, 5], sizes = [4096, 1], strides = [1, 1]} : vector<4096x48xf32> to vector<4096x1xf32>
    %add3A_71 = arith.addf %slice3A_69, %slice3A_70 : vector<4096x1xf32>
    %slice3A_72 = vector.extract_strided_slice %get3A_3 {offsets = [0, 8], sizes = [4096, 1], strides = [1, 1]} : vector<4096x48xf32> to vector<4096x1xf32>
    %add3A_73 = arith.addf %add3A_71, %slice3A_72 : vector<4096x1xf32>
    %slice3A_74 = vector.extract_strided_slice %get3A_3 {offsets = [0, 11], sizes = [4096, 1], strides = [1, 1]} : vector<4096x48xf32> to vector<4096x1xf32>
    %add3A_75 = arith.addf %add3A_73, %slice3A_74 : vector<4096x1xf32>
    %slice3A_76 = vector.extract_strided_slice %get3A_3 {offsets = [0, 14], sizes = [4096, 1], strides = [1, 1]} : vector<4096x48xf32> to vector<4096x1xf32>
    %add3A_77 = arith.addf %add3A_75, %slice3A_76 : vector<4096x1xf32>
    %slice3A_78 = vector.extract_strided_slice %get3A_3 {offsets = [0, 17], sizes = [4096, 1], strides = [1, 1]} : vector<4096x48xf32> to vector<4096x1xf32>
    %add3A_79 = arith.addf %add3A_77, %slice3A_78 : vector<4096x1xf32>
    %slice3A_80 = vector.extract_strided_slice %get3A_3 {offsets = [0, 20], sizes = [4096, 1], strides = [1, 1]} : vector<4096x48xf32> to vector<4096x1xf32>
    %add3A_81 = arith.addf %add3A_79, %slice3A_80 : vector<4096x1xf32>
    %slice3A_82 = vector.extract_strided_slice %get3A_3 {offsets = [0, 23], sizes = [4096, 1], strides = [1, 1]} : vector<4096x48xf32> to vector<4096x1xf32>
    %add3A_83 = arith.addf %add3A_81, %slice3A_82 : vector<4096x1xf32>
    %slice3A_84 = vector.extract_strided_slice %get3A_3 {offsets = [0, 26], sizes = [4096, 1], strides = [1, 1]} : vector<4096x48xf32> to vector<4096x1xf32>
    %add3A_85 = arith.addf %add3A_83, %slice3A_84 : vector<4096x1xf32>
    %slice3A_86 = vector.extract_strided_slice %get3A_3 {offsets = [0, 29], sizes = [4096, 1], strides = [1, 1]} : vector<4096x48xf32> to vector<4096x1xf32>
    %add3A_87 = arith.addf %add3A_85, %slice3A_86 : vector<4096x1xf32>
    %slice3A_88 = vector.extract_strided_slice %get3A_3 {offsets = [0, 32], sizes = [4096, 1], strides = [1, 1]} : vector<4096x48xf32> to vector<4096x1xf32>
    %add3A_89 = arith.addf %add3A_87, %slice3A_88 : vector<4096x1xf32>
    %slice3A_90 = vector.extract_strided_slice %get3A_3 {offsets = [0, 35], sizes = [4096, 1], strides = [1, 1]} : vector<4096x48xf32> to vector<4096x1xf32>
    %add3A_91 = arith.addf %add3A_89, %slice3A_90 : vector<4096x1xf32>
    %slice3A_92 = vector.extract_strided_slice %get3A_3 {offsets = [0, 38], sizes = [4096, 1], strides = [1, 1]} : vector<4096x48xf32> to vector<4096x1xf32>
    %add3A_93 = arith.addf %add3A_91, %slice3A_92 : vector<4096x1xf32>
    %slice3A_94 = vector.extract_strided_slice %get3A_3 {offsets = [0, 41], sizes = [4096, 1], strides = [1, 1]} : vector<4096x48xf32> to vector<4096x1xf32>
    %add3A_95 = arith.addf %add3A_93, %slice3A_94 : vector<4096x1xf32>
    %slice3A_96 = vector.extract_strided_slice %get3A_3 {offsets = [0, 44], sizes = [4096, 1], strides = [1, 1]} : vector<4096x48xf32> to vector<4096x1xf32>
    %add3A_97 = arith.addf %add3A_95, %slice3A_96 : vector<4096x1xf32>
    %slice3A_98 = vector.extract_strided_slice %get3A_3 {offsets = [0, 47], sizes = [4096, 1], strides = [1, 1]} : vector<4096x48xf32> to vector<4096x1xf32>
    %add3A_99 = arith.addf %add3A_97, %slice3A_98 : vector<4096x1xf32>
    %mul3A_100 = arith.constant 6.250000e-02 : f32
    %mul3A_101 = vector.broadcast %mul3A_100 : f32 to vector<4096x1xf32>
    %mul3A_102 = arith.mulf %add3A_99, %mul3A_101 : vector<4096x1xf32>
    %mul3A_103 = arith.mulf %mul3A_34, %mul3A_34 : vector<4096x1xf32>
    %mul3A_104 = arith.mulf %mul3A_68, %mul3A_68 : vector<4096x1xf32>
    %add3A_105 = arith.addf %mul3A_103, %mul3A_104 : vector<4096x1xf32>
    %mul3A_106 = arith.mulf %mul3A_102, %mul3A_102 : vector<4096x1xf32>
    %add3A_107 = arith.addf %add3A_105, %mul3A_106 : vector<4096x1xf32>
    %convert_element_type3A = arith.truncf %mul3A_34 : vector<4096x1xf32> to vector<4096x1xbf16>
    %convert_element_type3A_108 = arith.extf %convert_element_type3A : vector<4096x1xbf16> to vector<4096x1xf32>
    %convert_element_type3A_109 = arith.truncf %mul3A_68 : vector<4096x1xf32> to vector<4096x1xbf16>
    %convert_element_type3A_110 = arith.extf %convert_element_type3A_109 : vector<4096x1xbf16> to vector<4096x1xf32>
    %convert_element_type3A_111 = arith.truncf %mul3A_102 : vector<4096x1xf32> to vector<4096x1xbf16>
    %convert_element_type3A_112 = arith.extf %convert_element_type3A_111 : vector<4096x1xbf16> to vector<4096x1xf32>
    %broadcast_in_dim3A = arith.constant 0.000000e+00 : f32
    %broadcast_in_dim3A_113 = vector.broadcast %broadcast_in_dim3A : f32 to vector<4096x4xf32>
    %concatenate3A = tpu.concatenate %convert_element_type3A_108, %convert_element_type3A_110, %convert_element_type3A_112, %add3A_107, %broadcast_in_dim3A_113 in 1 : vector<4096x1xf32>, vector<4096x1xf32>, vector<4096x1xf32>, vector<4096x1xf32>, vector<4096x4xf32> -> vector<4096x8xf32>
    %swap3A = arith.constant 0 : index
    %swap3A_114 = arith.constant 0 : index
    %swap3A_115 = arith.constant 0 : index
    %swap3A_116 = vector.load %arg2[%swap3A, %swap3A_114, %swap3A_115] : memref<1x4096x8xf32, #tpu.memory_space<vmem>>, vector<1x4096x8xf32>
    %swap3A_117 = vector.shape_cast %swap3A_116 : vector<1x4096x8xf32> to vector<4096x8xf32>
    %swap3A_118 = vector.shape_cast %concatenate3A : vector<4096x8xf32> to vector<1x4096x8xf32>
    tpu.vector_store %arg2[%swap3A, %swap3A_114, %swap3A_115], %swap3A_118 {strides = array<i32>} : memref<1x4096x8xf32, #tpu.memory_space<vmem>>, vector<1x4096x8xf32>,
    return
  }
  func.func @transform_0(%arg0: i32) -> (i32, i32, i32) {
    %c0_i32 = arith.constant 0 : i32
    %c0_i32_0 = arith.constant 0 : i32
    %c0_i32_1 = arith.constant 0 : i32
    return %arg0, %c0_i32, %c0_i32_0 : i32, i32, i32
  }
  func.func @transform_1(%arg0: i32) -> (i32, i32, i32) {
    %c0_i32 = arith.constant 0 : i32
    %c0_i32_0 = arith.constant 0 : i32
    %c0_i32_1 = arith.constant 0 : i32
    return %arg0, %c0_i32, %c0_i32_0 : i32, i32, i32
  }
}

module attributes {stable_mosaic.version = 14 : i64} {
  func.func @_knn_body(%arg0: i32, %arg1: memref<1x256x8xf32, #tpu.memory_space<vmem>>, %arg2: memref<1x8x4096xf32, #tpu.memory_space<vmem>>, %arg3: memref<1x256x16xi32, #tpu.memory_space<vmem>>) attributes {dimension_semantics = [#tpu.dimension_semantics<arbitrary>], iteration_bounds = array<i64: 16>, scalar_prefetch = 0 : i64, scratch_operands = 0 : i64, tpu.core_type = #tpu.core_type<tc>, window_params = [{transform_indices = @transform_0, window_bounds = array<i64: 1, 256, 8>}, {transform_indices = @transform_1, window_bounds = array<i64: 1, 8, 4096>}, {transform_indices = @transform_2, window_bounds = array<i64: 1, 256, 16>}]} {
    %get3A = arith.constant 0 : index
    %get3A_0 = arith.constant 0 : index
    %get3A_1 = arith.constant 0 : index
    %get3A_2 = vector.load %arg1[%get3A, %get3A_0, %get3A_1] : memref<1x256x8xf32, #tpu.memory_space<vmem>>, vector<1x256x8xf32>
    %get3A_3 = vector.shape_cast %get3A_2 : vector<1x256x8xf32> to vector<256x8xf32>
    %get3A_4 = arith.constant 0 : index
    %get3A_5 = arith.constant 0 : index
    %get3A_6 = arith.constant 0 : index
    %get3A_7 = vector.load %arg2[%get3A_4, %get3A_5, %get3A_6] : memref<1x8x4096xf32, #tpu.memory_space<vmem>>, vector<1x8x4096xf32>
    %get3A_8 = vector.shape_cast %get3A_7 : vector<1x8x4096xf32> to vector<8x4096xf32>
    %slice3A = vector.extract_strided_slice %get3A_3 {offsets = [0, 0], sizes = [256, 1], strides = [1, 1]} : vector<256x8xf32> to vector<256x1xf32>
    %slice3A_9 = vector.extract_strided_slice %get3A_8 {offsets = [0, 0], sizes = [1, 4096], strides = [1, 1]} : vector<8x4096xf32> to vector<1x4096xf32>
    %mul3A = vector.broadcast %slice3A : vector<256x1xf32> to vector<256x4096xf32>
    %mul3A_10 = vector.broadcast %slice3A_9 : vector<1x4096xf32> to vector<256x4096xf32>
    %mul3A_11 = arith.mulf %mul3A, %mul3A_10 : vector<256x4096xf32>
    %slice3A_12 = vector.extract_strided_slice %get3A_3 {offsets = [0, 1], sizes = [256, 1], strides = [1, 1]} : vector<256x8xf32> to vector<256x1xf32>
    %slice3A_13 = vector.extract_strided_slice %get3A_8 {offsets = [1, 0], sizes = [1, 4096], strides = [1, 1]} : vector<8x4096xf32> to vector<1x4096xf32>
    %mul3A_14 = vector.broadcast %slice3A_12 : vector<256x1xf32> to vector<256x4096xf32>
    %mul3A_15 = vector.broadcast %slice3A_13 : vector<1x4096xf32> to vector<256x4096xf32>
    %mul3A_16 = arith.mulf %mul3A_14, %mul3A_15 : vector<256x4096xf32>
    %add3A = arith.addf %mul3A_11, %mul3A_16 : vector<256x4096xf32>
    %slice3A_17 = vector.extract_strided_slice %get3A_3 {offsets = [0, 2], sizes = [256, 1], strides = [1, 1]} : vector<256x8xf32> to vector<256x1xf32>
    %slice3A_18 = vector.extract_strided_slice %get3A_8 {offsets = [2, 0], sizes = [1, 4096], strides = [1, 1]} : vector<8x4096xf32> to vector<1x4096xf32>
    %mul3A_19 = vector.broadcast %slice3A_17 : vector<256x1xf32> to vector<256x4096xf32>
    %mul3A_20 = vector.broadcast %slice3A_18 : vector<1x4096xf32> to vector<256x4096xf32>
    %mul3A_21 = arith.mulf %mul3A_19, %mul3A_20 : vector<256x4096xf32>
    %add3A_22 = arith.addf %add3A, %mul3A_21 : vector<256x4096xf32>
    %mul3A_23 = arith.constant -2.000000e+00 : f32
    %mul3A_24 = vector.broadcast %mul3A_23 : f32 to vector<256x4096xf32>
    %mul3A_25 = arith.mulf %mul3A_24, %add3A_22 : vector<256x4096xf32>
    %slice3A_26 = vector.extract_strided_slice %get3A_3 {offsets = [0, 3], sizes = [256, 1], strides = [1, 1]} : vector<256x8xf32> to vector<256x1xf32>
    %add3A_27 = vector.broadcast %slice3A_26 : vector<256x1xf32> to vector<256x4096xf32>
    %add3A_28 = arith.addf %mul3A_25, %add3A_27 : vector<256x4096xf32>
    %slice3A_29 = vector.extract_strided_slice %get3A_8 {offsets = [3, 0], sizes = [1, 4096], strides = [1, 1]} : vector<8x4096xf32> to vector<1x4096xf32>
    %add3A_30 = vector.broadcast %slice3A_29 : vector<1x4096xf32> to vector<256x4096xf32>
    %add3A_31 = arith.addf %add3A_28, %add3A_30 : vector<256x4096xf32>
    %iota3A = tpu.iota {dimensions = array<i32: 1>} : vector<256x4096xi32>
    %argmin3A = tpu.reduce_index %add3A_31 {axis = 1 : i32, kind = #tpu.reduction_kind<arg_min>} : vector<256x4096xf32> -> vector<256xi32>
    %add3A_32 = arith.constant 0 : i32
    %add3A_33 = vector.broadcast %add3A_32 : i32 to vector<256xi32>
    %add3A_34 = arith.addi %argmin3A, %add3A_33 : vector<256xi32>
    %swap3A = arith.constant 0 : index
    %swap3A_35 = arith.constant 0 : index
    %swap3A_36 = arith.constant 0 : index
    %swap3A_37 = vector.load %arg3[%swap3A, %swap3A_35, %swap3A_36] : memref<1x256x16xi32, #tpu.memory_space<vmem>>, vector<1x256x1xi32>
    %swap3A_38 = vector.shape_cast %swap3A_37 : vector<1x256x1xi32> to vector<256xi32>
    %swap3A_39 = vector.shape_cast %add3A_34 : vector<256xi32> to vector<1x256x1xi32>
    tpu.vector_store %arg3[%swap3A, %swap3A_35, %swap3A_36], %swap3A_39 {strides = array<i32>} : memref<1x256x16xi32, #tpu.memory_space<vmem>>, vector<1x256x1xi32>,
    %broadcast_in_dim3A = vector.shape_cast %argmin3A : vector<256xi32> to vector<256x1xi32>
    %eq3A = vector.broadcast %broadcast_in_dim3A : vector<256x1xi32> to vector<256x4096xi32>
    %eq3A_40 = arith.cmpi eq, %iota3A, %eq3A : vector<256x4096xi32>
    %jit3A = arith.constant 3.000000e+38 : f32
    %broadcast_in_dim3A_41 = vector.broadcast %jit3A : f32 to vector<256x4096xf32>
    %select_n3A = arith.select %eq3A_40, %broadcast_in_dim3A_41, %add3A_31 : vector<256x4096xi1>, vector<256x4096xf32>
    %argmin3A_42 = tpu.reduce_index %select_n3A {axis = 1 : i32, kind = #tpu.reduction_kind<arg_min>} : vector<256x4096xf32> -> vector<256xi32>
    %add3A_43 = arith.constant 0 : i32
    %add3A_44 = vector.broadcast %add3A_43 : i32 to vector<256xi32>
    %add3A_45 = arith.addi %argmin3A_42, %add3A_44 : vector<256xi32>
    %swap3A_46 = arith.constant 0 : index
    %swap3A_47 = arith.constant 0 : index
    %swap3A_48 = arith.constant 1 : index
    %swap3A_49 = vector.load %arg3[%swap3A_46, %swap3A_47, %swap3A_48] : memref<1x256x16xi32, #tpu.memory_space<vmem>>, vector<1x256x1xi32>
    %swap3A_50 = vector.shape_cast %swap3A_49 : vector<1x256x1xi32> to vector<256xi32>
    %swap3A_51 = vector.shape_cast %add3A_45 : vector<256xi32> to vector<1x256x1xi32>
    tpu.vector_store %arg3[%swap3A_46, %swap3A_47, %swap3A_48], %swap3A_51 {strides = array<i32>} : memref<1x256x16xi32, #tpu.memory_space<vmem>>, vector<1x256x1xi32>,
    %broadcast_in_dim3A_52 = vector.shape_cast %argmin3A_42 : vector<256xi32> to vector<256x1xi32>
    %eq3A_53 = vector.broadcast %broadcast_in_dim3A_52 : vector<256x1xi32> to vector<256x4096xi32>
    %eq3A_54 = arith.cmpi eq, %iota3A, %eq3A_53 : vector<256x4096xi32>
    %jit3A_55 = arith.constant 3.000000e+38 : f32
    %broadcast_in_dim3A_56 = vector.broadcast %jit3A_55 : f32 to vector<256x4096xf32>
    %select_n3A_57 = arith.select %eq3A_54, %broadcast_in_dim3A_56, %select_n3A : vector<256x4096xi1>, vector<256x4096xf32>
    %argmin3A_58 = tpu.reduce_index %select_n3A_57 {axis = 1 : i32, kind = #tpu.reduction_kind<arg_min>} : vector<256x4096xf32> -> vector<256xi32>
    %add3A_59 = arith.constant 0 : i32
    %add3A_60 = vector.broadcast %add3A_59 : i32 to vector<256xi32>
    %add3A_61 = arith.addi %argmin3A_58, %add3A_60 : vector<256xi32>
    %swap3A_62 = arith.constant 0 : index
    %swap3A_63 = arith.constant 0 : index
    %swap3A_64 = arith.constant 2 : index
    %swap3A_65 = vector.load %arg3[%swap3A_62, %swap3A_63, %swap3A_64] : memref<1x256x16xi32, #tpu.memory_space<vmem>>, vector<1x256x1xi32>
    %swap3A_66 = vector.shape_cast %swap3A_65 : vector<1x256x1xi32> to vector<256xi32>
    %swap3A_67 = vector.shape_cast %add3A_61 : vector<256xi32> to vector<1x256x1xi32>
    tpu.vector_store %arg3[%swap3A_62, %swap3A_63, %swap3A_64], %swap3A_67 {strides = array<i32>} : memref<1x256x16xi32, #tpu.memory_space<vmem>>, vector<1x256x1xi32>,
    %broadcast_in_dim3A_68 = vector.shape_cast %argmin3A_58 : vector<256xi32> to vector<256x1xi32>
    %eq3A_69 = vector.broadcast %broadcast_in_dim3A_68 : vector<256x1xi32> to vector<256x4096xi32>
    %eq3A_70 = arith.cmpi eq, %iota3A, %eq3A_69 : vector<256x4096xi32>
    %jit3A_71 = arith.constant 3.000000e+38 : f32
    %broadcast_in_dim3A_72 = vector.broadcast %jit3A_71 : f32 to vector<256x4096xf32>
    %select_n3A_73 = arith.select %eq3A_70, %broadcast_in_dim3A_72, %select_n3A_57 : vector<256x4096xi1>, vector<256x4096xf32>
    %argmin3A_74 = tpu.reduce_index %select_n3A_73 {axis = 1 : i32, kind = #tpu.reduction_kind<arg_min>} : vector<256x4096xf32> -> vector<256xi32>
    %add3A_75 = arith.constant 0 : i32
    %add3A_76 = vector.broadcast %add3A_75 : i32 to vector<256xi32>
    %add3A_77 = arith.addi %argmin3A_74, %add3A_76 : vector<256xi32>
    %swap3A_78 = arith.constant 0 : index
    %swap3A_79 = arith.constant 0 : index
    %swap3A_80 = arith.constant 3 : index
    %swap3A_81 = vector.load %arg3[%swap3A_78, %swap3A_79, %swap3A_80] : memref<1x256x16xi32, #tpu.memory_space<vmem>>, vector<1x256x1xi32>
    %swap3A_82 = vector.shape_cast %swap3A_81 : vector<1x256x1xi32> to vector<256xi32>
    %swap3A_83 = vector.shape_cast %add3A_77 : vector<256xi32> to vector<1x256x1xi32>
    tpu.vector_store %arg3[%swap3A_78, %swap3A_79, %swap3A_80], %swap3A_83 {strides = array<i32>} : memref<1x256x16xi32, #tpu.memory_space<vmem>>, vector<1x256x1xi32>,
    %broadcast_in_dim3A_84 = vector.shape_cast %argmin3A_74 : vector<256xi32> to vector<256x1xi32>
    %eq3A_85 = vector.broadcast %broadcast_in_dim3A_84 : vector<256x1xi32> to vector<256x4096xi32>
    %eq3A_86 = arith.cmpi eq, %iota3A, %eq3A_85 : vector<256x4096xi32>
    %jit3A_87 = arith.constant 3.000000e+38 : f32
    %broadcast_in_dim3A_88 = vector.broadcast %jit3A_87 : f32 to vector<256x4096xf32>
    %select_n3A_89 = arith.select %eq3A_86, %broadcast_in_dim3A_88, %select_n3A_73 : vector<256x4096xi1>, vector<256x4096xf32>
    %argmin3A_90 = tpu.reduce_index %select_n3A_89 {axis = 1 : i32, kind = #tpu.reduction_kind<arg_min>} : vector<256x4096xf32> -> vector<256xi32>
    %add3A_91 = arith.constant 0 : i32
    %add3A_92 = vector.broadcast %add3A_91 : i32 to vector<256xi32>
    %add3A_93 = arith.addi %argmin3A_90, %add3A_92 : vector<256xi32>
    %swap3A_94 = arith.constant 0 : index
    %swap3A_95 = arith.constant 0 : index
    %swap3A_96 = arith.constant 4 : index
    %swap3A_97 = vector.load %arg3[%swap3A_94, %swap3A_95, %swap3A_96] : memref<1x256x16xi32, #tpu.memory_space<vmem>>, vector<1x256x1xi32>
    %swap3A_98 = vector.shape_cast %swap3A_97 : vector<1x256x1xi32> to vector<256xi32>
    %swap3A_99 = vector.shape_cast %add3A_93 : vector<256xi32> to vector<1x256x1xi32>
    tpu.vector_store %arg3[%swap3A_94, %swap3A_95, %swap3A_96], %swap3A_99 {strides = array<i32>} : memref<1x256x16xi32, #tpu.memory_space<vmem>>, vector<1x256x1xi32>,
    %broadcast_in_dim3A_100 = vector.shape_cast %argmin3A_90 : vector<256xi32> to vector<256x1xi32>
    %eq3A_101 = vector.broadcast %broadcast_in_dim3A_100 : vector<256x1xi32> to vector<256x4096xi32>
    %eq3A_102 = arith.cmpi eq, %iota3A, %eq3A_101 : vector<256x4096xi32>
    %jit3A_103 = arith.constant 3.000000e+38 : f32
    %broadcast_in_dim3A_104 = vector.broadcast %jit3A_103 : f32 to vector<256x4096xf32>
    %select_n3A_105 = arith.select %eq3A_102, %broadcast_in_dim3A_104, %select_n3A_89 : vector<256x4096xi1>, vector<256x4096xf32>
    %argmin3A_106 = tpu.reduce_index %select_n3A_105 {axis = 1 : i32, kind = #tpu.reduction_kind<arg_min>} : vector<256x4096xf32> -> vector<256xi32>
    %add3A_107 = arith.constant 0 : i32
    %add3A_108 = vector.broadcast %add3A_107 : i32 to vector<256xi32>
    %add3A_109 = arith.addi %argmin3A_106, %add3A_108 : vector<256xi32>
    %swap3A_110 = arith.constant 0 : index
    %swap3A_111 = arith.constant 0 : index
    %swap3A_112 = arith.constant 5 : index
    %swap3A_113 = vector.load %arg3[%swap3A_110, %swap3A_111, %swap3A_112] : memref<1x256x16xi32, #tpu.memory_space<vmem>>, vector<1x256x1xi32>
    %swap3A_114 = vector.shape_cast %swap3A_113 : vector<1x256x1xi32> to vector<256xi32>
    %swap3A_115 = vector.shape_cast %add3A_109 : vector<256xi32> to vector<1x256x1xi32>
    tpu.vector_store %arg3[%swap3A_110, %swap3A_111, %swap3A_112], %swap3A_115 {strides = array<i32>} : memref<1x256x16xi32, #tpu.memory_space<vmem>>, vector<1x256x1xi32>,
    %broadcast_in_dim3A_116 = vector.shape_cast %argmin3A_106 : vector<256xi32> to vector<256x1xi32>
    %eq3A_117 = vector.broadcast %broadcast_in_dim3A_116 : vector<256x1xi32> to vector<256x4096xi32>
    %eq3A_118 = arith.cmpi eq, %iota3A, %eq3A_117 : vector<256x4096xi32>
    %jit3A_119 = arith.constant 3.000000e+38 : f32
    %broadcast_in_dim3A_120 = vector.broadcast %jit3A_119 : f32 to vector<256x4096xf32>
    %select_n3A_121 = arith.select %eq3A_118, %broadcast_in_dim3A_120, %select_n3A_105 : vector<256x4096xi1>, vector<256x4096xf32>
    %argmin3A_122 = tpu.reduce_index %select_n3A_121 {axis = 1 : i32, kind = #tpu.reduction_kind<arg_min>} : vector<256x4096xf32> -> vector<256xi32>
    %add3A_123 = arith.constant 0 : i32
    %add3A_124 = vector.broadcast %add3A_123 : i32 to vector<256xi32>
    %add3A_125 = arith.addi %argmin3A_122, %add3A_124 : vector<256xi32>
    %swap3A_126 = arith.constant 0 : index
    %swap3A_127 = arith.constant 0 : index
    %swap3A_128 = arith.constant 6 : index
    %swap3A_129 = vector.load %arg3[%swap3A_126, %swap3A_127, %swap3A_128] : memref<1x256x16xi32, #tpu.memory_space<vmem>>, vector<1x256x1xi32>
    %swap3A_130 = vector.shape_cast %swap3A_129 : vector<1x256x1xi32> to vector<256xi32>
    %swap3A_131 = vector.shape_cast %add3A_125 : vector<256xi32> to vector<1x256x1xi32>
    tpu.vector_store %arg3[%swap3A_126, %swap3A_127, %swap3A_128], %swap3A_131 {strides = array<i32>} : memref<1x256x16xi32, #tpu.memory_space<vmem>>, vector<1x256x1xi32>,
    %broadcast_in_dim3A_132 = vector.shape_cast %argmin3A_122 : vector<256xi32> to vector<256x1xi32>
    %eq3A_133 = vector.broadcast %broadcast_in_dim3A_132 : vector<256x1xi32> to vector<256x4096xi32>
    %eq3A_134 = arith.cmpi eq, %iota3A, %eq3A_133 : vector<256x4096xi32>
    %jit3A_135 = arith.constant 3.000000e+38 : f32
    %broadcast_in_dim3A_136 = vector.broadcast %jit3A_135 : f32 to vector<256x4096xf32>
    %select_n3A_137 = arith.select %eq3A_134, %broadcast_in_dim3A_136, %select_n3A_121 : vector<256x4096xi1>, vector<256x4096xf32>
    %argmin3A_138 = tpu.reduce_index %select_n3A_137 {axis = 1 : i32, kind = #tpu.reduction_kind<arg_min>} : vector<256x4096xf32> -> vector<256xi32>
    %add3A_139 = arith.constant 0 : i32
    %add3A_140 = vector.broadcast %add3A_139 : i32 to vector<256xi32>
    %add3A_141 = arith.addi %argmin3A_138, %add3A_140 : vector<256xi32>
    %swap3A_142 = arith.constant 0 : index
    %swap3A_143 = arith.constant 0 : index
    %swap3A_144 = arith.constant 7 : index
    %swap3A_145 = vector.load %arg3[%swap3A_142, %swap3A_143, %swap3A_144] : memref<1x256x16xi32, #tpu.memory_space<vmem>>, vector<1x256x1xi32>
    %swap3A_146 = vector.shape_cast %swap3A_145 : vector<1x256x1xi32> to vector<256xi32>
    %swap3A_147 = vector.shape_cast %add3A_141 : vector<256xi32> to vector<1x256x1xi32>
    tpu.vector_store %arg3[%swap3A_142, %swap3A_143, %swap3A_144], %swap3A_147 {strides = array<i32>} : memref<1x256x16xi32, #tpu.memory_space<vmem>>, vector<1x256x1xi32>,
    %broadcast_in_dim3A_148 = vector.shape_cast %argmin3A_138 : vector<256xi32> to vector<256x1xi32>
    %eq3A_149 = vector.broadcast %broadcast_in_dim3A_148 : vector<256x1xi32> to vector<256x4096xi32>
    %eq3A_150 = arith.cmpi eq, %iota3A, %eq3A_149 : vector<256x4096xi32>
    %jit3A_151 = arith.constant 3.000000e+38 : f32
    %broadcast_in_dim3A_152 = vector.broadcast %jit3A_151 : f32 to vector<256x4096xf32>
    %select_n3A_153 = arith.select %eq3A_150, %broadcast_in_dim3A_152, %select_n3A_137 : vector<256x4096xi1>, vector<256x4096xf32>
    %argmin3A_154 = tpu.reduce_index %select_n3A_153 {axis = 1 : i32, kind = #tpu.reduction_kind<arg_min>} : vector<256x4096xf32> -> vector<256xi32>
    %add3A_155 = arith.constant 0 : i32
    %add3A_156 = vector.broadcast %add3A_155 : i32 to vector<256xi32>
    %add3A_157 = arith.addi %argmin3A_154, %add3A_156 : vector<256xi32>
    %swap3A_158 = arith.constant 0 : index
    %swap3A_159 = arith.constant 0 : index
    %swap3A_160 = arith.constant 8 : index
    %swap3A_161 = vector.load %arg3[%swap3A_158, %swap3A_159, %swap3A_160] : memref<1x256x16xi32, #tpu.memory_space<vmem>>, vector<1x256x1xi32>
    %swap3A_162 = vector.shape_cast %swap3A_161 : vector<1x256x1xi32> to vector<256xi32>
    %swap3A_163 = vector.shape_cast %add3A_157 : vector<256xi32> to vector<1x256x1xi32>
    tpu.vector_store %arg3[%swap3A_158, %swap3A_159, %swap3A_160], %swap3A_163 {strides = array<i32>} : memref<1x256x16xi32, #tpu.memory_space<vmem>>, vector<1x256x1xi32>,
    %broadcast_in_dim3A_164 = vector.shape_cast %argmin3A_154 : vector<256xi32> to vector<256x1xi32>
    %eq3A_165 = vector.broadcast %broadcast_in_dim3A_164 : vector<256x1xi32> to vector<256x4096xi32>
    %eq3A_166 = arith.cmpi eq, %iota3A, %eq3A_165 : vector<256x4096xi32>
    %jit3A_167 = arith.constant 3.000000e+38 : f32
    %broadcast_in_dim3A_168 = vector.broadcast %jit3A_167 : f32 to vector<256x4096xf32>
    %select_n3A_169 = arith.select %eq3A_166, %broadcast_in_dim3A_168, %select_n3A_153 : vector<256x4096xi1>, vector<256x4096xf32>
    %argmin3A_170 = tpu.reduce_index %select_n3A_169 {axis = 1 : i32, kind = #tpu.reduction_kind<arg_min>} : vector<256x4096xf32> -> vector<256xi32>
    %add3A_171 = arith.constant 0 : i32
    %add3A_172 = vector.broadcast %add3A_171 : i32 to vector<256xi32>
    %add3A_173 = arith.addi %argmin3A_170, %add3A_172 : vector<256xi32>
    %swap3A_174 = arith.constant 0 : index
    %swap3A_175 = arith.constant 0 : index
    %swap3A_176 = arith.constant 9 : index
    %swap3A_177 = vector.load %arg3[%swap3A_174, %swap3A_175, %swap3A_176] : memref<1x256x16xi32, #tpu.memory_space<vmem>>, vector<1x256x1xi32>
    %swap3A_178 = vector.shape_cast %swap3A_177 : vector<1x256x1xi32> to vector<256xi32>
    %swap3A_179 = vector.shape_cast %add3A_173 : vector<256xi32> to vector<1x256x1xi32>
    tpu.vector_store %arg3[%swap3A_174, %swap3A_175, %swap3A_176], %swap3A_179 {strides = array<i32>} : memref<1x256x16xi32, #tpu.memory_space<vmem>>, vector<1x256x1xi32>,
    %broadcast_in_dim3A_180 = vector.shape_cast %argmin3A_170 : vector<256xi32> to vector<256x1xi32>
    %eq3A_181 = vector.broadcast %broadcast_in_dim3A_180 : vector<256x1xi32> to vector<256x4096xi32>
    %eq3A_182 = arith.cmpi eq, %iota3A, %eq3A_181 : vector<256x4096xi32>
    %jit3A_183 = arith.constant 3.000000e+38 : f32
    %broadcast_in_dim3A_184 = vector.broadcast %jit3A_183 : f32 to vector<256x4096xf32>
    %select_n3A_185 = arith.select %eq3A_182, %broadcast_in_dim3A_184, %select_n3A_169 : vector<256x4096xi1>, vector<256x4096xf32>
    %argmin3A_186 = tpu.reduce_index %select_n3A_185 {axis = 1 : i32, kind = #tpu.reduction_kind<arg_min>} : vector<256x4096xf32> -> vector<256xi32>
    %add3A_187 = arith.constant 0 : i32
    %add3A_188 = vector.broadcast %add3A_187 : i32 to vector<256xi32>
    %add3A_189 = arith.addi %argmin3A_186, %add3A_188 : vector<256xi32>
    %swap3A_190 = arith.constant 0 : index
    %swap3A_191 = arith.constant 0 : index
    %swap3A_192 = arith.constant 10 : index
    %swap3A_193 = vector.load %arg3[%swap3A_190, %swap3A_191, %swap3A_192] : memref<1x256x16xi32, #tpu.memory_space<vmem>>, vector<1x256x1xi32>
    %swap3A_194 = vector.shape_cast %swap3A_193 : vector<1x256x1xi32> to vector<256xi32>
    %swap3A_195 = vector.shape_cast %add3A_189 : vector<256xi32> to vector<1x256x1xi32>
    tpu.vector_store %arg3[%swap3A_190, %swap3A_191, %swap3A_192], %swap3A_195 {strides = array<i32>} : memref<1x256x16xi32, #tpu.memory_space<vmem>>, vector<1x256x1xi32>,
    %broadcast_in_dim3A_196 = vector.shape_cast %argmin3A_186 : vector<256xi32> to vector<256x1xi32>
    %eq3A_197 = vector.broadcast %broadcast_in_dim3A_196 : vector<256x1xi32> to vector<256x4096xi32>
    %eq3A_198 = arith.cmpi eq, %iota3A, %eq3A_197 : vector<256x4096xi32>
    %jit3A_199 = arith.constant 3.000000e+38 : f32
    %broadcast_in_dim3A_200 = vector.broadcast %jit3A_199 : f32 to vector<256x4096xf32>
    %select_n3A_201 = arith.select %eq3A_198, %broadcast_in_dim3A_200, %select_n3A_185 : vector<256x4096xi1>, vector<256x4096xf32>
    %argmin3A_202 = tpu.reduce_index %select_n3A_201 {axis = 1 : i32, kind = #tpu.reduction_kind<arg_min>} : vector<256x4096xf32> -> vector<256xi32>
    %add3A_203 = arith.constant 0 : i32
    %add3A_204 = vector.broadcast %add3A_203 : i32 to vector<256xi32>
    %add3A_205 = arith.addi %argmin3A_202, %add3A_204 : vector<256xi32>
    %swap3A_206 = arith.constant 0 : index
    %swap3A_207 = arith.constant 0 : index
    %swap3A_208 = arith.constant 11 : index
    %swap3A_209 = vector.load %arg3[%swap3A_206, %swap3A_207, %swap3A_208] : memref<1x256x16xi32, #tpu.memory_space<vmem>>, vector<1x256x1xi32>
    %swap3A_210 = vector.shape_cast %swap3A_209 : vector<1x256x1xi32> to vector<256xi32>
    %swap3A_211 = vector.shape_cast %add3A_205 : vector<256xi32> to vector<1x256x1xi32>
    tpu.vector_store %arg3[%swap3A_206, %swap3A_207, %swap3A_208], %swap3A_211 {strides = array<i32>} : memref<1x256x16xi32, #tpu.memory_space<vmem>>, vector<1x256x1xi32>,
    %broadcast_in_dim3A_212 = vector.shape_cast %argmin3A_202 : vector<256xi32> to vector<256x1xi32>
    %eq3A_213 = vector.broadcast %broadcast_in_dim3A_212 : vector<256x1xi32> to vector<256x4096xi32>
    %eq3A_214 = arith.cmpi eq, %iota3A, %eq3A_213 : vector<256x4096xi32>
    %jit3A_215 = arith.constant 3.000000e+38 : f32
    %broadcast_in_dim3A_216 = vector.broadcast %jit3A_215 : f32 to vector<256x4096xf32>
    %select_n3A_217 = arith.select %eq3A_214, %broadcast_in_dim3A_216, %select_n3A_201 : vector<256x4096xi1>, vector<256x4096xf32>
    %argmin3A_218 = tpu.reduce_index %select_n3A_217 {axis = 1 : i32, kind = #tpu.reduction_kind<arg_min>} : vector<256x4096xf32> -> vector<256xi32>
    %add3A_219 = arith.constant 0 : i32
    %add3A_220 = vector.broadcast %add3A_219 : i32 to vector<256xi32>
    %add3A_221 = arith.addi %argmin3A_218, %add3A_220 : vector<256xi32>
    %swap3A_222 = arith.constant 0 : index
    %swap3A_223 = arith.constant 0 : index
    %swap3A_224 = arith.constant 12 : index
    %swap3A_225 = vector.load %arg3[%swap3A_222, %swap3A_223, %swap3A_224] : memref<1x256x16xi32, #tpu.memory_space<vmem>>, vector<1x256x1xi32>
    %swap3A_226 = vector.shape_cast %swap3A_225 : vector<1x256x1xi32> to vector<256xi32>
    %swap3A_227 = vector.shape_cast %add3A_221 : vector<256xi32> to vector<1x256x1xi32>
    tpu.vector_store %arg3[%swap3A_222, %swap3A_223, %swap3A_224], %swap3A_227 {strides = array<i32>} : memref<1x256x16xi32, #tpu.memory_space<vmem>>, vector<1x256x1xi32>,
    %broadcast_in_dim3A_228 = vector.shape_cast %argmin3A_218 : vector<256xi32> to vector<256x1xi32>
    %eq3A_229 = vector.broadcast %broadcast_in_dim3A_228 : vector<256x1xi32> to vector<256x4096xi32>
    %eq3A_230 = arith.cmpi eq, %iota3A, %eq3A_229 : vector<256x4096xi32>
    %jit3A_231 = arith.constant 3.000000e+38 : f32
    %broadcast_in_dim3A_232 = vector.broadcast %jit3A_231 : f32 to vector<256x4096xf32>
    %select_n3A_233 = arith.select %eq3A_230, %broadcast_in_dim3A_232, %select_n3A_217 : vector<256x4096xi1>, vector<256x4096xf32>
    %argmin3A_234 = tpu.reduce_index %select_n3A_233 {axis = 1 : i32, kind = #tpu.reduction_kind<arg_min>} : vector<256x4096xf32> -> vector<256xi32>
    %add3A_235 = arith.constant 0 : i32
    %add3A_236 = vector.broadcast %add3A_235 : i32 to vector<256xi32>
    %add3A_237 = arith.addi %argmin3A_234, %add3A_236 : vector<256xi32>
    %swap3A_238 = arith.constant 0 : index
    %swap3A_239 = arith.constant 0 : index
    %swap3A_240 = arith.constant 13 : index
    %swap3A_241 = vector.load %arg3[%swap3A_238, %swap3A_239, %swap3A_240] : memref<1x256x16xi32, #tpu.memory_space<vmem>>, vector<1x256x1xi32>
    %swap3A_242 = vector.shape_cast %swap3A_241 : vector<1x256x1xi32> to vector<256xi32>
    %swap3A_243 = vector.shape_cast %add3A_237 : vector<256xi32> to vector<1x256x1xi32>
    tpu.vector_store %arg3[%swap3A_238, %swap3A_239, %swap3A_240], %swap3A_243 {strides = array<i32>} : memref<1x256x16xi32, #tpu.memory_space<vmem>>, vector<1x256x1xi32>,
    %broadcast_in_dim3A_244 = vector.shape_cast %argmin3A_234 : vector<256xi32> to vector<256x1xi32>
    %eq3A_245 = vector.broadcast %broadcast_in_dim3A_244 : vector<256x1xi32> to vector<256x4096xi32>
    %eq3A_246 = arith.cmpi eq, %iota3A, %eq3A_245 : vector<256x4096xi32>
    %jit3A_247 = arith.constant 3.000000e+38 : f32
    %broadcast_in_dim3A_248 = vector.broadcast %jit3A_247 : f32 to vector<256x4096xf32>
    %select_n3A_249 = arith.select %eq3A_246, %broadcast_in_dim3A_248, %select_n3A_233 : vector<256x4096xi1>, vector<256x4096xf32>
    %argmin3A_250 = tpu.reduce_index %select_n3A_249 {axis = 1 : i32, kind = #tpu.reduction_kind<arg_min>} : vector<256x4096xf32> -> vector<256xi32>
    %add3A_251 = arith.constant 0 : i32
    %add3A_252 = vector.broadcast %add3A_251 : i32 to vector<256xi32>
    %add3A_253 = arith.addi %argmin3A_250, %add3A_252 : vector<256xi32>
    %swap3A_254 = arith.constant 0 : index
    %swap3A_255 = arith.constant 0 : index
    %swap3A_256 = arith.constant 14 : index
    %swap3A_257 = vector.load %arg3[%swap3A_254, %swap3A_255, %swap3A_256] : memref<1x256x16xi32, #tpu.memory_space<vmem>>, vector<1x256x1xi32>
    %swap3A_258 = vector.shape_cast %swap3A_257 : vector<1x256x1xi32> to vector<256xi32>
    %swap3A_259 = vector.shape_cast %add3A_253 : vector<256xi32> to vector<1x256x1xi32>
    tpu.vector_store %arg3[%swap3A_254, %swap3A_255, %swap3A_256], %swap3A_259 {strides = array<i32>} : memref<1x256x16xi32, #tpu.memory_space<vmem>>, vector<1x256x1xi32>,
    %broadcast_in_dim3A_260 = vector.shape_cast %argmin3A_250 : vector<256xi32> to vector<256x1xi32>
    %eq3A_261 = vector.broadcast %broadcast_in_dim3A_260 : vector<256x1xi32> to vector<256x4096xi32>
    %eq3A_262 = arith.cmpi eq, %iota3A, %eq3A_261 : vector<256x4096xi32>
    %jit3A_263 = arith.constant 3.000000e+38 : f32
    %broadcast_in_dim3A_264 = vector.broadcast %jit3A_263 : f32 to vector<256x4096xf32>
    %select_n3A_265 = arith.select %eq3A_262, %broadcast_in_dim3A_264, %select_n3A_249 : vector<256x4096xi1>, vector<256x4096xf32>
    %argmin3A_266 = tpu.reduce_index %select_n3A_265 {axis = 1 : i32, kind = #tpu.reduction_kind<arg_min>} : vector<256x4096xf32> -> vector<256xi32>
    %add3A_267 = arith.constant 0 : i32
    %add3A_268 = vector.broadcast %add3A_267 : i32 to vector<256xi32>
    %add3A_269 = arith.addi %argmin3A_266, %add3A_268 : vector<256xi32>
    %swap3A_270 = arith.constant 0 : index
    %swap3A_271 = arith.constant 0 : index
    %swap3A_272 = arith.constant 15 : index
    %swap3A_273 = vector.load %arg3[%swap3A_270, %swap3A_271, %swap3A_272] : memref<1x256x16xi32, #tpu.memory_space<vmem>>, vector<1x256x1xi32>
    %swap3A_274 = vector.shape_cast %swap3A_273 : vector<1x256x1xi32> to vector<256xi32>
    %swap3A_275 = vector.shape_cast %add3A_269 : vector<256xi32> to vector<1x256x1xi32>
    tpu.vector_store %arg3[%swap3A_270, %swap3A_271, %swap3A_272], %swap3A_275 {strides = array<i32>} : memref<1x256x16xi32, #tpu.memory_space<vmem>>, vector<1x256x1xi32>,
    return
  }
  func.func @transform_0(%arg0: i32) -> (i32, i32, i32) {
    %c0_i32 = arith.constant 0 : i32
    %c0_i32_0 = arith.constant 0 : i32
    %c0_i32_1 = arith.constant 0 : i32
    return %c0_i32, %arg0, %c0_i32_0 : i32, i32, i32
  }
  func.func @transform_1(%arg0: i32) -> (i32, i32, i32) {
    %c0_i32 = arith.constant 0 : i32
    %c0_i32_0 = arith.constant 0 : i32
    %c0_i32_1 = arith.constant 0 : i32
    %c0_i32_2 = arith.constant 0 : i32
    return %c0_i32, %c0_i32_0, %c0_i32_1 : i32, i32, i32
  }
  func.func @transform_2(%arg0: i32) -> (i32, i32, i32) {
    %c0_i32 = arith.constant 0 : i32
    %c0_i32_0 = arith.constant 0 : i32
    %c0_i32_1 = arith.constant 0 : i32
    return %c0_i32, %arg0, %c0_i32_0 : i32, i32, i32
  }
}

module attributes {stable_mosaic.version = 14 : i64} {
  func.func @_project_body(%arg0: i32, %arg1: memref<1x4096x128xf32, #tpu.memory_space<vmem>>, %arg2: memref<128x128xf32, #tpu.memory_space<vmem>>, %arg3: memref<1x4096x128xf32, #tpu.memory_space<vmem>>) attributes {dimension_semantics = [#tpu.dimension_semantics<arbitrary>], iteration_bounds = array<i64: 4>, scalar_prefetch = 0 : i64, scratch_operands = 0 : i64, tpu.core_type = #tpu.core_type<tc>, window_params = [{transform_indices = @transform_0, window_bounds = array<i64: 1, 4096, 128>}, {pipeline_mode = #tpu.pipeline_mode<synchronous>, transform_indices = @transform_1, window_bounds = array<i64: 128, 128>}, {transform_indices = @transform_2, window_bounds = array<i64: 1, 4096, 128>}]} {
    %get3A = arith.constant 0 : index
    %get3A_0 = arith.constant 0 : index
    %get3A_1 = arith.constant 0 : index
    %get3A_2 = vector.load %arg1[%get3A, %get3A_0, %get3A_1] : memref<1x4096x128xf32, #tpu.memory_space<vmem>>, vector<1x4096x128xf32>
    %get3A_3 = vector.shape_cast %get3A_2 : vector<1x4096x128xf32> to vector<4096x128xf32>
    %get3A_4 = arith.constant 0 : index
    %get3A_5 = arith.constant 0 : index
    %get3A_6 = vector.load %arg2[%get3A_4, %get3A_5] : memref<128x128xf32, #tpu.memory_space<vmem>>, vector<128x128xf32>
    %dot_general3A = arith.constant dense<0.000000e+00> : vector<4096x128xf32>
    %dot_general3A_7 = tpu.matmul %get3A_3, %get3A_6, %dot_general3A {dimension_numbers = #tpu.dot_dimension_numbers<[1], [0], [0], [1], [0, 0, 1, 1], [], []>, transpose_lhs_hint = false} : vector<4096x128xf32>, vector<128x128xf32>, vector<4096x128xf32> -> vector<4096x128xf32>
    %swap3A = arith.constant 0 : index
    %swap3A_8 = arith.constant 0 : index
    %swap3A_9 = arith.constant 0 : index
    %swap3A_10 = vector.load %arg3[%swap3A, %swap3A_8, %swap3A_9] : memref<1x4096x128xf32, #tpu.memory_space<vmem>>, vector<1x4096x128xf32>
    %swap3A_11 = vector.shape_cast %swap3A_10 : vector<1x4096x128xf32> to vector<4096x128xf32>
    %swap3A_12 = vector.shape_cast %dot_general3A_7 : vector<4096x128xf32> to vector<1x4096x128xf32>
    tpu.vector_store %arg3[%swap3A, %swap3A_8, %swap3A_9], %swap3A_12 {strides = array<i32>} : memref<1x4096x128xf32, #tpu.memory_space<vmem>>, vector<1x4096x128xf32>,
    return
  }
  func.func @transform_0(%arg0: i32) -> (i32, i32, i32) {
    %c0_i32 = arith.constant 0 : i32
    %c0_i32_0 = arith.constant 0 : i32
    %c0_i32_1 = arith.constant 0 : i32
    return %arg0, %c0_i32, %c0_i32_0 : i32, i32, i32
  }
  func.func @transform_1(%arg0: i32) -> (i32, i32) {
    %c0_i32 = arith.constant 0 : i32
    %c0_i32_0 = arith.constant 0 : i32
    %c0_i32_1 = arith.constant 0 : i32
    return %c0_i32, %c0_i32_0 : i32, i32
  }
  func.func @transform_2(%arg0: i32) -> (i32, i32, i32) {
    %c0_i32 = arith.constant 0 : i32
    %c0_i32_0 = arith.constant 0 : i32
    %c0_i32_1 = arith.constant 0 : i32
    return %arg0, %c0_i32, %c0_i32_0 : i32, i32, i32
  }
}

module attributes {stable_mosaic.version = 14 : i64} {
  func.func @_knn_body(%arg0: i32, %arg1: memref<1x256x8xf32, #tpu.memory_space<vmem>>, %arg2: memref<1x8x4096xf32, #tpu.memory_space<vmem>>, %arg3: memref<1x256x16xi32, #tpu.memory_space<vmem>>) attributes {dimension_semantics = [#tpu.dimension_semantics<arbitrary>], iteration_bounds = array<i64: 16>, scalar_prefetch = 0 : i64, scratch_operands = 0 : i64, tpu.core_type = #tpu.core_type<tc>, window_params = [{transform_indices = @transform_0, window_bounds = array<i64: 1, 256, 8>}, {transform_indices = @transform_1, window_bounds = array<i64: 1, 8, 4096>}, {transform_indices = @transform_2, window_bounds = array<i64: 1, 256, 16>}]} {
    %get3A = arith.constant 0 : index
    %get3A_0 = arith.constant 0 : index
    %get3A_1 = arith.constant 0 : index
    %get3A_2 = vector.load %arg1[%get3A, %get3A_0, %get3A_1] : memref<1x256x8xf32, #tpu.memory_space<vmem>>, vector<1x256x8xf32>
    %get3A_3 = vector.shape_cast %get3A_2 : vector<1x256x8xf32> to vector<256x8xf32>
    %get3A_4 = arith.constant 0 : index
    %get3A_5 = arith.constant 0 : index
    %get3A_6 = arith.constant 0 : index
    %get3A_7 = vector.load %arg2[%get3A_4, %get3A_5, %get3A_6] : memref<1x8x4096xf32, #tpu.memory_space<vmem>>, vector<1x8x4096xf32>
    %get3A_8 = vector.shape_cast %get3A_7 : vector<1x8x4096xf32> to vector<8x4096xf32>
    %slice3A = vector.extract_strided_slice %get3A_3 {offsets = [0, 0], sizes = [256, 1], strides = [1, 1]} : vector<256x8xf32> to vector<256x1xf32>
    %slice3A_9 = vector.extract_strided_slice %get3A_8 {offsets = [0, 0], sizes = [1, 4096], strides = [1, 1]} : vector<8x4096xf32> to vector<1x4096xf32>
    %mul3A = vector.broadcast %slice3A : vector<256x1xf32> to vector<256x4096xf32>
    %mul3A_10 = vector.broadcast %slice3A_9 : vector<1x4096xf32> to vector<256x4096xf32>
    %mul3A_11 = arith.mulf %mul3A, %mul3A_10 : vector<256x4096xf32>
    %slice3A_12 = vector.extract_strided_slice %get3A_3 {offsets = [0, 1], sizes = [256, 1], strides = [1, 1]} : vector<256x8xf32> to vector<256x1xf32>
    %slice3A_13 = vector.extract_strided_slice %get3A_8 {offsets = [1, 0], sizes = [1, 4096], strides = [1, 1]} : vector<8x4096xf32> to vector<1x4096xf32>
    %mul3A_14 = vector.broadcast %slice3A_12 : vector<256x1xf32> to vector<256x4096xf32>
    %mul3A_15 = vector.broadcast %slice3A_13 : vector<1x4096xf32> to vector<256x4096xf32>
    %mul3A_16 = arith.mulf %mul3A_14, %mul3A_15 : vector<256x4096xf32>
    %add3A = arith.addf %mul3A_11, %mul3A_16 : vector<256x4096xf32>
    %slice3A_17 = vector.extract_strided_slice %get3A_3 {offsets = [0, 2], sizes = [256, 1], strides = [1, 1]} : vector<256x8xf32> to vector<256x1xf32>
    %slice3A_18 = vector.extract_strided_slice %get3A_8 {offsets = [2, 0], sizes = [1, 4096], strides = [1, 1]} : vector<8x4096xf32> to vector<1x4096xf32>
    %mul3A_19 = vector.broadcast %slice3A_17 : vector<256x1xf32> to vector<256x4096xf32>
    %mul3A_20 = vector.broadcast %slice3A_18 : vector<1x4096xf32> to vector<256x4096xf32>
    %mul3A_21 = arith.mulf %mul3A_19, %mul3A_20 : vector<256x4096xf32>
    %add3A_22 = arith.addf %add3A, %mul3A_21 : vector<256x4096xf32>
    %mul3A_23 = arith.constant -2.000000e+00 : f32
    %mul3A_24 = vector.broadcast %mul3A_23 : f32 to vector<256x4096xf32>
    %mul3A_25 = arith.mulf %mul3A_24, %add3A_22 : vector<256x4096xf32>
    %slice3A_26 = vector.extract_strided_slice %get3A_3 {offsets = [0, 3], sizes = [256, 1], strides = [1, 1]} : vector<256x8xf32> to vector<256x1xf32>
    %add3A_27 = vector.broadcast %slice3A_26 : vector<256x1xf32> to vector<256x4096xf32>
    %add3A_28 = arith.addf %mul3A_25, %add3A_27 : vector<256x4096xf32>
    %slice3A_29 = vector.extract_strided_slice %get3A_8 {offsets = [3, 0], sizes = [1, 4096], strides = [1, 1]} : vector<8x4096xf32> to vector<1x4096xf32>
    %add3A_30 = vector.broadcast %slice3A_29 : vector<1x4096xf32> to vector<256x4096xf32>
    %add3A_31 = arith.addf %add3A_28, %add3A_30 : vector<256x4096xf32>
    %iota3A = tpu.iota {dimensions = array<i32: 1>} : vector<256x4096xi32>
    %argmin3A = tpu.reduce_index %add3A_31 {axis = 1 : i32, kind = #tpu.reduction_kind<arg_min>} : vector<256x4096xf32> -> vector<256xi32>
    %add3A_32 = arith.constant 4096 : i32
    %add3A_33 = vector.broadcast %add3A_32 : i32 to vector<256xi32>
    %add3A_34 = arith.addi %argmin3A, %add3A_33 : vector<256xi32>
    %swap3A = arith.constant 0 : index
    %swap3A_35 = arith.constant 0 : index
    %swap3A_36 = arith.constant 0 : index
    %swap3A_37 = vector.load %arg3[%swap3A, %swap3A_35, %swap3A_36] : memref<1x256x16xi32, #tpu.memory_space<vmem>>, vector<1x256x1xi32>
    %swap3A_38 = vector.shape_cast %swap3A_37 : vector<1x256x1xi32> to vector<256xi32>
    %swap3A_39 = vector.shape_cast %add3A_34 : vector<256xi32> to vector<1x256x1xi32>
    tpu.vector_store %arg3[%swap3A, %swap3A_35, %swap3A_36], %swap3A_39 {strides = array<i32>} : memref<1x256x16xi32, #tpu.memory_space<vmem>>, vector<1x256x1xi32>,
    %broadcast_in_dim3A = vector.shape_cast %argmin3A : vector<256xi32> to vector<256x1xi32>
    %eq3A = vector.broadcast %broadcast_in_dim3A : vector<256x1xi32> to vector<256x4096xi32>
    %eq3A_40 = arith.cmpi eq, %iota3A, %eq3A : vector<256x4096xi32>
    %jit3A = arith.constant 3.000000e+38 : f32
    %broadcast_in_dim3A_41 = vector.broadcast %jit3A : f32 to vector<256x4096xf32>
    %select_n3A = arith.select %eq3A_40, %broadcast_in_dim3A_41, %add3A_31 : vector<256x4096xi1>, vector<256x4096xf32>
    %argmin3A_42 = tpu.reduce_index %select_n3A {axis = 1 : i32, kind = #tpu.reduction_kind<arg_min>} : vector<256x4096xf32> -> vector<256xi32>
    %add3A_43 = arith.constant 4096 : i32
    %add3A_44 = vector.broadcast %add3A_43 : i32 to vector<256xi32>
    %add3A_45 = arith.addi %argmin3A_42, %add3A_44 : vector<256xi32>
    %swap3A_46 = arith.constant 0 : index
    %swap3A_47 = arith.constant 0 : index
    %swap3A_48 = arith.constant 1 : index
    %swap3A_49 = vector.load %arg3[%swap3A_46, %swap3A_47, %swap3A_48] : memref<1x256x16xi32, #tpu.memory_space<vmem>>, vector<1x256x1xi32>
    %swap3A_50 = vector.shape_cast %swap3A_49 : vector<1x256x1xi32> to vector<256xi32>
    %swap3A_51 = vector.shape_cast %add3A_45 : vector<256xi32> to vector<1x256x1xi32>
    tpu.vector_store %arg3[%swap3A_46, %swap3A_47, %swap3A_48], %swap3A_51 {strides = array<i32>} : memref<1x256x16xi32, #tpu.memory_space<vmem>>, vector<1x256x1xi32>,
    %broadcast_in_dim3A_52 = vector.shape_cast %argmin3A_42 : vector<256xi32> to vector<256x1xi32>
    %eq3A_53 = vector.broadcast %broadcast_in_dim3A_52 : vector<256x1xi32> to vector<256x4096xi32>
    %eq3A_54 = arith.cmpi eq, %iota3A, %eq3A_53 : vector<256x4096xi32>
    %jit3A_55 = arith.constant 3.000000e+38 : f32
    %broadcast_in_dim3A_56 = vector.broadcast %jit3A_55 : f32 to vector<256x4096xf32>
    %select_n3A_57 = arith.select %eq3A_54, %broadcast_in_dim3A_56, %select_n3A : vector<256x4096xi1>, vector<256x4096xf32>
    %argmin3A_58 = tpu.reduce_index %select_n3A_57 {axis = 1 : i32, kind = #tpu.reduction_kind<arg_min>} : vector<256x4096xf32> -> vector<256xi32>
    %add3A_59 = arith.constant 4096 : i32
    %add3A_60 = vector.broadcast %add3A_59 : i32 to vector<256xi32>
    %add3A_61 = arith.addi %argmin3A_58, %add3A_60 : vector<256xi32>
    %swap3A_62 = arith.constant 0 : index
    %swap3A_63 = arith.constant 0 : index
    %swap3A_64 = arith.constant 2 : index
    %swap3A_65 = vector.load %arg3[%swap3A_62, %swap3A_63, %swap3A_64] : memref<1x256x16xi32, #tpu.memory_space<vmem>>, vector<1x256x1xi32>
    %swap3A_66 = vector.shape_cast %swap3A_65 : vector<1x256x1xi32> to vector<256xi32>
    %swap3A_67 = vector.shape_cast %add3A_61 : vector<256xi32> to vector<1x256x1xi32>
    tpu.vector_store %arg3[%swap3A_62, %swap3A_63, %swap3A_64], %swap3A_67 {strides = array<i32>} : memref<1x256x16xi32, #tpu.memory_space<vmem>>, vector<1x256x1xi32>,
    %broadcast_in_dim3A_68 = vector.shape_cast %argmin3A_58 : vector<256xi32> to vector<256x1xi32>
    %eq3A_69 = vector.broadcast %broadcast_in_dim3A_68 : vector<256x1xi32> to vector<256x4096xi32>
    %eq3A_70 = arith.cmpi eq, %iota3A, %eq3A_69 : vector<256x4096xi32>
    %jit3A_71 = arith.constant 3.000000e+38 : f32
    %broadcast_in_dim3A_72 = vector.broadcast %jit3A_71 : f32 to vector<256x4096xf32>
    %select_n3A_73 = arith.select %eq3A_70, %broadcast_in_dim3A_72, %select_n3A_57 : vector<256x4096xi1>, vector<256x4096xf32>
    %argmin3A_74 = tpu.reduce_index %select_n3A_73 {axis = 1 : i32, kind = #tpu.reduction_kind<arg_min>} : vector<256x4096xf32> -> vector<256xi32>
    %add3A_75 = arith.constant 4096 : i32
    %add3A_76 = vector.broadcast %add3A_75 : i32 to vector<256xi32>
    %add3A_77 = arith.addi %argmin3A_74, %add3A_76 : vector<256xi32>
    %swap3A_78 = arith.constant 0 : index
    %swap3A_79 = arith.constant 0 : index
    %swap3A_80 = arith.constant 3 : index
    %swap3A_81 = vector.load %arg3[%swap3A_78, %swap3A_79, %swap3A_80] : memref<1x256x16xi32, #tpu.memory_space<vmem>>, vector<1x256x1xi32>
    %swap3A_82 = vector.shape_cast %swap3A_81 : vector<1x256x1xi32> to vector<256xi32>
    %swap3A_83 = vector.shape_cast %add3A_77 : vector<256xi32> to vector<1x256x1xi32>
    tpu.vector_store %arg3[%swap3A_78, %swap3A_79, %swap3A_80], %swap3A_83 {strides = array<i32>} : memref<1x256x16xi32, #tpu.memory_space<vmem>>, vector<1x256x1xi32>,
    %broadcast_in_dim3A_84 = vector.shape_cast %argmin3A_74 : vector<256xi32> to vector<256x1xi32>
    %eq3A_85 = vector.broadcast %broadcast_in_dim3A_84 : vector<256x1xi32> to vector<256x4096xi32>
    %eq3A_86 = arith.cmpi eq, %iota3A, %eq3A_85 : vector<256x4096xi32>
    %jit3A_87 = arith.constant 3.000000e+38 : f32
    %broadcast_in_dim3A_88 = vector.broadcast %jit3A_87 : f32 to vector<256x4096xf32>
    %select_n3A_89 = arith.select %eq3A_86, %broadcast_in_dim3A_88, %select_n3A_73 : vector<256x4096xi1>, vector<256x4096xf32>
    %argmin3A_90 = tpu.reduce_index %select_n3A_89 {axis = 1 : i32, kind = #tpu.reduction_kind<arg_min>} : vector<256x4096xf32> -> vector<256xi32>
    %add3A_91 = arith.constant 4096 : i32
    %add3A_92 = vector.broadcast %add3A_91 : i32 to vector<256xi32>
    %add3A_93 = arith.addi %argmin3A_90, %add3A_92 : vector<256xi32>
    %swap3A_94 = arith.constant 0 : index
    %swap3A_95 = arith.constant 0 : index
    %swap3A_96 = arith.constant 4 : index
    %swap3A_97 = vector.load %arg3[%swap3A_94, %swap3A_95, %swap3A_96] : memref<1x256x16xi32, #tpu.memory_space<vmem>>, vector<1x256x1xi32>
    %swap3A_98 = vector.shape_cast %swap3A_97 : vector<1x256x1xi32> to vector<256xi32>
    %swap3A_99 = vector.shape_cast %add3A_93 : vector<256xi32> to vector<1x256x1xi32>
    tpu.vector_store %arg3[%swap3A_94, %swap3A_95, %swap3A_96], %swap3A_99 {strides = array<i32>} : memref<1x256x16xi32, #tpu.memory_space<vmem>>, vector<1x256x1xi32>,
    %broadcast_in_dim3A_100 = vector.shape_cast %argmin3A_90 : vector<256xi32> to vector<256x1xi32>
    %eq3A_101 = vector.broadcast %broadcast_in_dim3A_100 : vector<256x1xi32> to vector<256x4096xi32>
    %eq3A_102 = arith.cmpi eq, %iota3A, %eq3A_101 : vector<256x4096xi32>
    %jit3A_103 = arith.constant 3.000000e+38 : f32
    %broadcast_in_dim3A_104 = vector.broadcast %jit3A_103 : f32 to vector<256x4096xf32>
    %select_n3A_105 = arith.select %eq3A_102, %broadcast_in_dim3A_104, %select_n3A_89 : vector<256x4096xi1>, vector<256x4096xf32>
    %argmin3A_106 = tpu.reduce_index %select_n3A_105 {axis = 1 : i32, kind = #tpu.reduction_kind<arg_min>} : vector<256x4096xf32> -> vector<256xi32>
    %add3A_107 = arith.constant 4096 : i32
    %add3A_108 = vector.broadcast %add3A_107 : i32 to vector<256xi32>
    %add3A_109 = arith.addi %argmin3A_106, %add3A_108 : vector<256xi32>
    %swap3A_110 = arith.constant 0 : index
    %swap3A_111 = arith.constant 0 : index
    %swap3A_112 = arith.constant 5 : index
    %swap3A_113 = vector.load %arg3[%swap3A_110, %swap3A_111, %swap3A_112] : memref<1x256x16xi32, #tpu.memory_space<vmem>>, vector<1x256x1xi32>
    %swap3A_114 = vector.shape_cast %swap3A_113 : vector<1x256x1xi32> to vector<256xi32>
    %swap3A_115 = vector.shape_cast %add3A_109 : vector<256xi32> to vector<1x256x1xi32>
    tpu.vector_store %arg3[%swap3A_110, %swap3A_111, %swap3A_112], %swap3A_115 {strides = array<i32>} : memref<1x256x16xi32, #tpu.memory_space<vmem>>, vector<1x256x1xi32>,
    %broadcast_in_dim3A_116 = vector.shape_cast %argmin3A_106 : vector<256xi32> to vector<256x1xi32>
    %eq3A_117 = vector.broadcast %broadcast_in_dim3A_116 : vector<256x1xi32> to vector<256x4096xi32>
    %eq3A_118 = arith.cmpi eq, %iota3A, %eq3A_117 : vector<256x4096xi32>
    %jit3A_119 = arith.constant 3.000000e+38 : f32
    %broadcast_in_dim3A_120 = vector.broadcast %jit3A_119 : f32 to vector<256x4096xf32>
    %select_n3A_121 = arith.select %eq3A_118, %broadcast_in_dim3A_120, %select_n3A_105 : vector<256x4096xi1>, vector<256x4096xf32>
    %argmin3A_122 = tpu.reduce_index %select_n3A_121 {axis = 1 : i32, kind = #tpu.reduction_kind<arg_min>} : vector<256x4096xf32> -> vector<256xi32>
    %add3A_123 = arith.constant 4096 : i32
    %add3A_124 = vector.broadcast %add3A_123 : i32 to vector<256xi32>
    %add3A_125 = arith.addi %argmin3A_122, %add3A_124 : vector<256xi32>
    %swap3A_126 = arith.constant 0 : index
    %swap3A_127 = arith.constant 0 : index
    %swap3A_128 = arith.constant 6 : index
    %swap3A_129 = vector.load %arg3[%swap3A_126, %swap3A_127, %swap3A_128] : memref<1x256x16xi32, #tpu.memory_space<vmem>>, vector<1x256x1xi32>
    %swap3A_130 = vector.shape_cast %swap3A_129 : vector<1x256x1xi32> to vector<256xi32>
    %swap3A_131 = vector.shape_cast %add3A_125 : vector<256xi32> to vector<1x256x1xi32>
    tpu.vector_store %arg3[%swap3A_126, %swap3A_127, %swap3A_128], %swap3A_131 {strides = array<i32>} : memref<1x256x16xi32, #tpu.memory_space<vmem>>, vector<1x256x1xi32>,
    %broadcast_in_dim3A_132 = vector.shape_cast %argmin3A_122 : vector<256xi32> to vector<256x1xi32>
    %eq3A_133 = vector.broadcast %broadcast_in_dim3A_132 : vector<256x1xi32> to vector<256x4096xi32>
    %eq3A_134 = arith.cmpi eq, %iota3A, %eq3A_133 : vector<256x4096xi32>
    %jit3A_135 = arith.constant 3.000000e+38 : f32
    %broadcast_in_dim3A_136 = vector.broadcast %jit3A_135 : f32 to vector<256x4096xf32>
    %select_n3A_137 = arith.select %eq3A_134, %broadcast_in_dim3A_136, %select_n3A_121 : vector<256x4096xi1>, vector<256x4096xf32>
    %argmin3A_138 = tpu.reduce_index %select_n3A_137 {axis = 1 : i32, kind = #tpu.reduction_kind<arg_min>} : vector<256x4096xf32> -> vector<256xi32>
    %add3A_139 = arith.constant 4096 : i32
    %add3A_140 = vector.broadcast %add3A_139 : i32 to vector<256xi32>
    %add3A_141 = arith.addi %argmin3A_138, %add3A_140 : vector<256xi32>
    %swap3A_142 = arith.constant 0 : index
    %swap3A_143 = arith.constant 0 : index
    %swap3A_144 = arith.constant 7 : index
    %swap3A_145 = vector.load %arg3[%swap3A_142, %swap3A_143, %swap3A_144] : memref<1x256x16xi32, #tpu.memory_space<vmem>>, vector<1x256x1xi32>
    %swap3A_146 = vector.shape_cast %swap3A_145 : vector<1x256x1xi32> to vector<256xi32>
    %swap3A_147 = vector.shape_cast %add3A_141 : vector<256xi32> to vector<1x256x1xi32>
    tpu.vector_store %arg3[%swap3A_142, %swap3A_143, %swap3A_144], %swap3A_147 {strides = array<i32>} : memref<1x256x16xi32, #tpu.memory_space<vmem>>, vector<1x256x1xi32>,
    %broadcast_in_dim3A_148 = vector.shape_cast %argmin3A_138 : vector<256xi32> to vector<256x1xi32>
    %eq3A_149 = vector.broadcast %broadcast_in_dim3A_148 : vector<256x1xi32> to vector<256x4096xi32>
    %eq3A_150 = arith.cmpi eq, %iota3A, %eq3A_149 : vector<256x4096xi32>
    %jit3A_151 = arith.constant 3.000000e+38 : f32
    %broadcast_in_dim3A_152 = vector.broadcast %jit3A_151 : f32 to vector<256x4096xf32>
    %select_n3A_153 = arith.select %eq3A_150, %broadcast_in_dim3A_152, %select_n3A_137 : vector<256x4096xi1>, vector<256x4096xf32>
    %argmin3A_154 = tpu.reduce_index %select_n3A_153 {axis = 1 : i32, kind = #tpu.reduction_kind<arg_min>} : vector<256x4096xf32> -> vector<256xi32>
    %add3A_155 = arith.constant 4096 : i32
    %add3A_156 = vector.broadcast %add3A_155 : i32 to vector<256xi32>
    %add3A_157 = arith.addi %argmin3A_154, %add3A_156 : vector<256xi32>
    %swap3A_158 = arith.constant 0 : index
    %swap3A_159 = arith.constant 0 : index
    %swap3A_160 = arith.constant 8 : index
    %swap3A_161 = vector.load %arg3[%swap3A_158, %swap3A_159, %swap3A_160] : memref<1x256x16xi32, #tpu.memory_space<vmem>>, vector<1x256x1xi32>
    %swap3A_162 = vector.shape_cast %swap3A_161 : vector<1x256x1xi32> to vector<256xi32>
    %swap3A_163 = vector.shape_cast %add3A_157 : vector<256xi32> to vector<1x256x1xi32>
    tpu.vector_store %arg3[%swap3A_158, %swap3A_159, %swap3A_160], %swap3A_163 {strides = array<i32>} : memref<1x256x16xi32, #tpu.memory_space<vmem>>, vector<1x256x1xi32>,
    %broadcast_in_dim3A_164 = vector.shape_cast %argmin3A_154 : vector<256xi32> to vector<256x1xi32>
    %eq3A_165 = vector.broadcast %broadcast_in_dim3A_164 : vector<256x1xi32> to vector<256x4096xi32>
    %eq3A_166 = arith.cmpi eq, %iota3A, %eq3A_165 : vector<256x4096xi32>
    %jit3A_167 = arith.constant 3.000000e+38 : f32
    %broadcast_in_dim3A_168 = vector.broadcast %jit3A_167 : f32 to vector<256x4096xf32>
    %select_n3A_169 = arith.select %eq3A_166, %broadcast_in_dim3A_168, %select_n3A_153 : vector<256x4096xi1>, vector<256x4096xf32>
    %argmin3A_170 = tpu.reduce_index %select_n3A_169 {axis = 1 : i32, kind = #tpu.reduction_kind<arg_min>} : vector<256x4096xf32> -> vector<256xi32>
    %add3A_171 = arith.constant 4096 : i32
    %add3A_172 = vector.broadcast %add3A_171 : i32 to vector<256xi32>
    %add3A_173 = arith.addi %argmin3A_170, %add3A_172 : vector<256xi32>
    %swap3A_174 = arith.constant 0 : index
    %swap3A_175 = arith.constant 0 : index
    %swap3A_176 = arith.constant 9 : index
    %swap3A_177 = vector.load %arg3[%swap3A_174, %swap3A_175, %swap3A_176] : memref<1x256x16xi32, #tpu.memory_space<vmem>>, vector<1x256x1xi32>
    %swap3A_178 = vector.shape_cast %swap3A_177 : vector<1x256x1xi32> to vector<256xi32>
    %swap3A_179 = vector.shape_cast %add3A_173 : vector<256xi32> to vector<1x256x1xi32>
    tpu.vector_store %arg3[%swap3A_174, %swap3A_175, %swap3A_176], %swap3A_179 {strides = array<i32>} : memref<1x256x16xi32, #tpu.memory_space<vmem>>, vector<1x256x1xi32>,
    %broadcast_in_dim3A_180 = vector.shape_cast %argmin3A_170 : vector<256xi32> to vector<256x1xi32>
    %eq3A_181 = vector.broadcast %broadcast_in_dim3A_180 : vector<256x1xi32> to vector<256x4096xi32>
    %eq3A_182 = arith.cmpi eq, %iota3A, %eq3A_181 : vector<256x4096xi32>
    %jit3A_183 = arith.constant 3.000000e+38 : f32
    %broadcast_in_dim3A_184 = vector.broadcast %jit3A_183 : f32 to vector<256x4096xf32>
    %select_n3A_185 = arith.select %eq3A_182, %broadcast_in_dim3A_184, %select_n3A_169 : vector<256x4096xi1>, vector<256x4096xf32>
    %argmin3A_186 = tpu.reduce_index %select_n3A_185 {axis = 1 : i32, kind = #tpu.reduction_kind<arg_min>} : vector<256x4096xf32> -> vector<256xi32>
    %add3A_187 = arith.constant 4096 : i32
    %add3A_188 = vector.broadcast %add3A_187 : i32 to vector<256xi32>
    %add3A_189 = arith.addi %argmin3A_186, %add3A_188 : vector<256xi32>
    %swap3A_190 = arith.constant 0 : index
    %swap3A_191 = arith.constant 0 : index
    %swap3A_192 = arith.constant 10 : index
    %swap3A_193 = vector.load %arg3[%swap3A_190, %swap3A_191, %swap3A_192] : memref<1x256x16xi32, #tpu.memory_space<vmem>>, vector<1x256x1xi32>
    %swap3A_194 = vector.shape_cast %swap3A_193 : vector<1x256x1xi32> to vector<256xi32>
    %swap3A_195 = vector.shape_cast %add3A_189 : vector<256xi32> to vector<1x256x1xi32>
    tpu.vector_store %arg3[%swap3A_190, %swap3A_191, %swap3A_192], %swap3A_195 {strides = array<i32>} : memref<1x256x16xi32, #tpu.memory_space<vmem>>, vector<1x256x1xi32>,
    %broadcast_in_dim3A_196 = vector.shape_cast %argmin3A_186 : vector<256xi32> to vector<256x1xi32>
    %eq3A_197 = vector.broadcast %broadcast_in_dim3A_196 : vector<256x1xi32> to vector<256x4096xi32>
    %eq3A_198 = arith.cmpi eq, %iota3A, %eq3A_197 : vector<256x4096xi32>
    %jit3A_199 = arith.constant 3.000000e+38 : f32
    %broadcast_in_dim3A_200 = vector.broadcast %jit3A_199 : f32 to vector<256x4096xf32>
    %select_n3A_201 = arith.select %eq3A_198, %broadcast_in_dim3A_200, %select_n3A_185 : vector<256x4096xi1>, vector<256x4096xf32>
    %argmin3A_202 = tpu.reduce_index %select_n3A_201 {axis = 1 : i32, kind = #tpu.reduction_kind<arg_min>} : vector<256x4096xf32> -> vector<256xi32>
    %add3A_203 = arith.constant 4096 : i32
    %add3A_204 = vector.broadcast %add3A_203 : i32 to vector<256xi32>
    %add3A_205 = arith.addi %argmin3A_202, %add3A_204 : vector<256xi32>
    %swap3A_206 = arith.constant 0 : index
    %swap3A_207 = arith.constant 0 : index
    %swap3A_208 = arith.constant 11 : index
    %swap3A_209 = vector.load %arg3[%swap3A_206, %swap3A_207, %swap3A_208] : memref<1x256x16xi32, #tpu.memory_space<vmem>>, vector<1x256x1xi32>
    %swap3A_210 = vector.shape_cast %swap3A_209 : vector<1x256x1xi32> to vector<256xi32>
    %swap3A_211 = vector.shape_cast %add3A_205 : vector<256xi32> to vector<1x256x1xi32>
    tpu.vector_store %arg3[%swap3A_206, %swap3A_207, %swap3A_208], %swap3A_211 {strides = array<i32>} : memref<1x256x16xi32, #tpu.memory_space<vmem>>, vector<1x256x1xi32>,
    %broadcast_in_dim3A_212 = vector.shape_cast %argmin3A_202 : vector<256xi32> to vector<256x1xi32>
    %eq3A_213 = vector.broadcast %broadcast_in_dim3A_212 : vector<256x1xi32> to vector<256x4096xi32>
    %eq3A_214 = arith.cmpi eq, %iota3A, %eq3A_213 : vector<256x4096xi32>
    %jit3A_215 = arith.constant 3.000000e+38 : f32
    %broadcast_in_dim3A_216 = vector.broadcast %jit3A_215 : f32 to vector<256x4096xf32>
    %select_n3A_217 = arith.select %eq3A_214, %broadcast_in_dim3A_216, %select_n3A_201 : vector<256x4096xi1>, vector<256x4096xf32>
    %argmin3A_218 = tpu.reduce_index %select_n3A_217 {axis = 1 : i32, kind = #tpu.reduction_kind<arg_min>} : vector<256x4096xf32> -> vector<256xi32>
    %add3A_219 = arith.constant 4096 : i32
    %add3A_220 = vector.broadcast %add3A_219 : i32 to vector<256xi32>
    %add3A_221 = arith.addi %argmin3A_218, %add3A_220 : vector<256xi32>
    %swap3A_222 = arith.constant 0 : index
    %swap3A_223 = arith.constant 0 : index
    %swap3A_224 = arith.constant 12 : index
    %swap3A_225 = vector.load %arg3[%swap3A_222, %swap3A_223, %swap3A_224] : memref<1x256x16xi32, #tpu.memory_space<vmem>>, vector<1x256x1xi32>
    %swap3A_226 = vector.shape_cast %swap3A_225 : vector<1x256x1xi32> to vector<256xi32>
    %swap3A_227 = vector.shape_cast %add3A_221 : vector<256xi32> to vector<1x256x1xi32>
    tpu.vector_store %arg3[%swap3A_222, %swap3A_223, %swap3A_224], %swap3A_227 {strides = array<i32>} : memref<1x256x16xi32, #tpu.memory_space<vmem>>, vector<1x256x1xi32>,
    %broadcast_in_dim3A_228 = vector.shape_cast %argmin3A_218 : vector<256xi32> to vector<256x1xi32>
    %eq3A_229 = vector.broadcast %broadcast_in_dim3A_228 : vector<256x1xi32> to vector<256x4096xi32>
    %eq3A_230 = arith.cmpi eq, %iota3A, %eq3A_229 : vector<256x4096xi32>
    %jit3A_231 = arith.constant 3.000000e+38 : f32
    %broadcast_in_dim3A_232 = vector.broadcast %jit3A_231 : f32 to vector<256x4096xf32>
    %select_n3A_233 = arith.select %eq3A_230, %broadcast_in_dim3A_232, %select_n3A_217 : vector<256x4096xi1>, vector<256x4096xf32>
    %argmin3A_234 = tpu.reduce_index %select_n3A_233 {axis = 1 : i32, kind = #tpu.reduction_kind<arg_min>} : vector<256x4096xf32> -> vector<256xi32>
    %add3A_235 = arith.constant 4096 : i32
    %add3A_236 = vector.broadcast %add3A_235 : i32 to vector<256xi32>
    %add3A_237 = arith.addi %argmin3A_234, %add3A_236 : vector<256xi32>
    %swap3A_238 = arith.constant 0 : index
    %swap3A_239 = arith.constant 0 : index
    %swap3A_240 = arith.constant 13 : index
    %swap3A_241 = vector.load %arg3[%swap3A_238, %swap3A_239, %swap3A_240] : memref<1x256x16xi32, #tpu.memory_space<vmem>>, vector<1x256x1xi32>
    %swap3A_242 = vector.shape_cast %swap3A_241 : vector<1x256x1xi32> to vector<256xi32>
    %swap3A_243 = vector.shape_cast %add3A_237 : vector<256xi32> to vector<1x256x1xi32>
    tpu.vector_store %arg3[%swap3A_238, %swap3A_239, %swap3A_240], %swap3A_243 {strides = array<i32>} : memref<1x256x16xi32, #tpu.memory_space<vmem>>, vector<1x256x1xi32>,
    %broadcast_in_dim3A_244 = vector.shape_cast %argmin3A_234 : vector<256xi32> to vector<256x1xi32>
    %eq3A_245 = vector.broadcast %broadcast_in_dim3A_244 : vector<256x1xi32> to vector<256x4096xi32>
    %eq3A_246 = arith.cmpi eq, %iota3A, %eq3A_245 : vector<256x4096xi32>
    %jit3A_247 = arith.constant 3.000000e+38 : f32
    %broadcast_in_dim3A_248 = vector.broadcast %jit3A_247 : f32 to vector<256x4096xf32>
    %select_n3A_249 = arith.select %eq3A_246, %broadcast_in_dim3A_248, %select_n3A_233 : vector<256x4096xi1>, vector<256x4096xf32>
    %argmin3A_250 = tpu.reduce_index %select_n3A_249 {axis = 1 : i32, kind = #tpu.reduction_kind<arg_min>} : vector<256x4096xf32> -> vector<256xi32>
    %add3A_251 = arith.constant 4096 : i32
    %add3A_252 = vector.broadcast %add3A_251 : i32 to vector<256xi32>
    %add3A_253 = arith.addi %argmin3A_250, %add3A_252 : vector<256xi32>
    %swap3A_254 = arith.constant 0 : index
    %swap3A_255 = arith.constant 0 : index
    %swap3A_256 = arith.constant 14 : index
    %swap3A_257 = vector.load %arg3[%swap3A_254, %swap3A_255, %swap3A_256] : memref<1x256x16xi32, #tpu.memory_space<vmem>>, vector<1x256x1xi32>
    %swap3A_258 = vector.shape_cast %swap3A_257 : vector<1x256x1xi32> to vector<256xi32>
    %swap3A_259 = vector.shape_cast %add3A_253 : vector<256xi32> to vector<1x256x1xi32>
    tpu.vector_store %arg3[%swap3A_254, %swap3A_255, %swap3A_256], %swap3A_259 {strides = array<i32>} : memref<1x256x16xi32, #tpu.memory_space<vmem>>, vector<1x256x1xi32>,
    %broadcast_in_dim3A_260 = vector.shape_cast %argmin3A_250 : vector<256xi32> to vector<256x1xi32>
    %eq3A_261 = vector.broadcast %broadcast_in_dim3A_260 : vector<256x1xi32> to vector<256x4096xi32>
    %eq3A_262 = arith.cmpi eq, %iota3A, %eq3A_261 : vector<256x4096xi32>
    %jit3A_263 = arith.constant 3.000000e+38 : f32
    %broadcast_in_dim3A_264 = vector.broadcast %jit3A_263 : f32 to vector<256x4096xf32>
    %select_n3A_265 = arith.select %eq3A_262, %broadcast_in_dim3A_264, %select_n3A_249 : vector<256x4096xi1>, vector<256x4096xf32>
    %argmin3A_266 = tpu.reduce_index %select_n3A_265 {axis = 1 : i32, kind = #tpu.reduction_kind<arg_min>} : vector<256x4096xf32> -> vector<256xi32>
    %add3A_267 = arith.constant 4096 : i32
    %add3A_268 = vector.broadcast %add3A_267 : i32 to vector<256xi32>
    %add3A_269 = arith.addi %argmin3A_266, %add3A_268 : vector<256xi32>
    %swap3A_270 = arith.constant 0 : index
    %swap3A_271 = arith.constant 0 : index
    %swap3A_272 = arith.constant 15 : index
    %swap3A_273 = vector.load %arg3[%swap3A_270, %swap3A_271, %swap3A_272] : memref<1x256x16xi32, #tpu.memory_space<vmem>>, vector<1x256x1xi32>
    %swap3A_274 = vector.shape_cast %swap3A_273 : vector<1x256x1xi32> to vector<256xi32>
    %swap3A_275 = vector.shape_cast %add3A_269 : vector<256xi32> to vector<1x256x1xi32>
    tpu.vector_store %arg3[%swap3A_270, %swap3A_271, %swap3A_272], %swap3A_275 {strides = array<i32>} : memref<1x256x16xi32, #tpu.memory_space<vmem>>, vector<1x256x1xi32>,
    return
  }
  func.func @transform_0(%arg0: i32) -> (i32, i32, i32) {
    %c1_i32 = arith.constant 1 : i32
    %c0_i32 = arith.constant 0 : i32
    %c0_i32_0 = arith.constant 0 : i32
    return %c1_i32, %arg0, %c0_i32 : i32, i32, i32
  }
  func.func @transform_1(%arg0: i32) -> (i32, i32, i32) {
    %c1_i32 = arith.constant 1 : i32
    %c0_i32 = arith.constant 0 : i32
    %c0_i32_0 = arith.constant 0 : i32
    %c0_i32_1 = arith.constant 0 : i32
    return %c1_i32, %c0_i32, %c0_i32_0 : i32, i32, i32
  }
  func.func @transform_2(%arg0: i32) -> (i32, i32, i32) {
    %c0_i32 = arith.constant 0 : i32
    %c0_i32_0 = arith.constant 0 : i32
    %c0_i32_1 = arith.constant 0 : i32
    return %c0_i32, %arg0, %c0_i32_0 : i32, i32, i32
  }
}

module attributes {stable_mosaic.version = 14 : i64} {
  func.func @_knn_body(%arg0: i32, %arg1: memref<1x256x8xf32, #tpu.memory_space<vmem>>, %arg2: memref<1x8x4096xf32, #tpu.memory_space<vmem>>, %arg3: memref<1x256x16xi32, #tpu.memory_space<vmem>>) attributes {dimension_semantics = [#tpu.dimension_semantics<arbitrary>], iteration_bounds = array<i64: 16>, scalar_prefetch = 0 : i64, scratch_operands = 0 : i64, tpu.core_type = #tpu.core_type<tc>, window_params = [{transform_indices = @transform_0, window_bounds = array<i64: 1, 256, 8>}, {transform_indices = @transform_1, window_bounds = array<i64: 1, 8, 4096>}, {transform_indices = @transform_2, window_bounds = array<i64: 1, 256, 16>}]} {
    %get3A = arith.constant 0 : index
    %get3A_0 = arith.constant 0 : index
    %get3A_1 = arith.constant 0 : index
    %get3A_2 = vector.load %arg1[%get3A, %get3A_0, %get3A_1] : memref<1x256x8xf32, #tpu.memory_space<vmem>>, vector<1x256x8xf32>
    %get3A_3 = vector.shape_cast %get3A_2 : vector<1x256x8xf32> to vector<256x8xf32>
    %get3A_4 = arith.constant 0 : index
    %get3A_5 = arith.constant 0 : index
    %get3A_6 = arith.constant 0 : index
    %get3A_7 = vector.load %arg2[%get3A_4, %get3A_5, %get3A_6] : memref<1x8x4096xf32, #tpu.memory_space<vmem>>, vector<1x8x4096xf32>
    %get3A_8 = vector.shape_cast %get3A_7 : vector<1x8x4096xf32> to vector<8x4096xf32>
    %slice3A = vector.extract_strided_slice %get3A_3 {offsets = [0, 0], sizes = [256, 1], strides = [1, 1]} : vector<256x8xf32> to vector<256x1xf32>
    %slice3A_9 = vector.extract_strided_slice %get3A_8 {offsets = [0, 0], sizes = [1, 4096], strides = [1, 1]} : vector<8x4096xf32> to vector<1x4096xf32>
    %mul3A = vector.broadcast %slice3A : vector<256x1xf32> to vector<256x4096xf32>
    %mul3A_10 = vector.broadcast %slice3A_9 : vector<1x4096xf32> to vector<256x4096xf32>
    %mul3A_11 = arith.mulf %mul3A, %mul3A_10 : vector<256x4096xf32>
    %slice3A_12 = vector.extract_strided_slice %get3A_3 {offsets = [0, 1], sizes = [256, 1], strides = [1, 1]} : vector<256x8xf32> to vector<256x1xf32>
    %slice3A_13 = vector.extract_strided_slice %get3A_8 {offsets = [1, 0], sizes = [1, 4096], strides = [1, 1]} : vector<8x4096xf32> to vector<1x4096xf32>
    %mul3A_14 = vector.broadcast %slice3A_12 : vector<256x1xf32> to vector<256x4096xf32>
    %mul3A_15 = vector.broadcast %slice3A_13 : vector<1x4096xf32> to vector<256x4096xf32>
    %mul3A_16 = arith.mulf %mul3A_14, %mul3A_15 : vector<256x4096xf32>
    %add3A = arith.addf %mul3A_11, %mul3A_16 : vector<256x4096xf32>
    %slice3A_17 = vector.extract_strided_slice %get3A_3 {offsets = [0, 2], sizes = [256, 1], strides = [1, 1]} : vector<256x8xf32> to vector<256x1xf32>
    %slice3A_18 = vector.extract_strided_slice %get3A_8 {offsets = [2, 0], sizes = [1, 4096], strides = [1, 1]} : vector<8x4096xf32> to vector<1x4096xf32>
    %mul3A_19 = vector.broadcast %slice3A_17 : vector<256x1xf32> to vector<256x4096xf32>
    %mul3A_20 = vector.broadcast %slice3A_18 : vector<1x4096xf32> to vector<256x4096xf32>
    %mul3A_21 = arith.mulf %mul3A_19, %mul3A_20 : vector<256x4096xf32>
    %add3A_22 = arith.addf %add3A, %mul3A_21 : vector<256x4096xf32>
    %mul3A_23 = arith.constant -2.000000e+00 : f32
    %mul3A_24 = vector.broadcast %mul3A_23 : f32 to vector<256x4096xf32>
    %mul3A_25 = arith.mulf %mul3A_24, %add3A_22 : vector<256x4096xf32>
    %slice3A_26 = vector.extract_strided_slice %get3A_3 {offsets = [0, 3], sizes = [256, 1], strides = [1, 1]} : vector<256x8xf32> to vector<256x1xf32>
    %add3A_27 = vector.broadcast %slice3A_26 : vector<256x1xf32> to vector<256x4096xf32>
    %add3A_28 = arith.addf %mul3A_25, %add3A_27 : vector<256x4096xf32>
    %slice3A_29 = vector.extract_strided_slice %get3A_8 {offsets = [3, 0], sizes = [1, 4096], strides = [1, 1]} : vector<8x4096xf32> to vector<1x4096xf32>
    %add3A_30 = vector.broadcast %slice3A_29 : vector<1x4096xf32> to vector<256x4096xf32>
    %add3A_31 = arith.addf %add3A_28, %add3A_30 : vector<256x4096xf32>
    %iota3A = tpu.iota {dimensions = array<i32: 1>} : vector<256x4096xi32>
    %argmin3A = tpu.reduce_index %add3A_31 {axis = 1 : i32, kind = #tpu.reduction_kind<arg_min>} : vector<256x4096xf32> -> vector<256xi32>
    %add3A_32 = arith.constant 8192 : i32
    %add3A_33 = vector.broadcast %add3A_32 : i32 to vector<256xi32>
    %add3A_34 = arith.addi %argmin3A, %add3A_33 : vector<256xi32>
    %swap3A = arith.constant 0 : index
    %swap3A_35 = arith.constant 0 : index
    %swap3A_36 = arith.constant 0 : index
    %swap3A_37 = vector.load %arg3[%swap3A, %swap3A_35, %swap3A_36] : memref<1x256x16xi32, #tpu.memory_space<vmem>>, vector<1x256x1xi32>
    %swap3A_38 = vector.shape_cast %swap3A_37 : vector<1x256x1xi32> to vector<256xi32>
    %swap3A_39 = vector.shape_cast %add3A_34 : vector<256xi32> to vector<1x256x1xi32>
    tpu.vector_store %arg3[%swap3A, %swap3A_35, %swap3A_36], %swap3A_39 {strides = array<i32>} : memref<1x256x16xi32, #tpu.memory_space<vmem>>, vector<1x256x1xi32>,
    %broadcast_in_dim3A = vector.shape_cast %argmin3A : vector<256xi32> to vector<256x1xi32>
    %eq3A = vector.broadcast %broadcast_in_dim3A : vector<256x1xi32> to vector<256x4096xi32>
    %eq3A_40 = arith.cmpi eq, %iota3A, %eq3A : vector<256x4096xi32>
    %jit3A = arith.constant 3.000000e+38 : f32
    %broadcast_in_dim3A_41 = vector.broadcast %jit3A : f32 to vector<256x4096xf32>
    %select_n3A = arith.select %eq3A_40, %broadcast_in_dim3A_41, %add3A_31 : vector<256x4096xi1>, vector<256x4096xf32>
    %argmin3A_42 = tpu.reduce_index %select_n3A {axis = 1 : i32, kind = #tpu.reduction_kind<arg_min>} : vector<256x4096xf32> -> vector<256xi32>
    %add3A_43 = arith.constant 8192 : i32
    %add3A_44 = vector.broadcast %add3A_43 : i32 to vector<256xi32>
    %add3A_45 = arith.addi %argmin3A_42, %add3A_44 : vector<256xi32>
    %swap3A_46 = arith.constant 0 : index
    %swap3A_47 = arith.constant 0 : index
    %swap3A_48 = arith.constant 1 : index
    %swap3A_49 = vector.load %arg3[%swap3A_46, %swap3A_47, %swap3A_48] : memref<1x256x16xi32, #tpu.memory_space<vmem>>, vector<1x256x1xi32>
    %swap3A_50 = vector.shape_cast %swap3A_49 : vector<1x256x1xi32> to vector<256xi32>
    %swap3A_51 = vector.shape_cast %add3A_45 : vector<256xi32> to vector<1x256x1xi32>
    tpu.vector_store %arg3[%swap3A_46, %swap3A_47, %swap3A_48], %swap3A_51 {strides = array<i32>} : memref<1x256x16xi32, #tpu.memory_space<vmem>>, vector<1x256x1xi32>,
    %broadcast_in_dim3A_52 = vector.shape_cast %argmin3A_42 : vector<256xi32> to vector<256x1xi32>
    %eq3A_53 = vector.broadcast %broadcast_in_dim3A_52 : vector<256x1xi32> to vector<256x4096xi32>
    %eq3A_54 = arith.cmpi eq, %iota3A, %eq3A_53 : vector<256x4096xi32>
    %jit3A_55 = arith.constant 3.000000e+38 : f32
    %broadcast_in_dim3A_56 = vector.broadcast %jit3A_55 : f32 to vector<256x4096xf32>
    %select_n3A_57 = arith.select %eq3A_54, %broadcast_in_dim3A_56, %select_n3A : vector<256x4096xi1>, vector<256x4096xf32>
    %argmin3A_58 = tpu.reduce_index %select_n3A_57 {axis = 1 : i32, kind = #tpu.reduction_kind<arg_min>} : vector<256x4096xf32> -> vector<256xi32>
    %add3A_59 = arith.constant 8192 : i32
    %add3A_60 = vector.broadcast %add3A_59 : i32 to vector<256xi32>
    %add3A_61 = arith.addi %argmin3A_58, %add3A_60 : vector<256xi32>
    %swap3A_62 = arith.constant 0 : index
    %swap3A_63 = arith.constant 0 : index
    %swap3A_64 = arith.constant 2 : index
    %swap3A_65 = vector.load %arg3[%swap3A_62, %swap3A_63, %swap3A_64] : memref<1x256x16xi32, #tpu.memory_space<vmem>>, vector<1x256x1xi32>
    %swap3A_66 = vector.shape_cast %swap3A_65 : vector<1x256x1xi32> to vector<256xi32>
    %swap3A_67 = vector.shape_cast %add3A_61 : vector<256xi32> to vector<1x256x1xi32>
    tpu.vector_store %arg3[%swap3A_62, %swap3A_63, %swap3A_64], %swap3A_67 {strides = array<i32>} : memref<1x256x16xi32, #tpu.memory_space<vmem>>, vector<1x256x1xi32>,
    %broadcast_in_dim3A_68 = vector.shape_cast %argmin3A_58 : vector<256xi32> to vector<256x1xi32>
    %eq3A_69 = vector.broadcast %broadcast_in_dim3A_68 : vector<256x1xi32> to vector<256x4096xi32>
    %eq3A_70 = arith.cmpi eq, %iota3A, %eq3A_69 : vector<256x4096xi32>
    %jit3A_71 = arith.constant 3.000000e+38 : f32
    %broadcast_in_dim3A_72 = vector.broadcast %jit3A_71 : f32 to vector<256x4096xf32>
    %select_n3A_73 = arith.select %eq3A_70, %broadcast_in_dim3A_72, %select_n3A_57 : vector<256x4096xi1>, vector<256x4096xf32>
    %argmin3A_74 = tpu.reduce_index %select_n3A_73 {axis = 1 : i32, kind = #tpu.reduction_kind<arg_min>} : vector<256x4096xf32> -> vector<256xi32>
    %add3A_75 = arith.constant 8192 : i32
    %add3A_76 = vector.broadcast %add3A_75 : i32 to vector<256xi32>
    %add3A_77 = arith.addi %argmin3A_74, %add3A_76 : vector<256xi32>
    %swap3A_78 = arith.constant 0 : index
    %swap3A_79 = arith.constant 0 : index
    %swap3A_80 = arith.constant 3 : index
    %swap3A_81 = vector.load %arg3[%swap3A_78, %swap3A_79, %swap3A_80] : memref<1x256x16xi32, #tpu.memory_space<vmem>>, vector<1x256x1xi32>
    %swap3A_82 = vector.shape_cast %swap3A_81 : vector<1x256x1xi32> to vector<256xi32>
    %swap3A_83 = vector.shape_cast %add3A_77 : vector<256xi32> to vector<1x256x1xi32>
    tpu.vector_store %arg3[%swap3A_78, %swap3A_79, %swap3A_80], %swap3A_83 {strides = array<i32>} : memref<1x256x16xi32, #tpu.memory_space<vmem>>, vector<1x256x1xi32>,
    %broadcast_in_dim3A_84 = vector.shape_cast %argmin3A_74 : vector<256xi32> to vector<256x1xi32>
    %eq3A_85 = vector.broadcast %broadcast_in_dim3A_84 : vector<256x1xi32> to vector<256x4096xi32>
    %eq3A_86 = arith.cmpi eq, %iota3A, %eq3A_85 : vector<256x4096xi32>
    %jit3A_87 = arith.constant 3.000000e+38 : f32
    %broadcast_in_dim3A_88 = vector.broadcast %jit3A_87 : f32 to vector<256x4096xf32>
    %select_n3A_89 = arith.select %eq3A_86, %broadcast_in_dim3A_88, %select_n3A_73 : vector<256x4096xi1>, vector<256x4096xf32>
    %argmin3A_90 = tpu.reduce_index %select_n3A_89 {axis = 1 : i32, kind = #tpu.reduction_kind<arg_min>} : vector<256x4096xf32> -> vector<256xi32>
    %add3A_91 = arith.constant 8192 : i32
    %add3A_92 = vector.broadcast %add3A_91 : i32 to vector<256xi32>
    %add3A_93 = arith.addi %argmin3A_90, %add3A_92 : vector<256xi32>
    %swap3A_94 = arith.constant 0 : index
    %swap3A_95 = arith.constant 0 : index
    %swap3A_96 = arith.constant 4 : index
    %swap3A_97 = vector.load %arg3[%swap3A_94, %swap3A_95, %swap3A_96] : memref<1x256x16xi32, #tpu.memory_space<vmem>>, vector<1x256x1xi32>
    %swap3A_98 = vector.shape_cast %swap3A_97 : vector<1x256x1xi32> to vector<256xi32>
    %swap3A_99 = vector.shape_cast %add3A_93 : vector<256xi32> to vector<1x256x1xi32>
    tpu.vector_store %arg3[%swap3A_94, %swap3A_95, %swap3A_96], %swap3A_99 {strides = array<i32>} : memref<1x256x16xi32, #tpu.memory_space<vmem>>, vector<1x256x1xi32>,
    %broadcast_in_dim3A_100 = vector.shape_cast %argmin3A_90 : vector<256xi32> to vector<256x1xi32>
    %eq3A_101 = vector.broadcast %broadcast_in_dim3A_100 : vector<256x1xi32> to vector<256x4096xi32>
    %eq3A_102 = arith.cmpi eq, %iota3A, %eq3A_101 : vector<256x4096xi32>
    %jit3A_103 = arith.constant 3.000000e+38 : f32
    %broadcast_in_dim3A_104 = vector.broadcast %jit3A_103 : f32 to vector<256x4096xf32>
    %select_n3A_105 = arith.select %eq3A_102, %broadcast_in_dim3A_104, %select_n3A_89 : vector<256x4096xi1>, vector<256x4096xf32>
    %argmin3A_106 = tpu.reduce_index %select_n3A_105 {axis = 1 : i32, kind = #tpu.reduction_kind<arg_min>} : vector<256x4096xf32> -> vector<256xi32>
    %add3A_107 = arith.constant 8192 : i32
    %add3A_108 = vector.broadcast %add3A_107 : i32 to vector<256xi32>
    %add3A_109 = arith.addi %argmin3A_106, %add3A_108 : vector<256xi32>
    %swap3A_110 = arith.constant 0 : index
    %swap3A_111 = arith.constant 0 : index
    %swap3A_112 = arith.constant 5 : index
    %swap3A_113 = vector.load %arg3[%swap3A_110, %swap3A_111, %swap3A_112] : memref<1x256x16xi32, #tpu.memory_space<vmem>>, vector<1x256x1xi32>
    %swap3A_114 = vector.shape_cast %swap3A_113 : vector<1x256x1xi32> to vector<256xi32>
    %swap3A_115 = vector.shape_cast %add3A_109 : vector<256xi32> to vector<1x256x1xi32>
    tpu.vector_store %arg3[%swap3A_110, %swap3A_111, %swap3A_112], %swap3A_115 {strides = array<i32>} : memref<1x256x16xi32, #tpu.memory_space<vmem>>, vector<1x256x1xi32>,
    %broadcast_in_dim3A_116 = vector.shape_cast %argmin3A_106 : vector<256xi32> to vector<256x1xi32>
    %eq3A_117 = vector.broadcast %broadcast_in_dim3A_116 : vector<256x1xi32> to vector<256x4096xi32>
    %eq3A_118 = arith.cmpi eq, %iota3A, %eq3A_117 : vector<256x4096xi32>
    %jit3A_119 = arith.constant 3.000000e+38 : f32
    %broadcast_in_dim3A_120 = vector.broadcast %jit3A_119 : f32 to vector<256x4096xf32>
    %select_n3A_121 = arith.select %eq3A_118, %broadcast_in_dim3A_120, %select_n3A_105 : vector<256x4096xi1>, vector<256x4096xf32>
    %argmin3A_122 = tpu.reduce_index %select_n3A_121 {axis = 1 : i32, kind = #tpu.reduction_kind<arg_min>} : vector<256x4096xf32> -> vector<256xi32>
    %add3A_123 = arith.constant 8192 : i32
    %add3A_124 = vector.broadcast %add3A_123 : i32 to vector<256xi32>
    %add3A_125 = arith.addi %argmin3A_122, %add3A_124 : vector<256xi32>
    %swap3A_126 = arith.constant 0 : index
    %swap3A_127 = arith.constant 0 : index
    %swap3A_128 = arith.constant 6 : index
    %swap3A_129 = vector.load %arg3[%swap3A_126, %swap3A_127, %swap3A_128] : memref<1x256x16xi32, #tpu.memory_space<vmem>>, vector<1x256x1xi32>
    %swap3A_130 = vector.shape_cast %swap3A_129 : vector<1x256x1xi32> to vector<256xi32>
    %swap3A_131 = vector.shape_cast %add3A_125 : vector<256xi32> to vector<1x256x1xi32>
    tpu.vector_store %arg3[%swap3A_126, %swap3A_127, %swap3A_128], %swap3A_131 {strides = array<i32>} : memref<1x256x16xi32, #tpu.memory_space<vmem>>, vector<1x256x1xi32>,
    %broadcast_in_dim3A_132 = vector.shape_cast %argmin3A_122 : vector<256xi32> to vector<256x1xi32>
    %eq3A_133 = vector.broadcast %broadcast_in_dim3A_132 : vector<256x1xi32> to vector<256x4096xi32>
    %eq3A_134 = arith.cmpi eq, %iota3A, %eq3A_133 : vector<256x4096xi32>
    %jit3A_135 = arith.constant 3.000000e+38 : f32
    %broadcast_in_dim3A_136 = vector.broadcast %jit3A_135 : f32 to vector<256x4096xf32>
    %select_n3A_137 = arith.select %eq3A_134, %broadcast_in_dim3A_136, %select_n3A_121 : vector<256x4096xi1>, vector<256x4096xf32>
    %argmin3A_138 = tpu.reduce_index %select_n3A_137 {axis = 1 : i32, kind = #tpu.reduction_kind<arg_min>} : vector<256x4096xf32> -> vector<256xi32>
    %add3A_139 = arith.constant 8192 : i32
    %add3A_140 = vector.broadcast %add3A_139 : i32 to vector<256xi32>
    %add3A_141 = arith.addi %argmin3A_138, %add3A_140 : vector<256xi32>
    %swap3A_142 = arith.constant 0 : index
    %swap3A_143 = arith.constant 0 : index
    %swap3A_144 = arith.constant 7 : index
    %swap3A_145 = vector.load %arg3[%swap3A_142, %swap3A_143, %swap3A_144] : memref<1x256x16xi32, #tpu.memory_space<vmem>>, vector<1x256x1xi32>
    %swap3A_146 = vector.shape_cast %swap3A_145 : vector<1x256x1xi32> to vector<256xi32>
    %swap3A_147 = vector.shape_cast %add3A_141 : vector<256xi32> to vector<1x256x1xi32>
    tpu.vector_store %arg3[%swap3A_142, %swap3A_143, %swap3A_144], %swap3A_147 {strides = array<i32>} : memref<1x256x16xi32, #tpu.memory_space<vmem>>, vector<1x256x1xi32>,
    %broadcast_in_dim3A_148 = vector.shape_cast %argmin3A_138 : vector<256xi32> to vector<256x1xi32>
    %eq3A_149 = vector.broadcast %broadcast_in_dim3A_148 : vector<256x1xi32> to vector<256x4096xi32>
    %eq3A_150 = arith.cmpi eq, %iota3A, %eq3A_149 : vector<256x4096xi32>
    %jit3A_151 = arith.constant 3.000000e+38 : f32
    %broadcast_in_dim3A_152 = vector.broadcast %jit3A_151 : f32 to vector<256x4096xf32>
    %select_n3A_153 = arith.select %eq3A_150, %broadcast_in_dim3A_152, %select_n3A_137 : vector<256x4096xi1>, vector<256x4096xf32>
    %argmin3A_154 = tpu.reduce_index %select_n3A_153 {axis = 1 : i32, kind = #tpu.reduction_kind<arg_min>} : vector<256x4096xf32> -> vector<256xi32>
    %add3A_155 = arith.constant 8192 : i32
    %add3A_156 = vector.broadcast %add3A_155 : i32 to vector<256xi32>
    %add3A_157 = arith.addi %argmin3A_154, %add3A_156 : vector<256xi32>
    %swap3A_158 = arith.constant 0 : index
    %swap3A_159 = arith.constant 0 : index
    %swap3A_160 = arith.constant 8 : index
    %swap3A_161 = vector.load %arg3[%swap3A_158, %swap3A_159, %swap3A_160] : memref<1x256x16xi32, #tpu.memory_space<vmem>>, vector<1x256x1xi32>
    %swap3A_162 = vector.shape_cast %swap3A_161 : vector<1x256x1xi32> to vector<256xi32>
    %swap3A_163 = vector.shape_cast %add3A_157 : vector<256xi32> to vector<1x256x1xi32>
    tpu.vector_store %arg3[%swap3A_158, %swap3A_159, %swap3A_160], %swap3A_163 {strides = array<i32>} : memref<1x256x16xi32, #tpu.memory_space<vmem>>, vector<1x256x1xi32>,
    %broadcast_in_dim3A_164 = vector.shape_cast %argmin3A_154 : vector<256xi32> to vector<256x1xi32>
    %eq3A_165 = vector.broadcast %broadcast_in_dim3A_164 : vector<256x1xi32> to vector<256x4096xi32>
    %eq3A_166 = arith.cmpi eq, %iota3A, %eq3A_165 : vector<256x4096xi32>
    %jit3A_167 = arith.constant 3.000000e+38 : f32
    %broadcast_in_dim3A_168 = vector.broadcast %jit3A_167 : f32 to vector<256x4096xf32>
    %select_n3A_169 = arith.select %eq3A_166, %broadcast_in_dim3A_168, %select_n3A_153 : vector<256x4096xi1>, vector<256x4096xf32>
    %argmin3A_170 = tpu.reduce_index %select_n3A_169 {axis = 1 : i32, kind = #tpu.reduction_kind<arg_min>} : vector<256x4096xf32> -> vector<256xi32>
    %add3A_171 = arith.constant 8192 : i32
    %add3A_172 = vector.broadcast %add3A_171 : i32 to vector<256xi32>
    %add3A_173 = arith.addi %argmin3A_170, %add3A_172 : vector<256xi32>
    %swap3A_174 = arith.constant 0 : index
    %swap3A_175 = arith.constant 0 : index
    %swap3A_176 = arith.constant 9 : index
    %swap3A_177 = vector.load %arg3[%swap3A_174, %swap3A_175, %swap3A_176] : memref<1x256x16xi32, #tpu.memory_space<vmem>>, vector<1x256x1xi32>
    %swap3A_178 = vector.shape_cast %swap3A_177 : vector<1x256x1xi32> to vector<256xi32>
    %swap3A_179 = vector.shape_cast %add3A_173 : vector<256xi32> to vector<1x256x1xi32>
    tpu.vector_store %arg3[%swap3A_174, %swap3A_175, %swap3A_176], %swap3A_179 {strides = array<i32>} : memref<1x256x16xi32, #tpu.memory_space<vmem>>, vector<1x256x1xi32>,
    %broadcast_in_dim3A_180 = vector.shape_cast %argmin3A_170 : vector<256xi32> to vector<256x1xi32>
    %eq3A_181 = vector.broadcast %broadcast_in_dim3A_180 : vector<256x1xi32> to vector<256x4096xi32>
    %eq3A_182 = arith.cmpi eq, %iota3A, %eq3A_181 : vector<256x4096xi32>
    %jit3A_183 = arith.constant 3.000000e+38 : f32
    %broadcast_in_dim3A_184 = vector.broadcast %jit3A_183 : f32 to vector<256x4096xf32>
    %select_n3A_185 = arith.select %eq3A_182, %broadcast_in_dim3A_184, %select_n3A_169 : vector<256x4096xi1>, vector<256x4096xf32>
    %argmin3A_186 = tpu.reduce_index %select_n3A_185 {axis = 1 : i32, kind = #tpu.reduction_kind<arg_min>} : vector<256x4096xf32> -> vector<256xi32>
    %add3A_187 = arith.constant 8192 : i32
    %add3A_188 = vector.broadcast %add3A_187 : i32 to vector<256xi32>
    %add3A_189 = arith.addi %argmin3A_186, %add3A_188 : vector<256xi32>
    %swap3A_190 = arith.constant 0 : index
    %swap3A_191 = arith.constant 0 : index
    %swap3A_192 = arith.constant 10 : index
    %swap3A_193 = vector.load %arg3[%swap3A_190, %swap3A_191, %swap3A_192] : memref<1x256x16xi32, #tpu.memory_space<vmem>>, vector<1x256x1xi32>
    %swap3A_194 = vector.shape_cast %swap3A_193 : vector<1x256x1xi32> to vector<256xi32>
    %swap3A_195 = vector.shape_cast %add3A_189 : vector<256xi32> to vector<1x256x1xi32>
    tpu.vector_store %arg3[%swap3A_190, %swap3A_191, %swap3A_192], %swap3A_195 {strides = array<i32>} : memref<1x256x16xi32, #tpu.memory_space<vmem>>, vector<1x256x1xi32>,
    %broadcast_in_dim3A_196 = vector.shape_cast %argmin3A_186 : vector<256xi32> to vector<256x1xi32>
    %eq3A_197 = vector.broadcast %broadcast_in_dim3A_196 : vector<256x1xi32> to vector<256x4096xi32>
    %eq3A_198 = arith.cmpi eq, %iota3A, %eq3A_197 : vector<256x4096xi32>
    %jit3A_199 = arith.constant 3.000000e+38 : f32
    %broadcast_in_dim3A_200 = vector.broadcast %jit3A_199 : f32 to vector<256x4096xf32>
    %select_n3A_201 = arith.select %eq3A_198, %broadcast_in_dim3A_200, %select_n3A_185 : vector<256x4096xi1>, vector<256x4096xf32>
    %argmin3A_202 = tpu.reduce_index %select_n3A_201 {axis = 1 : i32, kind = #tpu.reduction_kind<arg_min>} : vector<256x4096xf32> -> vector<256xi32>
    %add3A_203 = arith.constant 8192 : i32
    %add3A_204 = vector.broadcast %add3A_203 : i32 to vector<256xi32>
    %add3A_205 = arith.addi %argmin3A_202, %add3A_204 : vector<256xi32>
    %swap3A_206 = arith.constant 0 : index
    %swap3A_207 = arith.constant 0 : index
    %swap3A_208 = arith.constant 11 : index
    %swap3A_209 = vector.load %arg3[%swap3A_206, %swap3A_207, %swap3A_208] : memref<1x256x16xi32, #tpu.memory_space<vmem>>, vector<1x256x1xi32>
    %swap3A_210 = vector.shape_cast %swap3A_209 : vector<1x256x1xi32> to vector<256xi32>
    %swap3A_211 = vector.shape_cast %add3A_205 : vector<256xi32> to vector<1x256x1xi32>
    tpu.vector_store %arg3[%swap3A_206, %swap3A_207, %swap3A_208], %swap3A_211 {strides = array<i32>} : memref<1x256x16xi32, #tpu.memory_space<vmem>>, vector<1x256x1xi32>,
    %broadcast_in_dim3A_212 = vector.shape_cast %argmin3A_202 : vector<256xi32> to vector<256x1xi32>
    %eq3A_213 = vector.broadcast %broadcast_in_dim3A_212 : vector<256x1xi32> to vector<256x4096xi32>
    %eq3A_214 = arith.cmpi eq, %iota3A, %eq3A_213 : vector<256x4096xi32>
    %jit3A_215 = arith.constant 3.000000e+38 : f32
    %broadcast_in_dim3A_216 = vector.broadcast %jit3A_215 : f32 to vector<256x4096xf32>
    %select_n3A_217 = arith.select %eq3A_214, %broadcast_in_dim3A_216, %select_n3A_201 : vector<256x4096xi1>, vector<256x4096xf32>
    %argmin3A_218 = tpu.reduce_index %select_n3A_217 {axis = 1 : i32, kind = #tpu.reduction_kind<arg_min>} : vector<256x4096xf32> -> vector<256xi32>
    %add3A_219 = arith.constant 8192 : i32
    %add3A_220 = vector.broadcast %add3A_219 : i32 to vector<256xi32>
    %add3A_221 = arith.addi %argmin3A_218, %add3A_220 : vector<256xi32>
    %swap3A_222 = arith.constant 0 : index
    %swap3A_223 = arith.constant 0 : index
    %swap3A_224 = arith.constant 12 : index
    %swap3A_225 = vector.load %arg3[%swap3A_222, %swap3A_223, %swap3A_224] : memref<1x256x16xi32, #tpu.memory_space<vmem>>, vector<1x256x1xi32>
    %swap3A_226 = vector.shape_cast %swap3A_225 : vector<1x256x1xi32> to vector<256xi32>
    %swap3A_227 = vector.shape_cast %add3A_221 : vector<256xi32> to vector<1x256x1xi32>
    tpu.vector_store %arg3[%swap3A_222, %swap3A_223, %swap3A_224], %swap3A_227 {strides = array<i32>} : memref<1x256x16xi32, #tpu.memory_space<vmem>>, vector<1x256x1xi32>,
    %broadcast_in_dim3A_228 = vector.shape_cast %argmin3A_218 : vector<256xi32> to vector<256x1xi32>
    %eq3A_229 = vector.broadcast %broadcast_in_dim3A_228 : vector<256x1xi32> to vector<256x4096xi32>
    %eq3A_230 = arith.cmpi eq, %iota3A, %eq3A_229 : vector<256x4096xi32>
    %jit3A_231 = arith.constant 3.000000e+38 : f32
    %broadcast_in_dim3A_232 = vector.broadcast %jit3A_231 : f32 to vector<256x4096xf32>
    %select_n3A_233 = arith.select %eq3A_230, %broadcast_in_dim3A_232, %select_n3A_217 : vector<256x4096xi1>, vector<256x4096xf32>
    %argmin3A_234 = tpu.reduce_index %select_n3A_233 {axis = 1 : i32, kind = #tpu.reduction_kind<arg_min>} : vector<256x4096xf32> -> vector<256xi32>
    %add3A_235 = arith.constant 8192 : i32
    %add3A_236 = vector.broadcast %add3A_235 : i32 to vector<256xi32>
    %add3A_237 = arith.addi %argmin3A_234, %add3A_236 : vector<256xi32>
    %swap3A_238 = arith.constant 0 : index
    %swap3A_239 = arith.constant 0 : index
    %swap3A_240 = arith.constant 13 : index
    %swap3A_241 = vector.load %arg3[%swap3A_238, %swap3A_239, %swap3A_240] : memref<1x256x16xi32, #tpu.memory_space<vmem>>, vector<1x256x1xi32>
    %swap3A_242 = vector.shape_cast %swap3A_241 : vector<1x256x1xi32> to vector<256xi32>
    %swap3A_243 = vector.shape_cast %add3A_237 : vector<256xi32> to vector<1x256x1xi32>
    tpu.vector_store %arg3[%swap3A_238, %swap3A_239, %swap3A_240], %swap3A_243 {strides = array<i32>} : memref<1x256x16xi32, #tpu.memory_space<vmem>>, vector<1x256x1xi32>,
    %broadcast_in_dim3A_244 = vector.shape_cast %argmin3A_234 : vector<256xi32> to vector<256x1xi32>
    %eq3A_245 = vector.broadcast %broadcast_in_dim3A_244 : vector<256x1xi32> to vector<256x4096xi32>
    %eq3A_246 = arith.cmpi eq, %iota3A, %eq3A_245 : vector<256x4096xi32>
    %jit3A_247 = arith.constant 3.000000e+38 : f32
    %broadcast_in_dim3A_248 = vector.broadcast %jit3A_247 : f32 to vector<256x4096xf32>
    %select_n3A_249 = arith.select %eq3A_246, %broadcast_in_dim3A_248, %select_n3A_233 : vector<256x4096xi1>, vector<256x4096xf32>
    %argmin3A_250 = tpu.reduce_index %select_n3A_249 {axis = 1 : i32, kind = #tpu.reduction_kind<arg_min>} : vector<256x4096xf32> -> vector<256xi32>
    %add3A_251 = arith.constant 8192 : i32
    %add3A_252 = vector.broadcast %add3A_251 : i32 to vector<256xi32>
    %add3A_253 = arith.addi %argmin3A_250, %add3A_252 : vector<256xi32>
    %swap3A_254 = arith.constant 0 : index
    %swap3A_255 = arith.constant 0 : index
    %swap3A_256 = arith.constant 14 : index
    %swap3A_257 = vector.load %arg3[%swap3A_254, %swap3A_255, %swap3A_256] : memref<1x256x16xi32, #tpu.memory_space<vmem>>, vector<1x256x1xi32>
    %swap3A_258 = vector.shape_cast %swap3A_257 : vector<1x256x1xi32> to vector<256xi32>
    %swap3A_259 = vector.shape_cast %add3A_253 : vector<256xi32> to vector<1x256x1xi32>
    tpu.vector_store %arg3[%swap3A_254, %swap3A_255, %swap3A_256], %swap3A_259 {strides = array<i32>} : memref<1x256x16xi32, #tpu.memory_space<vmem>>, vector<1x256x1xi32>,
    %broadcast_in_dim3A_260 = vector.shape_cast %argmin3A_250 : vector<256xi32> to vector<256x1xi32>
    %eq3A_261 = vector.broadcast %broadcast_in_dim3A_260 : vector<256x1xi32> to vector<256x4096xi32>
    %eq3A_262 = arith.cmpi eq, %iota3A, %eq3A_261 : vector<256x4096xi32>
    %jit3A_263 = arith.constant 3.000000e+38 : f32
    %broadcast_in_dim3A_264 = vector.broadcast %jit3A_263 : f32 to vector<256x4096xf32>
    %select_n3A_265 = arith.select %eq3A_262, %broadcast_in_dim3A_264, %select_n3A_249 : vector<256x4096xi1>, vector<256x4096xf32>
    %argmin3A_266 = tpu.reduce_index %select_n3A_265 {axis = 1 : i32, kind = #tpu.reduction_kind<arg_min>} : vector<256x4096xf32> -> vector<256xi32>
    %add3A_267 = arith.constant 8192 : i32
    %add3A_268 = vector.broadcast %add3A_267 : i32 to vector<256xi32>
    %add3A_269 = arith.addi %argmin3A_266, %add3A_268 : vector<256xi32>
    %swap3A_270 = arith.constant 0 : index
    %swap3A_271 = arith.constant 0 : index
    %swap3A_272 = arith.constant 15 : index
    %swap3A_273 = vector.load %arg3[%swap3A_270, %swap3A_271, %swap3A_272] : memref<1x256x16xi32, #tpu.memory_space<vmem>>, vector<1x256x1xi32>
    %swap3A_274 = vector.shape_cast %swap3A_273 : vector<1x256x1xi32> to vector<256xi32>
    %swap3A_275 = vector.shape_cast %add3A_269 : vector<256xi32> to vector<1x256x1xi32>
    tpu.vector_store %arg3[%swap3A_270, %swap3A_271, %swap3A_272], %swap3A_275 {strides = array<i32>} : memref<1x256x16xi32, #tpu.memory_space<vmem>>, vector<1x256x1xi32>,
    return
  }
  func.func @transform_0(%arg0: i32) -> (i32, i32, i32) {
    %c2_i32 = arith.constant 2 : i32
    %c0_i32 = arith.constant 0 : i32
    %c0_i32_0 = arith.constant 0 : i32
    return %c2_i32, %arg0, %c0_i32 : i32, i32, i32
  }
  func.func @transform_1(%arg0: i32) -> (i32, i32, i32) {
    %c2_i32 = arith.constant 2 : i32
    %c0_i32 = arith.constant 0 : i32
    %c0_i32_0 = arith.constant 0 : i32
    %c0_i32_1 = arith.constant 0 : i32
    return %c2_i32, %c0_i32, %c0_i32_0 : i32, i32, i32
  }
  func.func @transform_2(%arg0: i32) -> (i32, i32, i32) {
    %c0_i32 = arith.constant 0 : i32
    %c0_i32_0 = arith.constant 0 : i32
    %c0_i32_1 = arith.constant 0 : i32
    return %c0_i32, %arg0, %c0_i32_0 : i32, i32, i32
  }
}

module attributes {stable_mosaic.version = 14 : i64} {
  func.func @_knn_body(%arg0: i32, %arg1: memref<1x256x8xf32, #tpu.memory_space<vmem>>, %arg2: memref<1x8x4096xf32, #tpu.memory_space<vmem>>, %arg3: memref<1x256x16xi32, #tpu.memory_space<vmem>>) attributes {dimension_semantics = [#tpu.dimension_semantics<arbitrary>], iteration_bounds = array<i64: 16>, scalar_prefetch = 0 : i64, scratch_operands = 0 : i64, tpu.core_type = #tpu.core_type<tc>, window_params = [{transform_indices = @transform_0, window_bounds = array<i64: 1, 256, 8>}, {transform_indices = @transform_1, window_bounds = array<i64: 1, 8, 4096>}, {transform_indices = @transform_2, window_bounds = array<i64: 1, 256, 16>}]} {
    %get3A = arith.constant 0 : index
    %get3A_0 = arith.constant 0 : index
    %get3A_1 = arith.constant 0 : index
    %get3A_2 = vector.load %arg1[%get3A, %get3A_0, %get3A_1] : memref<1x256x8xf32, #tpu.memory_space<vmem>>, vector<1x256x8xf32>
    %get3A_3 = vector.shape_cast %get3A_2 : vector<1x256x8xf32> to vector<256x8xf32>
    %get3A_4 = arith.constant 0 : index
    %get3A_5 = arith.constant 0 : index
    %get3A_6 = arith.constant 0 : index
    %get3A_7 = vector.load %arg2[%get3A_4, %get3A_5, %get3A_6] : memref<1x8x4096xf32, #tpu.memory_space<vmem>>, vector<1x8x4096xf32>
    %get3A_8 = vector.shape_cast %get3A_7 : vector<1x8x4096xf32> to vector<8x4096xf32>
    %slice3A = vector.extract_strided_slice %get3A_3 {offsets = [0, 0], sizes = [256, 1], strides = [1, 1]} : vector<256x8xf32> to vector<256x1xf32>
    %slice3A_9 = vector.extract_strided_slice %get3A_8 {offsets = [0, 0], sizes = [1, 4096], strides = [1, 1]} : vector<8x4096xf32> to vector<1x4096xf32>
    %mul3A = vector.broadcast %slice3A : vector<256x1xf32> to vector<256x4096xf32>
    %mul3A_10 = vector.broadcast %slice3A_9 : vector<1x4096xf32> to vector<256x4096xf32>
    %mul3A_11 = arith.mulf %mul3A, %mul3A_10 : vector<256x4096xf32>
    %slice3A_12 = vector.extract_strided_slice %get3A_3 {offsets = [0, 1], sizes = [256, 1], strides = [1, 1]} : vector<256x8xf32> to vector<256x1xf32>
    %slice3A_13 = vector.extract_strided_slice %get3A_8 {offsets = [1, 0], sizes = [1, 4096], strides = [1, 1]} : vector<8x4096xf32> to vector<1x4096xf32>
    %mul3A_14 = vector.broadcast %slice3A_12 : vector<256x1xf32> to vector<256x4096xf32>
    %mul3A_15 = vector.broadcast %slice3A_13 : vector<1x4096xf32> to vector<256x4096xf32>
    %mul3A_16 = arith.mulf %mul3A_14, %mul3A_15 : vector<256x4096xf32>
    %add3A = arith.addf %mul3A_11, %mul3A_16 : vector<256x4096xf32>
    %slice3A_17 = vector.extract_strided_slice %get3A_3 {offsets = [0, 2], sizes = [256, 1], strides = [1, 1]} : vector<256x8xf32> to vector<256x1xf32>
    %slice3A_18 = vector.extract_strided_slice %get3A_8 {offsets = [2, 0], sizes = [1, 4096], strides = [1, 1]} : vector<8x4096xf32> to vector<1x4096xf32>
    %mul3A_19 = vector.broadcast %slice3A_17 : vector<256x1xf32> to vector<256x4096xf32>
    %mul3A_20 = vector.broadcast %slice3A_18 : vector<1x4096xf32> to vector<256x4096xf32>
    %mul3A_21 = arith.mulf %mul3A_19, %mul3A_20 : vector<256x4096xf32>
    %add3A_22 = arith.addf %add3A, %mul3A_21 : vector<256x4096xf32>
    %mul3A_23 = arith.constant -2.000000e+00 : f32
    %mul3A_24 = vector.broadcast %mul3A_23 : f32 to vector<256x4096xf32>
    %mul3A_25 = arith.mulf %mul3A_24, %add3A_22 : vector<256x4096xf32>
    %slice3A_26 = vector.extract_strided_slice %get3A_3 {offsets = [0, 3], sizes = [256, 1], strides = [1, 1]} : vector<256x8xf32> to vector<256x1xf32>
    %add3A_27 = vector.broadcast %slice3A_26 : vector<256x1xf32> to vector<256x4096xf32>
    %add3A_28 = arith.addf %mul3A_25, %add3A_27 : vector<256x4096xf32>
    %slice3A_29 = vector.extract_strided_slice %get3A_8 {offsets = [3, 0], sizes = [1, 4096], strides = [1, 1]} : vector<8x4096xf32> to vector<1x4096xf32>
    %add3A_30 = vector.broadcast %slice3A_29 : vector<1x4096xf32> to vector<256x4096xf32>
    %add3A_31 = arith.addf %add3A_28, %add3A_30 : vector<256x4096xf32>
    %iota3A = tpu.iota {dimensions = array<i32: 1>} : vector<256x4096xi32>
    %argmin3A = tpu.reduce_index %add3A_31 {axis = 1 : i32, kind = #tpu.reduction_kind<arg_min>} : vector<256x4096xf32> -> vector<256xi32>
    %add3A_32 = arith.constant 12288 : i32
    %add3A_33 = vector.broadcast %add3A_32 : i32 to vector<256xi32>
    %add3A_34 = arith.addi %argmin3A, %add3A_33 : vector<256xi32>
    %swap3A = arith.constant 0 : index
    %swap3A_35 = arith.constant 0 : index
    %swap3A_36 = arith.constant 0 : index
    %swap3A_37 = vector.load %arg3[%swap3A, %swap3A_35, %swap3A_36] : memref<1x256x16xi32, #tpu.memory_space<vmem>>, vector<1x256x1xi32>
    %swap3A_38 = vector.shape_cast %swap3A_37 : vector<1x256x1xi32> to vector<256xi32>
    %swap3A_39 = vector.shape_cast %add3A_34 : vector<256xi32> to vector<1x256x1xi32>
    tpu.vector_store %arg3[%swap3A, %swap3A_35, %swap3A_36], %swap3A_39 {strides = array<i32>} : memref<1x256x16xi32, #tpu.memory_space<vmem>>, vector<1x256x1xi32>,
    %broadcast_in_dim3A = vector.shape_cast %argmin3A : vector<256xi32> to vector<256x1xi32>
    %eq3A = vector.broadcast %broadcast_in_dim3A : vector<256x1xi32> to vector<256x4096xi32>
    %eq3A_40 = arith.cmpi eq, %iota3A, %eq3A : vector<256x4096xi32>
    %jit3A = arith.constant 3.000000e+38 : f32
    %broadcast_in_dim3A_41 = vector.broadcast %jit3A : f32 to vector<256x4096xf32>
    %select_n3A = arith.select %eq3A_40, %broadcast_in_dim3A_41, %add3A_31 : vector<256x4096xi1>, vector<256x4096xf32>
    %argmin3A_42 = tpu.reduce_index %select_n3A {axis = 1 : i32, kind = #tpu.reduction_kind<arg_min>} : vector<256x4096xf32> -> vector<256xi32>
    %add3A_43 = arith.constant 12288 : i32
    %add3A_44 = vector.broadcast %add3A_43 : i32 to vector<256xi32>
    %add3A_45 = arith.addi %argmin3A_42, %add3A_44 : vector<256xi32>
    %swap3A_46 = arith.constant 0 : index
    %swap3A_47 = arith.constant 0 : index
    %swap3A_48 = arith.constant 1 : index
    %swap3A_49 = vector.load %arg3[%swap3A_46, %swap3A_47, %swap3A_48] : memref<1x256x16xi32, #tpu.memory_space<vmem>>, vector<1x256x1xi32>
    %swap3A_50 = vector.shape_cast %swap3A_49 : vector<1x256x1xi32> to vector<256xi32>
    %swap3A_51 = vector.shape_cast %add3A_45 : vector<256xi32> to vector<1x256x1xi32>
    tpu.vector_store %arg3[%swap3A_46, %swap3A_47, %swap3A_48], %swap3A_51 {strides = array<i32>} : memref<1x256x16xi32, #tpu.memory_space<vmem>>, vector<1x256x1xi32>,
    %broadcast_in_dim3A_52 = vector.shape_cast %argmin3A_42 : vector<256xi32> to vector<256x1xi32>
    %eq3A_53 = vector.broadcast %broadcast_in_dim3A_52 : vector<256x1xi32> to vector<256x4096xi32>
    %eq3A_54 = arith.cmpi eq, %iota3A, %eq3A_53 : vector<256x4096xi32>
    %jit3A_55 = arith.constant 3.000000e+38 : f32
    %broadcast_in_dim3A_56 = vector.broadcast %jit3A_55 : f32 to vector<256x4096xf32>
    %select_n3A_57 = arith.select %eq3A_54, %broadcast_in_dim3A_56, %select_n3A : vector<256x4096xi1>, vector<256x4096xf32>
    %argmin3A_58 = tpu.reduce_index %select_n3A_57 {axis = 1 : i32, kind = #tpu.reduction_kind<arg_min>} : vector<256x4096xf32> -> vector<256xi32>
    %add3A_59 = arith.constant 12288 : i32
    %add3A_60 = vector.broadcast %add3A_59 : i32 to vector<256xi32>
    %add3A_61 = arith.addi %argmin3A_58, %add3A_60 : vector<256xi32>
    %swap3A_62 = arith.constant 0 : index
    %swap3A_63 = arith.constant 0 : index
    %swap3A_64 = arith.constant 2 : index
    %swap3A_65 = vector.load %arg3[%swap3A_62, %swap3A_63, %swap3A_64] : memref<1x256x16xi32, #tpu.memory_space<vmem>>, vector<1x256x1xi32>
    %swap3A_66 = vector.shape_cast %swap3A_65 : vector<1x256x1xi32> to vector<256xi32>
    %swap3A_67 = vector.shape_cast %add3A_61 : vector<256xi32> to vector<1x256x1xi32>
    tpu.vector_store %arg3[%swap3A_62, %swap3A_63, %swap3A_64], %swap3A_67 {strides = array<i32>} : memref<1x256x16xi32, #tpu.memory_space<vmem>>, vector<1x256x1xi32>,
    %broadcast_in_dim3A_68 = vector.shape_cast %argmin3A_58 : vector<256xi32> to vector<256x1xi32>
    %eq3A_69 = vector.broadcast %broadcast_in_dim3A_68 : vector<256x1xi32> to vector<256x4096xi32>
    %eq3A_70 = arith.cmpi eq, %iota3A, %eq3A_69 : vector<256x4096xi32>
    %jit3A_71 = arith.constant 3.000000e+38 : f32
    %broadcast_in_dim3A_72 = vector.broadcast %jit3A_71 : f32 to vector<256x4096xf32>
    %select_n3A_73 = arith.select %eq3A_70, %broadcast_in_dim3A_72, %select_n3A_57 : vector<256x4096xi1>, vector<256x4096xf32>
    %argmin3A_74 = tpu.reduce_index %select_n3A_73 {axis = 1 : i32, kind = #tpu.reduction_kind<arg_min>} : vector<256x4096xf32> -> vector<256xi32>
    %add3A_75 = arith.constant 12288 : i32
    %add3A_76 = vector.broadcast %add3A_75 : i32 to vector<256xi32>
    %add3A_77 = arith.addi %argmin3A_74, %add3A_76 : vector<256xi32>
    %swap3A_78 = arith.constant 0 : index
    %swap3A_79 = arith.constant 0 : index
    %swap3A_80 = arith.constant 3 : index
    %swap3A_81 = vector.load %arg3[%swap3A_78, %swap3A_79, %swap3A_80] : memref<1x256x16xi32, #tpu.memory_space<vmem>>, vector<1x256x1xi32>
    %swap3A_82 = vector.shape_cast %swap3A_81 : vector<1x256x1xi32> to vector<256xi32>
    %swap3A_83 = vector.shape_cast %add3A_77 : vector<256xi32> to vector<1x256x1xi32>
    tpu.vector_store %arg3[%swap3A_78, %swap3A_79, %swap3A_80], %swap3A_83 {strides = array<i32>} : memref<1x256x16xi32, #tpu.memory_space<vmem>>, vector<1x256x1xi32>,
    %broadcast_in_dim3A_84 = vector.shape_cast %argmin3A_74 : vector<256xi32> to vector<256x1xi32>
    %eq3A_85 = vector.broadcast %broadcast_in_dim3A_84 : vector<256x1xi32> to vector<256x4096xi32>
    %eq3A_86 = arith.cmpi eq, %iota3A, %eq3A_85 : vector<256x4096xi32>
    %jit3A_87 = arith.constant 3.000000e+38 : f32
    %broadcast_in_dim3A_88 = vector.broadcast %jit3A_87 : f32 to vector<256x4096xf32>
    %select_n3A_89 = arith.select %eq3A_86, %broadcast_in_dim3A_88, %select_n3A_73 : vector<256x4096xi1>, vector<256x4096xf32>
    %argmin3A_90 = tpu.reduce_index %select_n3A_89 {axis = 1 : i32, kind = #tpu.reduction_kind<arg_min>} : vector<256x4096xf32> -> vector<256xi32>
    %add3A_91 = arith.constant 12288 : i32
    %add3A_92 = vector.broadcast %add3A_91 : i32 to vector<256xi32>
    %add3A_93 = arith.addi %argmin3A_90, %add3A_92 : vector<256xi32>
    %swap3A_94 = arith.constant 0 : index
    %swap3A_95 = arith.constant 0 : index
    %swap3A_96 = arith.constant 4 : index
    %swap3A_97 = vector.load %arg3[%swap3A_94, %swap3A_95, %swap3A_96] : memref<1x256x16xi32, #tpu.memory_space<vmem>>, vector<1x256x1xi32>
    %swap3A_98 = vector.shape_cast %swap3A_97 : vector<1x256x1xi32> to vector<256xi32>
    %swap3A_99 = vector.shape_cast %add3A_93 : vector<256xi32> to vector<1x256x1xi32>
    tpu.vector_store %arg3[%swap3A_94, %swap3A_95, %swap3A_96], %swap3A_99 {strides = array<i32>} : memref<1x256x16xi32, #tpu.memory_space<vmem>>, vector<1x256x1xi32>,
    %broadcast_in_dim3A_100 = vector.shape_cast %argmin3A_90 : vector<256xi32> to vector<256x1xi32>
    %eq3A_101 = vector.broadcast %broadcast_in_dim3A_100 : vector<256x1xi32> to vector<256x4096xi32>
    %eq3A_102 = arith.cmpi eq, %iota3A, %eq3A_101 : vector<256x4096xi32>
    %jit3A_103 = arith.constant 3.000000e+38 : f32
    %broadcast_in_dim3A_104 = vector.broadcast %jit3A_103 : f32 to vector<256x4096xf32>
    %select_n3A_105 = arith.select %eq3A_102, %broadcast_in_dim3A_104, %select_n3A_89 : vector<256x4096xi1>, vector<256x4096xf32>
    %argmin3A_106 = tpu.reduce_index %select_n3A_105 {axis = 1 : i32, kind = #tpu.reduction_kind<arg_min>} : vector<256x4096xf32> -> vector<256xi32>
    %add3A_107 = arith.constant 12288 : i32
    %add3A_108 = vector.broadcast %add3A_107 : i32 to vector<256xi32>
    %add3A_109 = arith.addi %argmin3A_106, %add3A_108 : vector<256xi32>
    %swap3A_110 = arith.constant 0 : index
    %swap3A_111 = arith.constant 0 : index
    %swap3A_112 = arith.constant 5 : index
    %swap3A_113 = vector.load %arg3[%swap3A_110, %swap3A_111, %swap3A_112] : memref<1x256x16xi32, #tpu.memory_space<vmem>>, vector<1x256x1xi32>
    %swap3A_114 = vector.shape_cast %swap3A_113 : vector<1x256x1xi32> to vector<256xi32>
    %swap3A_115 = vector.shape_cast %add3A_109 : vector<256xi32> to vector<1x256x1xi32>
    tpu.vector_store %arg3[%swap3A_110, %swap3A_111, %swap3A_112], %swap3A_115 {strides = array<i32>} : memref<1x256x16xi32, #tpu.memory_space<vmem>>, vector<1x256x1xi32>,
    %broadcast_in_dim3A_116 = vector.shape_cast %argmin3A_106 : vector<256xi32> to vector<256x1xi32>
    %eq3A_117 = vector.broadcast %broadcast_in_dim3A_116 : vector<256x1xi32> to vector<256x4096xi32>
    %eq3A_118 = arith.cmpi eq, %iota3A, %eq3A_117 : vector<256x4096xi32>
    %jit3A_119 = arith.constant 3.000000e+38 : f32
    %broadcast_in_dim3A_120 = vector.broadcast %jit3A_119 : f32 to vector<256x4096xf32>
    %select_n3A_121 = arith.select %eq3A_118, %broadcast_in_dim3A_120, %select_n3A_105 : vector<256x4096xi1>, vector<256x4096xf32>
    %argmin3A_122 = tpu.reduce_index %select_n3A_121 {axis = 1 : i32, kind = #tpu.reduction_kind<arg_min>} : vector<256x4096xf32> -> vector<256xi32>
    %add3A_123 = arith.constant 12288 : i32
    %add3A_124 = vector.broadcast %add3A_123 : i32 to vector<256xi32>
    %add3A_125 = arith.addi %argmin3A_122, %add3A_124 : vector<256xi32>
    %swap3A_126 = arith.constant 0 : index
    %swap3A_127 = arith.constant 0 : index
    %swap3A_128 = arith.constant 6 : index
    %swap3A_129 = vector.load %arg3[%swap3A_126, %swap3A_127, %swap3A_128] : memref<1x256x16xi32, #tpu.memory_space<vmem>>, vector<1x256x1xi32>
    %swap3A_130 = vector.shape_cast %swap3A_129 : vector<1x256x1xi32> to vector<256xi32>
    %swap3A_131 = vector.shape_cast %add3A_125 : vector<256xi32> to vector<1x256x1xi32>
    tpu.vector_store %arg3[%swap3A_126, %swap3A_127, %swap3A_128], %swap3A_131 {strides = array<i32>} : memref<1x256x16xi32, #tpu.memory_space<vmem>>, vector<1x256x1xi32>,
    %broadcast_in_dim3A_132 = vector.shape_cast %argmin3A_122 : vector<256xi32> to vector<256x1xi32>
    %eq3A_133 = vector.broadcast %broadcast_in_dim3A_132 : vector<256x1xi32> to vector<256x4096xi32>
    %eq3A_134 = arith.cmpi eq, %iota3A, %eq3A_133 : vector<256x4096xi32>
    %jit3A_135 = arith.constant 3.000000e+38 : f32
    %broadcast_in_dim3A_136 = vector.broadcast %jit3A_135 : f32 to vector<256x4096xf32>
    %select_n3A_137 = arith.select %eq3A_134, %broadcast_in_dim3A_136, %select_n3A_121 : vector<256x4096xi1>, vector<256x4096xf32>
    %argmin3A_138 = tpu.reduce_index %select_n3A_137 {axis = 1 : i32, kind = #tpu.reduction_kind<arg_min>} : vector<256x4096xf32> -> vector<256xi32>
    %add3A_139 = arith.constant 12288 : i32
    %add3A_140 = vector.broadcast %add3A_139 : i32 to vector<256xi32>
    %add3A_141 = arith.addi %argmin3A_138, %add3A_140 : vector<256xi32>
    %swap3A_142 = arith.constant 0 : index
    %swap3A_143 = arith.constant 0 : index
    %swap3A_144 = arith.constant 7 : index
    %swap3A_145 = vector.load %arg3[%swap3A_142, %swap3A_143, %swap3A_144] : memref<1x256x16xi32, #tpu.memory_space<vmem>>, vector<1x256x1xi32>
    %swap3A_146 = vector.shape_cast %swap3A_145 : vector<1x256x1xi32> to vector<256xi32>
    %swap3A_147 = vector.shape_cast %add3A_141 : vector<256xi32> to vector<1x256x1xi32>
    tpu.vector_store %arg3[%swap3A_142, %swap3A_143, %swap3A_144], %swap3A_147 {strides = array<i32>} : memref<1x256x16xi32, #tpu.memory_space<vmem>>, vector<1x256x1xi32>,
    %broadcast_in_dim3A_148 = vector.shape_cast %argmin3A_138 : vector<256xi32> to vector<256x1xi32>
    %eq3A_149 = vector.broadcast %broadcast_in_dim3A_148 : vector<256x1xi32> to vector<256x4096xi32>
    %eq3A_150 = arith.cmpi eq, %iota3A, %eq3A_149 : vector<256x4096xi32>
    %jit3A_151 = arith.constant 3.000000e+38 : f32
    %broadcast_in_dim3A_152 = vector.broadcast %jit3A_151 : f32 to vector<256x4096xf32>
    %select_n3A_153 = arith.select %eq3A_150, %broadcast_in_dim3A_152, %select_n3A_137 : vector<256x4096xi1>, vector<256x4096xf32>
    %argmin3A_154 = tpu.reduce_index %select_n3A_153 {axis = 1 : i32, kind = #tpu.reduction_kind<arg_min>} : vector<256x4096xf32> -> vector<256xi32>
    %add3A_155 = arith.constant 12288 : i32
    %add3A_156 = vector.broadcast %add3A_155 : i32 to vector<256xi32>
    %add3A_157 = arith.addi %argmin3A_154, %add3A_156 : vector<256xi32>
    %swap3A_158 = arith.constant 0 : index
    %swap3A_159 = arith.constant 0 : index
    %swap3A_160 = arith.constant 8 : index
    %swap3A_161 = vector.load %arg3[%swap3A_158, %swap3A_159, %swap3A_160] : memref<1x256x16xi32, #tpu.memory_space<vmem>>, vector<1x256x1xi32>
    %swap3A_162 = vector.shape_cast %swap3A_161 : vector<1x256x1xi32> to vector<256xi32>
    %swap3A_163 = vector.shape_cast %add3A_157 : vector<256xi32> to vector<1x256x1xi32>
    tpu.vector_store %arg3[%swap3A_158, %swap3A_159, %swap3A_160], %swap3A_163 {strides = array<i32>} : memref<1x256x16xi32, #tpu.memory_space<vmem>>, vector<1x256x1xi32>,
    %broadcast_in_dim3A_164 = vector.shape_cast %argmin3A_154 : vector<256xi32> to vector<256x1xi32>
    %eq3A_165 = vector.broadcast %broadcast_in_dim3A_164 : vector<256x1xi32> to vector<256x4096xi32>
    %eq3A_166 = arith.cmpi eq, %iota3A, %eq3A_165 : vector<256x4096xi32>
    %jit3A_167 = arith.constant 3.000000e+38 : f32
    %broadcast_in_dim3A_168 = vector.broadcast %jit3A_167 : f32 to vector<256x4096xf32>
    %select_n3A_169 = arith.select %eq3A_166, %broadcast_in_dim3A_168, %select_n3A_153 : vector<256x4096xi1>, vector<256x4096xf32>
    %argmin3A_170 = tpu.reduce_index %select_n3A_169 {axis = 1 : i32, kind = #tpu.reduction_kind<arg_min>} : vector<256x4096xf32> -> vector<256xi32>
    %add3A_171 = arith.constant 12288 : i32
    %add3A_172 = vector.broadcast %add3A_171 : i32 to vector<256xi32>
    %add3A_173 = arith.addi %argmin3A_170, %add3A_172 : vector<256xi32>
    %swap3A_174 = arith.constant 0 : index
    %swap3A_175 = arith.constant 0 : index
    %swap3A_176 = arith.constant 9 : index
    %swap3A_177 = vector.load %arg3[%swap3A_174, %swap3A_175, %swap3A_176] : memref<1x256x16xi32, #tpu.memory_space<vmem>>, vector<1x256x1xi32>
    %swap3A_178 = vector.shape_cast %swap3A_177 : vector<1x256x1xi32> to vector<256xi32>
    %swap3A_179 = vector.shape_cast %add3A_173 : vector<256xi32> to vector<1x256x1xi32>
    tpu.vector_store %arg3[%swap3A_174, %swap3A_175, %swap3A_176], %swap3A_179 {strides = array<i32>} : memref<1x256x16xi32, #tpu.memory_space<vmem>>, vector<1x256x1xi32>,
    %broadcast_in_dim3A_180 = vector.shape_cast %argmin3A_170 : vector<256xi32> to vector<256x1xi32>
    %eq3A_181 = vector.broadcast %broadcast_in_dim3A_180 : vector<256x1xi32> to vector<256x4096xi32>
    %eq3A_182 = arith.cmpi eq, %iota3A, %eq3A_181 : vector<256x4096xi32>
    %jit3A_183 = arith.constant 3.000000e+38 : f32
    %broadcast_in_dim3A_184 = vector.broadcast %jit3A_183 : f32 to vector<256x4096xf32>
    %select_n3A_185 = arith.select %eq3A_182, %broadcast_in_dim3A_184, %select_n3A_169 : vector<256x4096xi1>, vector<256x4096xf32>
    %argmin3A_186 = tpu.reduce_index %select_n3A_185 {axis = 1 : i32, kind = #tpu.reduction_kind<arg_min>} : vector<256x4096xf32> -> vector<256xi32>
    %add3A_187 = arith.constant 12288 : i32
    %add3A_188 = vector.broadcast %add3A_187 : i32 to vector<256xi32>
    %add3A_189 = arith.addi %argmin3A_186, %add3A_188 : vector<256xi32>
    %swap3A_190 = arith.constant 0 : index
    %swap3A_191 = arith.constant 0 : index
    %swap3A_192 = arith.constant 10 : index
    %swap3A_193 = vector.load %arg3[%swap3A_190, %swap3A_191, %swap3A_192] : memref<1x256x16xi32, #tpu.memory_space<vmem>>, vector<1x256x1xi32>
    %swap3A_194 = vector.shape_cast %swap3A_193 : vector<1x256x1xi32> to vector<256xi32>
    %swap3A_195 = vector.shape_cast %add3A_189 : vector<256xi32> to vector<1x256x1xi32>
    tpu.vector_store %arg3[%swap3A_190, %swap3A_191, %swap3A_192], %swap3A_195 {strides = array<i32>} : memref<1x256x16xi32, #tpu.memory_space<vmem>>, vector<1x256x1xi32>,
    %broadcast_in_dim3A_196 = vector.shape_cast %argmin3A_186 : vector<256xi32> to vector<256x1xi32>
    %eq3A_197 = vector.broadcast %broadcast_in_dim3A_196 : vector<256x1xi32> to vector<256x4096xi32>
    %eq3A_198 = arith.cmpi eq, %iota3A, %eq3A_197 : vector<256x4096xi32>
    %jit3A_199 = arith.constant 3.000000e+38 : f32
    %broadcast_in_dim3A_200 = vector.broadcast %jit3A_199 : f32 to vector<256x4096xf32>
    %select_n3A_201 = arith.select %eq3A_198, %broadcast_in_dim3A_200, %select_n3A_185 : vector<256x4096xi1>, vector<256x4096xf32>
    %argmin3A_202 = tpu.reduce_index %select_n3A_201 {axis = 1 : i32, kind = #tpu.reduction_kind<arg_min>} : vector<256x4096xf32> -> vector<256xi32>
    %add3A_203 = arith.constant 12288 : i32
    %add3A_204 = vector.broadcast %add3A_203 : i32 to vector<256xi32>
    %add3A_205 = arith.addi %argmin3A_202, %add3A_204 : vector<256xi32>
    %swap3A_206 = arith.constant 0 : index
    %swap3A_207 = arith.constant 0 : index
    %swap3A_208 = arith.constant 11 : index
    %swap3A_209 = vector.load %arg3[%swap3A_206, %swap3A_207, %swap3A_208] : memref<1x256x16xi32, #tpu.memory_space<vmem>>, vector<1x256x1xi32>
    %swap3A_210 = vector.shape_cast %swap3A_209 : vector<1x256x1xi32> to vector<256xi32>
    %swap3A_211 = vector.shape_cast %add3A_205 : vector<256xi32> to vector<1x256x1xi32>
    tpu.vector_store %arg3[%swap3A_206, %swap3A_207, %swap3A_208], %swap3A_211 {strides = array<i32>} : memref<1x256x16xi32, #tpu.memory_space<vmem>>, vector<1x256x1xi32>,
    %broadcast_in_dim3A_212 = vector.shape_cast %argmin3A_202 : vector<256xi32> to vector<256x1xi32>
    %eq3A_213 = vector.broadcast %broadcast_in_dim3A_212 : vector<256x1xi32> to vector<256x4096xi32>
    %eq3A_214 = arith.cmpi eq, %iota3A, %eq3A_213 : vector<256x4096xi32>
    %jit3A_215 = arith.constant 3.000000e+38 : f32
    %broadcast_in_dim3A_216 = vector.broadcast %jit3A_215 : f32 to vector<256x4096xf32>
    %select_n3A_217 = arith.select %eq3A_214, %broadcast_in_dim3A_216, %select_n3A_201 : vector<256x4096xi1>, vector<256x4096xf32>
    %argmin3A_218 = tpu.reduce_index %select_n3A_217 {axis = 1 : i32, kind = #tpu.reduction_kind<arg_min>} : vector<256x4096xf32> -> vector<256xi32>
    %add3A_219 = arith.constant 12288 : i32
    %add3A_220 = vector.broadcast %add3A_219 : i32 to vector<256xi32>
    %add3A_221 = arith.addi %argmin3A_218, %add3A_220 : vector<256xi32>
    %swap3A_222 = arith.constant 0 : index
    %swap3A_223 = arith.constant 0 : index
    %swap3A_224 = arith.constant 12 : index
    %swap3A_225 = vector.load %arg3[%swap3A_222, %swap3A_223, %swap3A_224] : memref<1x256x16xi32, #tpu.memory_space<vmem>>, vector<1x256x1xi32>
    %swap3A_226 = vector.shape_cast %swap3A_225 : vector<1x256x1xi32> to vector<256xi32>
    %swap3A_227 = vector.shape_cast %add3A_221 : vector<256xi32> to vector<1x256x1xi32>
    tpu.vector_store %arg3[%swap3A_222, %swap3A_223, %swap3A_224], %swap3A_227 {strides = array<i32>} : memref<1x256x16xi32, #tpu.memory_space<vmem>>, vector<1x256x1xi32>,
    %broadcast_in_dim3A_228 = vector.shape_cast %argmin3A_218 : vector<256xi32> to vector<256x1xi32>
    %eq3A_229 = vector.broadcast %broadcast_in_dim3A_228 : vector<256x1xi32> to vector<256x4096xi32>
    %eq3A_230 = arith.cmpi eq, %iota3A, %eq3A_229 : vector<256x4096xi32>
    %jit3A_231 = arith.constant 3.000000e+38 : f32
    %broadcast_in_dim3A_232 = vector.broadcast %jit3A_231 : f32 to vector<256x4096xf32>
    %select_n3A_233 = arith.select %eq3A_230, %broadcast_in_dim3A_232, %select_n3A_217 : vector<256x4096xi1>, vector<256x4096xf32>
    %argmin3A_234 = tpu.reduce_index %select_n3A_233 {axis = 1 : i32, kind = #tpu.reduction_kind<arg_min>} : vector<256x4096xf32> -> vector<256xi32>
    %add3A_235 = arith.constant 12288 : i32
    %add3A_236 = vector.broadcast %add3A_235 : i32 to vector<256xi32>
    %add3A_237 = arith.addi %argmin3A_234, %add3A_236 : vector<256xi32>
    %swap3A_238 = arith.constant 0 : index
    %swap3A_239 = arith.constant 0 : index
    %swap3A_240 = arith.constant 13 : index
    %swap3A_241 = vector.load %arg3[%swap3A_238, %swap3A_239, %swap3A_240] : memref<1x256x16xi32, #tpu.memory_space<vmem>>, vector<1x256x1xi32>
    %swap3A_242 = vector.shape_cast %swap3A_241 : vector<1x256x1xi32> to vector<256xi32>
    %swap3A_243 = vector.shape_cast %add3A_237 : vector<256xi32> to vector<1x256x1xi32>
    tpu.vector_store %arg3[%swap3A_238, %swap3A_239, %swap3A_240], %swap3A_243 {strides = array<i32>} : memref<1x256x16xi32, #tpu.memory_space<vmem>>, vector<1x256x1xi32>,
    %broadcast_in_dim3A_244 = vector.shape_cast %argmin3A_234 : vector<256xi32> to vector<256x1xi32>
    %eq3A_245 = vector.broadcast %broadcast_in_dim3A_244 : vector<256x1xi32> to vector<256x4096xi32>
    %eq3A_246 = arith.cmpi eq, %iota3A, %eq3A_245 : vector<256x4096xi32>
    %jit3A_247 = arith.constant 3.000000e+38 : f32
    %broadcast_in_dim3A_248 = vector.broadcast %jit3A_247 : f32 to vector<256x4096xf32>
    %select_n3A_249 = arith.select %eq3A_246, %broadcast_in_dim3A_248, %select_n3A_233 : vector<256x4096xi1>, vector<256x4096xf32>
    %argmin3A_250 = tpu.reduce_index %select_n3A_249 {axis = 1 : i32, kind = #tpu.reduction_kind<arg_min>} : vector<256x4096xf32> -> vector<256xi32>
    %add3A_251 = arith.constant 12288 : i32
    %add3A_252 = vector.broadcast %add3A_251 : i32 to vector<256xi32>
    %add3A_253 = arith.addi %argmin3A_250, %add3A_252 : vector<256xi32>
    %swap3A_254 = arith.constant 0 : index
    %swap3A_255 = arith.constant 0 : index
    %swap3A_256 = arith.constant 14 : index
    %swap3A_257 = vector.load %arg3[%swap3A_254, %swap3A_255, %swap3A_256] : memref<1x256x16xi32, #tpu.memory_space<vmem>>, vector<1x256x1xi32>
    %swap3A_258 = vector.shape_cast %swap3A_257 : vector<1x256x1xi32> to vector<256xi32>
    %swap3A_259 = vector.shape_cast %add3A_253 : vector<256xi32> to vector<1x256x1xi32>
    tpu.vector_store %arg3[%swap3A_254, %swap3A_255, %swap3A_256], %swap3A_259 {strides = array<i32>} : memref<1x256x16xi32, #tpu.memory_space<vmem>>, vector<1x256x1xi32>,
    %broadcast_in_dim3A_260 = vector.shape_cast %argmin3A_250 : vector<256xi32> to vector<256x1xi32>
    %eq3A_261 = vector.broadcast %broadcast_in_dim3A_260 : vector<256x1xi32> to vector<256x4096xi32>
    %eq3A_262 = arith.cmpi eq, %iota3A, %eq3A_261 : vector<256x4096xi32>
    %jit3A_263 = arith.constant 3.000000e+38 : f32
    %broadcast_in_dim3A_264 = vector.broadcast %jit3A_263 : f32 to vector<256x4096xf32>
    %select_n3A_265 = arith.select %eq3A_262, %broadcast_in_dim3A_264, %select_n3A_249 : vector<256x4096xi1>, vector<256x4096xf32>
    %argmin3A_266 = tpu.reduce_index %select_n3A_265 {axis = 1 : i32, kind = #tpu.reduction_kind<arg_min>} : vector<256x4096xf32> -> vector<256xi32>
    %add3A_267 = arith.constant 12288 : i32
    %add3A_268 = vector.broadcast %add3A_267 : i32 to vector<256xi32>
    %add3A_269 = arith.addi %argmin3A_266, %add3A_268 : vector<256xi32>
    %swap3A_270 = arith.constant 0 : index
    %swap3A_271 = arith.constant 0 : index
    %swap3A_272 = arith.constant 15 : index
    %swap3A_273 = vector.load %arg3[%swap3A_270, %swap3A_271, %swap3A_272] : memref<1x256x16xi32, #tpu.memory_space<vmem>>, vector<1x256x1xi32>
    %swap3A_274 = vector.shape_cast %swap3A_273 : vector<1x256x1xi32> to vector<256xi32>
    %swap3A_275 = vector.shape_cast %add3A_269 : vector<256xi32> to vector<1x256x1xi32>
    tpu.vector_store %arg3[%swap3A_270, %swap3A_271, %swap3A_272], %swap3A_275 {strides = array<i32>} : memref<1x256x16xi32, #tpu.memory_space<vmem>>, vector<1x256x1xi32>,
    return
  }
  func.func @transform_0(%arg0: i32) -> (i32, i32, i32) {
    %c3_i32 = arith.constant 3 : i32
    %c0_i32 = arith.constant 0 : i32
    %c0_i32_0 = arith.constant 0 : i32
    return %c3_i32, %arg0, %c0_i32 : i32, i32, i32
  }
  func.func @transform_1(%arg0: i32) -> (i32, i32, i32) {
    %c3_i32 = arith.constant 3 : i32
    %c0_i32 = arith.constant 0 : i32
    %c0_i32_0 = arith.constant 0 : i32
    %c0_i32_1 = arith.constant 0 : i32
    return %c3_i32, %c0_i32, %c0_i32_0 : i32, i32, i32
  }
  func.func @transform_2(%arg0: i32) -> (i32, i32, i32) {
    %c0_i32 = arith.constant 0 : i32
    %c0_i32_0 = arith.constant 0 : i32
    %c0_i32_1 = arith.constant 0 : i32
    return %c0_i32, %arg0, %c0_i32_0 : i32, i32, i32
  }
}

module attributes {stable_mosaic.version = 14 : i64} {
  func.func @_mlp_body(%arg0: i32, %arg1: memref<1x4096x128xf32, #tpu.memory_space<vmem>>, %arg2: memref<1x4096x3xf32, #tpu.memory_space<vmem>>, %arg3: memref<3x128xf32, #tpu.memory_space<vmem>>, %arg4: memref<1x128xf32, #tpu.memory_space<vmem>>, %arg5: memref<128x128xf32, #tpu.memory_space<vmem>>, %arg6: memref<1x128xf32, #tpu.memory_space<vmem>>, %arg7: memref<128x128xf32, #tpu.memory_space<vmem>>, %arg8: memref<1x128xf32, #tpu.memory_space<vmem>>, %arg9: memref<1x256x128xf32, #tpu.memory_space<vmem>>) attributes {dimension_semantics = [#tpu.dimension_semantics<arbitrary>], iteration_bounds = array<i64: 16>, scalar_prefetch = 0 : i64, scratch_operands = 0 : i64, tpu.core_type = #tpu.core_type<tc>, window_params = [{transform_indices = @transform_0, window_bounds = array<i64: 1, 4096, 128>}, {transform_indices = @transform_1, window_bounds = array<i64: 1, 4096, 3>}, {pipeline_mode = #tpu.pipeline_mode<synchronous>, transform_indices = @transform_2, window_bounds = array<i64: 3, 128>}, {pipeline_mode = #tpu.pipeline_mode<synchronous>, transform_indices = @transform_3, window_bounds = array<i64: 1, 128>}, {pipeline_mode = #tpu.pipeline_mode<synchronous>, transform_indices = @transform_4, window_bounds = array<i64: 128, 128>}, {pipeline_mode = #tpu.pipeline_mode<synchronous>, transform_indices = @transform_5, window_bounds = array<i64: 1, 128>}, {pipeline_mode = #tpu.pipeline_mode<synchronous>, transform_indices = @transform_6, window_bounds = array<i64: 128, 128>}, {pipeline_mode = #tpu.pipeline_mode<synchronous>, transform_indices = @transform_7, window_bounds = array<i64: 1, 128>}, {transform_indices = @transform_8, window_bounds = array<i64: 1, 256, 128>}]} {
    %get3A = arith.constant 0 : index
    %get3A_0 = arith.constant 0 : index
    %get3A_1 = arith.constant 0 : index
    %get3A_2 = vector.load %arg1[%get3A, %get3A_0, %get3A_1] : memref<1x4096x128xf32, #tpu.memory_space<vmem>>, vector<1x4096x128xf32>
    %get3A_3 = vector.shape_cast %get3A_2 : vector<1x4096x128xf32> to vector<4096x128xf32>
    %get3A_4 = arith.constant 0 : index
    %get3A_5 = arith.constant 0 : index
    %get3A_6 = arith.constant 0 : index
    %get3A_7 = vector.load %arg2[%get3A_4, %get3A_5, %get3A_6] : memref<1x4096x3xf32, #tpu.memory_space<vmem>>, vector<1x4096x3xf32>
    %get3A_8 = vector.shape_cast %get3A_7 : vector<1x4096x3xf32> to vector<4096x3xf32>
    %slice3A = vector.extract_strided_slice %get3A_8 {offsets = [0, 0], sizes = [4096, 1], strides = [1, 1]} : vector<4096x3xf32> to vector<4096x1xf32>
    %get3A_9 = arith.constant 0 : index
    %get3A_10 = arith.constant 0 : index
    %get3A_11 = vector.load %arg3[%get3A_9, %get3A_10] : memref<3x128xf32, #tpu.memory_space<vmem>>, vector<1x128xf32>
    %mul3A = vector.broadcast %slice3A : vector<4096x1xf32> to vector<4096x128xf32>
    %mul3A_12 = vector.broadcast %get3A_11 : vector<1x128xf32> to vector<4096x128xf32>
    %mul3A_13 = arith.mulf %mul3A, %mul3A_12 : vector<4096x128xf32>
    %slice3A_14 = vector.extract_strided_slice %get3A_8 {offsets = [0, 1], sizes = [4096, 1], strides = [1, 1]} : vector<4096x3xf32> to vector<4096x1xf32>
    %get3A_15 = arith.constant 1 : index
    %get3A_16 = arith.constant 0 : index
    %get3A_17 = vector.load %arg3[%get3A_15, %get3A_16] : memref<3x128xf32, #tpu.memory_space<vmem>>, vector<1x128xf32>
    %mul3A_18 = vector.broadcast %slice3A_14 : vector<4096x1xf32> to vector<4096x128xf32>
    %mul3A_19 = vector.broadcast %get3A_17 : vector<1x128xf32> to vector<4096x128xf32>
    %mul3A_20 = arith.mulf %mul3A_18, %mul3A_19 : vector<4096x128xf32>
    %add3A = arith.addf %mul3A_13, %mul3A_20 : vector<4096x128xf32>
    %slice3A_21 = vector.extract_strided_slice %get3A_8 {offsets = [0, 2], sizes = [4096, 1], strides = [1, 1]} : vector<4096x3xf32> to vector<4096x1xf32>
    %get3A_22 = arith.constant 2 : index
    %get3A_23 = arith.constant 0 : index
    %get3A_24 = vector.load %arg3[%get3A_22, %get3A_23] : memref<3x128xf32, #tpu.memory_space<vmem>>, vector<1x128xf32>
    %mul3A_25 = vector.broadcast %slice3A_21 : vector<4096x1xf32> to vector<4096x128xf32>
    %mul3A_26 = vector.broadcast %get3A_24 : vector<1x128xf32> to vector<4096x128xf32>
    %mul3A_27 = arith.mulf %mul3A_25, %mul3A_26 : vector<4096x128xf32>
    %add3A_28 = arith.addf %add3A, %mul3A_27 : vector<4096x128xf32>
    %add3A_29 = arith.addf %get3A_3, %add3A_28 : vector<4096x128xf32>
    %get3A_30 = arith.constant 0 : index
    %get3A_31 = arith.constant 0 : index
    %get3A_32 = vector.load %arg4[%get3A_30, %get3A_31] : memref<1x128xf32, #tpu.memory_space<vmem>>, vector<1x128xf32>
    %add3A_33 = vector.broadcast %get3A_32 : vector<1x128xf32> to vector<4096x128xf32>
    %add3A_34 = arith.addf %add3A_29, %add3A_33 : vector<4096x128xf32>
    %max3A = arith.constant 0.000000e+00 : f32
    %max3A_35 = vector.broadcast %max3A : f32 to vector<4096x128xf32>
    %max3A_36 = arith.maximumf %add3A_34, %max3A_35 : vector<4096x128xf32>
    %get3A_37 = arith.constant 0 : index
    %get3A_38 = arith.constant 0 : index
    %get3A_39 = vector.load %arg5[%get3A_37, %get3A_38] : memref<128x128xf32, #tpu.memory_space<vmem>>, vector<128x128xf32>
    %dot_general3A = arith.constant dense<0.000000e+00> : vector<4096x128xf32>
    %dot_general3A_40 = tpu.matmul %max3A_36, %get3A_39, %dot_general3A {dimension_numbers = #tpu.dot_dimension_numbers<[1], [0], [0], [1], [0, 0, 1, 1], [], []>, transpose_lhs_hint = false} : vector<4096x128xf32>, vector<128x128xf32>, vector<4096x128xf32> -> vector<4096x128xf32>
    %get3A_41 = arith.constant 0 : index
    %get3A_42 = arith.constant 0 : index
    %get3A_43 = vector.load %arg6[%get3A_41, %get3A_42] : memref<1x128xf32, #tpu.memory_space<vmem>>, vector<1x128xf32>
    %add3A_44 = vector.broadcast %get3A_43 : vector<1x128xf32> to vector<4096x128xf32>
    %add3A_45 = arith.addf %dot_general3A_40, %add3A_44 : vector<4096x128xf32>
    %max3A_46 = arith.constant 0.000000e+00 : f32
    %max3A_47 = vector.broadcast %max3A_46 : f32 to vector<4096x128xf32>
    %max3A_48 = arith.maximumf %add3A_45, %max3A_47 : vector<4096x128xf32>
    %get3A_49 = arith.constant 0 : index
    %get3A_50 = arith.constant 0 : index
    %get3A_51 = vector.load %arg7[%get3A_49, %get3A_50] : memref<128x128xf32, #tpu.memory_space<vmem>>, vector<128x128xf32>
    %dot_general3A_52 = arith.constant dense<0.000000e+00> : vector<4096x128xf32>
    %dot_general3A_53 = tpu.matmul %max3A_48, %get3A_51, %dot_general3A_52 {dimension_numbers = #tpu.dot_dimension_numbers<[1], [0], [0], [1], [0, 0, 1, 1], [], []>, transpose_lhs_hint = false} : vector<4096x128xf32>, vector<128x128xf32>, vector<4096x128xf32> -> vector<4096x128xf32>
    %get3A_54 = arith.constant 0 : index
    %get3A_55 = arith.constant 0 : index
    %get3A_56 = vector.load %arg8[%get3A_54, %get3A_55] : memref<1x128xf32, #tpu.memory_space<vmem>>, vector<1x128xf32>
    %add3A_57 = vector.broadcast %get3A_56 : vector<1x128xf32> to vector<4096x128xf32>
    %add3A_58 = arith.addf %dot_general3A_53, %add3A_57 : vector<4096x128xf32>
    %reshape3A = vector.shape_cast %add3A_58 : vector<4096x128xf32> to vector<256x16x128xf32>
    %reduce_max3A = arith.constant dense<0xFF800000> : vector<256x128xf32>
    %reduce_max3A_59 = vector.multi_reduction <maximumf>, %reshape3A, %reduce_max3A [1] : vector<256x16x128xf32> to vector<256x128xf32>
    %swap3A = arith.constant 0 : index
    %swap3A_60 = arith.constant 0 : index
    %swap3A_61 = arith.constant 0 : index
    %swap3A_62 = vector.load %arg9[%swap3A, %swap3A_60, %swap3A_61] : memref<1x256x128xf32, #tpu.memory_space<vmem>>, vector<1x256x128xf32>
    %swap3A_63 = vector.shape_cast %swap3A_62 : vector<1x256x128xf32> to vector<256x128xf32>
    %swap3A_64 = vector.shape_cast %reduce_max3A_59 : vector<256x128xf32> to vector<1x256x128xf32>
    tpu.vector_store %arg9[%swap3A, %swap3A_60, %swap3A_61], %swap3A_64 {strides = array<i32>} : memref<1x256x128xf32, #tpu.memory_space<vmem>>, vector<1x256x128xf32>,
    return
  }
  func.func @transform_0(%arg0: i32) -> (i32, i32, i32) {
    %c0_i32 = arith.constant 0 : i32
    %c0_i32_0 = arith.constant 0 : i32
    %c0_i32_1 = arith.constant 0 : i32
    return %c0_i32, %arg0, %c0_i32_0 : i32, i32, i32
  }
  func.func @transform_1(%arg0: i32) -> (i32, i32, i32) {
    %c0_i32 = arith.constant 0 : i32
    %c0_i32_0 = arith.constant 0 : i32
    %c0_i32_1 = arith.constant 0 : i32
    return %c0_i32, %arg0, %c0_i32_0 : i32, i32, i32
  }
  func.func @transform_2(%arg0: i32) -> (i32, i32) {
    %c0_i32 = arith.constant 0 : i32
    %c0_i32_0 = arith.constant 0 : i32
    %c0_i32_1 = arith.constant 0 : i32
    return %c0_i32, %c0_i32_0 : i32, i32
  }
  func.func @transform_3(%arg0: i32) -> (i32, i32) {
    %c0_i32 = arith.constant 0 : i32
    %c0_i32_0 = arith.constant 0 : i32
    %c0_i32_1 = arith.constant 0 : i32
    return %c0_i32, %c0_i32_0 : i32, i32
  }
  func.func @transform_4(%arg0: i32) -> (i32, i32) {
    %c0_i32 = arith.constant 0 : i32
    %c0_i32_0 = arith.constant 0 : i32
    %c0_i32_1 = arith.constant 0 : i32
    return %c0_i32, %c0_i32_0 : i32, i32
  }
  func.func @transform_5(%arg0: i32) -> (i32, i32) {
    %c0_i32 = arith.constant 0 : i32
    %c0_i32_0 = arith.constant 0 : i32
    %c0_i32_1 = arith.constant 0 : i32
    return %c0_i32, %c0_i32_0 : i32, i32
  }
  func.func @transform_6(%arg0: i32) -> (i32, i32) {
    %c0_i32 = arith.constant 0 : i32
    %c0_i32_0 = arith.constant 0 : i32
    %c0_i32_1 = arith.constant 0 : i32
    return %c0_i32, %c0_i32_0 : i32, i32
  }
  func.func @transform_7(%arg0: i32) -> (i32, i32) {
    %c0_i32 = arith.constant 0 : i32
    %c0_i32_0 = arith.constant 0 : i32
    %c0_i32_1 = arith.constant 0 : i32
    return %c0_i32, %c0_i32_0 : i32, i32
  }
  func.func @transform_8(%arg0: i32) -> (i32, i32, i32) {
    %c0_i32 = arith.constant 0 : i32
    %c0_i32_0 = arith.constant 0 : i32
    %c0_i32_1 = arith.constant 0 : i32
    return %c0_i32, %arg0, %c0_i32_0 : i32, i32, i32
  }
}

module attributes {stable_mosaic.version = 14 : i64} {
  func.func @_mlp_body(%arg0: i32, %arg1: memref<1x4096x128xf32, #tpu.memory_space<vmem>>, %arg2: memref<1x4096x3xf32, #tpu.memory_space<vmem>>, %arg3: memref<3x128xf32, #tpu.memory_space<vmem>>, %arg4: memref<1x128xf32, #tpu.memory_space<vmem>>, %arg5: memref<128x128xf32, #tpu.memory_space<vmem>>, %arg6: memref<1x128xf32, #tpu.memory_space<vmem>>, %arg7: memref<128x128xf32, #tpu.memory_space<vmem>>, %arg8: memref<1x128xf32, #tpu.memory_space<vmem>>, %arg9: memref<1x256x128xf32, #tpu.memory_space<vmem>>) attributes {dimension_semantics = [#tpu.dimension_semantics<arbitrary>], iteration_bounds = array<i64: 16>, scalar_prefetch = 0 : i64, scratch_operands = 0 : i64, tpu.core_type = #tpu.core_type<tc>, window_params = [{transform_indices = @transform_0, window_bounds = array<i64: 1, 4096, 128>}, {transform_indices = @transform_1, window_bounds = array<i64: 1, 4096, 3>}, {pipeline_mode = #tpu.pipeline_mode<synchronous>, transform_indices = @transform_2, window_bounds = array<i64: 3, 128>}, {pipeline_mode = #tpu.pipeline_mode<synchronous>, transform_indices = @transform_3, window_bounds = array<i64: 1, 128>}, {pipeline_mode = #tpu.pipeline_mode<synchronous>, transform_indices = @transform_4, window_bounds = array<i64: 128, 128>}, {pipeline_mode = #tpu.pipeline_mode<synchronous>, transform_indices = @transform_5, window_bounds = array<i64: 1, 128>}, {pipeline_mode = #tpu.pipeline_mode<synchronous>, transform_indices = @transform_6, window_bounds = array<i64: 128, 128>}, {pipeline_mode = #tpu.pipeline_mode<synchronous>, transform_indices = @transform_7, window_bounds = array<i64: 1, 128>}, {transform_indices = @transform_8, window_bounds = array<i64: 1, 256, 128>}]} {
    %get3A = arith.constant 0 : index
    %get3A_0 = arith.constant 0 : index
    %get3A_1 = arith.constant 0 : index
    %get3A_2 = vector.load %arg1[%get3A, %get3A_0, %get3A_1] : memref<1x4096x128xf32, #tpu.memory_space<vmem>>, vector<1x4096x128xf32>
    %get3A_3 = vector.shape_cast %get3A_2 : vector<1x4096x128xf32> to vector<4096x128xf32>
    %get3A_4 = arith.constant 0 : index
    %get3A_5 = arith.constant 0 : index
    %get3A_6 = arith.constant 0 : index
    %get3A_7 = vector.load %arg2[%get3A_4, %get3A_5, %get3A_6] : memref<1x4096x3xf32, #tpu.memory_space<vmem>>, vector<1x4096x3xf32>
    %get3A_8 = vector.shape_cast %get3A_7 : vector<1x4096x3xf32> to vector<4096x3xf32>
    %slice3A = vector.extract_strided_slice %get3A_8 {offsets = [0, 0], sizes = [4096, 1], strides = [1, 1]} : vector<4096x3xf32> to vector<4096x1xf32>
    %get3A_9 = arith.constant 0 : index
    %get3A_10 = arith.constant 0 : index
    %get3A_11 = vector.load %arg3[%get3A_9, %get3A_10] : memref<3x128xf32, #tpu.memory_space<vmem>>, vector<1x128xf32>
    %mul3A = vector.broadcast %slice3A : vector<4096x1xf32> to vector<4096x128xf32>
    %mul3A_12 = vector.broadcast %get3A_11 : vector<1x128xf32> to vector<4096x128xf32>
    %mul3A_13 = arith.mulf %mul3A, %mul3A_12 : vector<4096x128xf32>
    %slice3A_14 = vector.extract_strided_slice %get3A_8 {offsets = [0, 1], sizes = [4096, 1], strides = [1, 1]} : vector<4096x3xf32> to vector<4096x1xf32>
    %get3A_15 = arith.constant 1 : index
    %get3A_16 = arith.constant 0 : index
    %get3A_17 = vector.load %arg3[%get3A_15, %get3A_16] : memref<3x128xf32, #tpu.memory_space<vmem>>, vector<1x128xf32>
    %mul3A_18 = vector.broadcast %slice3A_14 : vector<4096x1xf32> to vector<4096x128xf32>
    %mul3A_19 = vector.broadcast %get3A_17 : vector<1x128xf32> to vector<4096x128xf32>
    %mul3A_20 = arith.mulf %mul3A_18, %mul3A_19 : vector<4096x128xf32>
    %add3A = arith.addf %mul3A_13, %mul3A_20 : vector<4096x128xf32>
    %slice3A_21 = vector.extract_strided_slice %get3A_8 {offsets = [0, 2], sizes = [4096, 1], strides = [1, 1]} : vector<4096x3xf32> to vector<4096x1xf32>
    %get3A_22 = arith.constant 2 : index
    %get3A_23 = arith.constant 0 : index
    %get3A_24 = vector.load %arg3[%get3A_22, %get3A_23] : memref<3x128xf32, #tpu.memory_space<vmem>>, vector<1x128xf32>
    %mul3A_25 = vector.broadcast %slice3A_21 : vector<4096x1xf32> to vector<4096x128xf32>
    %mul3A_26 = vector.broadcast %get3A_24 : vector<1x128xf32> to vector<4096x128xf32>
    %mul3A_27 = arith.mulf %mul3A_25, %mul3A_26 : vector<4096x128xf32>
    %add3A_28 = arith.addf %add3A, %mul3A_27 : vector<4096x128xf32>
    %add3A_29 = arith.addf %get3A_3, %add3A_28 : vector<4096x128xf32>
    %get3A_30 = arith.constant 0 : index
    %get3A_31 = arith.constant 0 : index
    %get3A_32 = vector.load %arg4[%get3A_30, %get3A_31] : memref<1x128xf32, #tpu.memory_space<vmem>>, vector<1x128xf32>
    %add3A_33 = vector.broadcast %get3A_32 : vector<1x128xf32> to vector<4096x128xf32>
    %add3A_34 = arith.addf %add3A_29, %add3A_33 : vector<4096x128xf32>
    %max3A = arith.constant 0.000000e+00 : f32
    %max3A_35 = vector.broadcast %max3A : f32 to vector<4096x128xf32>
    %max3A_36 = arith.maximumf %add3A_34, %max3A_35 : vector<4096x128xf32>
    %get3A_37 = arith.constant 0 : index
    %get3A_38 = arith.constant 0 : index
    %get3A_39 = vector.load %arg5[%get3A_37, %get3A_38] : memref<128x128xf32, #tpu.memory_space<vmem>>, vector<128x128xf32>
    %dot_general3A = arith.constant dense<0.000000e+00> : vector<4096x128xf32>
    %dot_general3A_40 = tpu.matmul %max3A_36, %get3A_39, %dot_general3A {dimension_numbers = #tpu.dot_dimension_numbers<[1], [0], [0], [1], [0, 0, 1, 1], [], []>, transpose_lhs_hint = false} : vector<4096x128xf32>, vector<128x128xf32>, vector<4096x128xf32> -> vector<4096x128xf32>
    %get3A_41 = arith.constant 0 : index
    %get3A_42 = arith.constant 0 : index
    %get3A_43 = vector.load %arg6[%get3A_41, %get3A_42] : memref<1x128xf32, #tpu.memory_space<vmem>>, vector<1x128xf32>
    %add3A_44 = vector.broadcast %get3A_43 : vector<1x128xf32> to vector<4096x128xf32>
    %add3A_45 = arith.addf %dot_general3A_40, %add3A_44 : vector<4096x128xf32>
    %max3A_46 = arith.constant 0.000000e+00 : f32
    %max3A_47 = vector.broadcast %max3A_46 : f32 to vector<4096x128xf32>
    %max3A_48 = arith.maximumf %add3A_45, %max3A_47 : vector<4096x128xf32>
    %get3A_49 = arith.constant 0 : index
    %get3A_50 = arith.constant 0 : index
    %get3A_51 = vector.load %arg7[%get3A_49, %get3A_50] : memref<128x128xf32, #tpu.memory_space<vmem>>, vector<128x128xf32>
    %dot_general3A_52 = arith.constant dense<0.000000e+00> : vector<4096x128xf32>
    %dot_general3A_53 = tpu.matmul %max3A_48, %get3A_51, %dot_general3A_52 {dimension_numbers = #tpu.dot_dimension_numbers<[1], [0], [0], [1], [0, 0, 1, 1], [], []>, transpose_lhs_hint = false} : vector<4096x128xf32>, vector<128x128xf32>, vector<4096x128xf32> -> vector<4096x128xf32>
    %get3A_54 = arith.constant 0 : index
    %get3A_55 = arith.constant 0 : index
    %get3A_56 = vector.load %arg8[%get3A_54, %get3A_55] : memref<1x128xf32, #tpu.memory_space<vmem>>, vector<1x128xf32>
    %add3A_57 = vector.broadcast %get3A_56 : vector<1x128xf32> to vector<4096x128xf32>
    %add3A_58 = arith.addf %dot_general3A_53, %add3A_57 : vector<4096x128xf32>
    %reshape3A = vector.shape_cast %add3A_58 : vector<4096x128xf32> to vector<256x16x128xf32>
    %reduce_max3A = arith.constant dense<0xFF800000> : vector<256x128xf32>
    %reduce_max3A_59 = vector.multi_reduction <maximumf>, %reshape3A, %reduce_max3A [1] : vector<256x16x128xf32> to vector<256x128xf32>
    %swap3A = arith.constant 0 : index
    %swap3A_60 = arith.constant 0 : index
    %swap3A_61 = arith.constant 0 : index
    %swap3A_62 = vector.load %arg9[%swap3A, %swap3A_60, %swap3A_61] : memref<1x256x128xf32, #tpu.memory_space<vmem>>, vector<1x256x128xf32>
    %swap3A_63 = vector.shape_cast %swap3A_62 : vector<1x256x128xf32> to vector<256x128xf32>
    %swap3A_64 = vector.shape_cast %reduce_max3A_59 : vector<256x128xf32> to vector<1x256x128xf32>
    tpu.vector_store %arg9[%swap3A, %swap3A_60, %swap3A_61], %swap3A_64 {strides = array<i32>} : memref<1x256x128xf32, #tpu.memory_space<vmem>>, vector<1x256x128xf32>,
    return
  }
  func.func @transform_0(%arg0: i32) -> (i32, i32, i32) {
    %c0_i32 = arith.constant 0 : i32
    %c0_i32_0 = arith.constant 0 : i32
    %c0_i32_1 = arith.constant 0 : i32
    return %c0_i32, %arg0, %c0_i32_0 : i32, i32, i32
  }
  func.func @transform_1(%arg0: i32) -> (i32, i32, i32) {
    %c1_i32 = arith.constant 1 : i32
    %c0_i32 = arith.constant 0 : i32
    %c0_i32_0 = arith.constant 0 : i32
    return %c1_i32, %arg0, %c0_i32 : i32, i32, i32
  }
  func.func @transform_2(%arg0: i32) -> (i32, i32) {
    %c0_i32 = arith.constant 0 : i32
    %c0_i32_0 = arith.constant 0 : i32
    %c0_i32_1 = arith.constant 0 : i32
    return %c0_i32, %c0_i32_0 : i32, i32
  }
  func.func @transform_3(%arg0: i32) -> (i32, i32) {
    %c0_i32 = arith.constant 0 : i32
    %c0_i32_0 = arith.constant 0 : i32
    %c0_i32_1 = arith.constant 0 : i32
    return %c0_i32, %c0_i32_0 : i32, i32
  }
  func.func @transform_4(%arg0: i32) -> (i32, i32) {
    %c0_i32 = arith.constant 0 : i32
    %c0_i32_0 = arith.constant 0 : i32
    %c0_i32_1 = arith.constant 0 : i32
    return %c0_i32, %c0_i32_0 : i32, i32
  }
  func.func @transform_5(%arg0: i32) -> (i32, i32) {
    %c0_i32 = arith.constant 0 : i32
    %c0_i32_0 = arith.constant 0 : i32
    %c0_i32_1 = arith.constant 0 : i32
    return %c0_i32, %c0_i32_0 : i32, i32
  }
  func.func @transform_6(%arg0: i32) -> (i32, i32) {
    %c0_i32 = arith.constant 0 : i32
    %c0_i32_0 = arith.constant 0 : i32
    %c0_i32_1 = arith.constant 0 : i32
    return %c0_i32, %c0_i32_0 : i32, i32
  }
  func.func @transform_7(%arg0: i32) -> (i32, i32) {
    %c0_i32 = arith.constant 0 : i32
    %c0_i32_0 = arith.constant 0 : i32
    %c0_i32_1 = arith.constant 0 : i32
    return %c0_i32, %c0_i32_0 : i32, i32
  }
  func.func @transform_8(%arg0: i32) -> (i32, i32, i32) {
    %c0_i32 = arith.constant 0 : i32
    %c0_i32_0 = arith.constant 0 : i32
    %c0_i32_1 = arith.constant 0 : i32
    return %c0_i32, %arg0, %c0_i32_0 : i32, i32, i32
  }
}

module attributes {stable_mosaic.version = 14 : i64} {
  func.func @_mlp_body(%arg0: i32, %arg1: memref<1x4096x128xf32, #tpu.memory_space<vmem>>, %arg2: memref<1x4096x3xf32, #tpu.memory_space<vmem>>, %arg3: memref<3x128xf32, #tpu.memory_space<vmem>>, %arg4: memref<1x128xf32, #tpu.memory_space<vmem>>, %arg5: memref<128x128xf32, #tpu.memory_space<vmem>>, %arg6: memref<1x128xf32, #tpu.memory_space<vmem>>, %arg7: memref<128x128xf32, #tpu.memory_space<vmem>>, %arg8: memref<1x128xf32, #tpu.memory_space<vmem>>, %arg9: memref<1x256x128xf32, #tpu.memory_space<vmem>>) attributes {dimension_semantics = [#tpu.dimension_semantics<arbitrary>], iteration_bounds = array<i64: 16>, scalar_prefetch = 0 : i64, scratch_operands = 0 : i64, tpu.core_type = #tpu.core_type<tc>, window_params = [{transform_indices = @transform_0, window_bounds = array<i64: 1, 4096, 128>}, {transform_indices = @transform_1, window_bounds = array<i64: 1, 4096, 3>}, {pipeline_mode = #tpu.pipeline_mode<synchronous>, transform_indices = @transform_2, window_bounds = array<i64: 3, 128>}, {pipeline_mode = #tpu.pipeline_mode<synchronous>, transform_indices = @transform_3, window_bounds = array<i64: 1, 128>}, {pipeline_mode = #tpu.pipeline_mode<synchronous>, transform_indices = @transform_4, window_bounds = array<i64: 128, 128>}, {pipeline_mode = #tpu.pipeline_mode<synchronous>, transform_indices = @transform_5, window_bounds = array<i64: 1, 128>}, {pipeline_mode = #tpu.pipeline_mode<synchronous>, transform_indices = @transform_6, window_bounds = array<i64: 128, 128>}, {pipeline_mode = #tpu.pipeline_mode<synchronous>, transform_indices = @transform_7, window_bounds = array<i64: 1, 128>}, {transform_indices = @transform_8, window_bounds = array<i64: 1, 256, 128>}]} {
    %get3A = arith.constant 0 : index
    %get3A_0 = arith.constant 0 : index
    %get3A_1 = arith.constant 0 : index
    %get3A_2 = vector.load %arg1[%get3A, %get3A_0, %get3A_1] : memref<1x4096x128xf32, #tpu.memory_space<vmem>>, vector<1x4096x128xf32>
    %get3A_3 = vector.shape_cast %get3A_2 : vector<1x4096x128xf32> to vector<4096x128xf32>
    %get3A_4 = arith.constant 0 : index
    %get3A_5 = arith.constant 0 : index
    %get3A_6 = arith.constant 0 : index
    %get3A_7 = vector.load %arg2[%get3A_4, %get3A_5, %get3A_6] : memref<1x4096x3xf32, #tpu.memory_space<vmem>>, vector<1x4096x3xf32>
    %get3A_8 = vector.shape_cast %get3A_7 : vector<1x4096x3xf32> to vector<4096x3xf32>
    %slice3A = vector.extract_strided_slice %get3A_8 {offsets = [0, 0], sizes = [4096, 1], strides = [1, 1]} : vector<4096x3xf32> to vector<4096x1xf32>
    %get3A_9 = arith.constant 0 : index
    %get3A_10 = arith.constant 0 : index
    %get3A_11 = vector.load %arg3[%get3A_9, %get3A_10] : memref<3x128xf32, #tpu.memory_space<vmem>>, vector<1x128xf32>
    %mul3A = vector.broadcast %slice3A : vector<4096x1xf32> to vector<4096x128xf32>
    %mul3A_12 = vector.broadcast %get3A_11 : vector<1x128xf32> to vector<4096x128xf32>
    %mul3A_13 = arith.mulf %mul3A, %mul3A_12 : vector<4096x128xf32>
    %slice3A_14 = vector.extract_strided_slice %get3A_8 {offsets = [0, 1], sizes = [4096, 1], strides = [1, 1]} : vector<4096x3xf32> to vector<4096x1xf32>
    %get3A_15 = arith.constant 1 : index
    %get3A_16 = arith.constant 0 : index
    %get3A_17 = vector.load %arg3[%get3A_15, %get3A_16] : memref<3x128xf32, #tpu.memory_space<vmem>>, vector<1x128xf32>
    %mul3A_18 = vector.broadcast %slice3A_14 : vector<4096x1xf32> to vector<4096x128xf32>
    %mul3A_19 = vector.broadcast %get3A_17 : vector<1x128xf32> to vector<4096x128xf32>
    %mul3A_20 = arith.mulf %mul3A_18, %mul3A_19 : vector<4096x128xf32>
    %add3A = arith.addf %mul3A_13, %mul3A_20 : vector<4096x128xf32>
    %slice3A_21 = vector.extract_strided_slice %get3A_8 {offsets = [0, 2], sizes = [4096, 1], strides = [1, 1]} : vector<4096x3xf32> to vector<4096x1xf32>
    %get3A_22 = arith.constant 2 : index
    %get3A_23 = arith.constant 0 : index
    %get3A_24 = vector.load %arg3[%get3A_22, %get3A_23] : memref<3x128xf32, #tpu.memory_space<vmem>>, vector<1x128xf32>
    %mul3A_25 = vector.broadcast %slice3A_21 : vector<4096x1xf32> to vector<4096x128xf32>
    %mul3A_26 = vector.broadcast %get3A_24 : vector<1x128xf32> to vector<4096x128xf32>
    %mul3A_27 = arith.mulf %mul3A_25, %mul3A_26 : vector<4096x128xf32>
    %add3A_28 = arith.addf %add3A, %mul3A_27 : vector<4096x128xf32>
    %add3A_29 = arith.addf %get3A_3, %add3A_28 : vector<4096x128xf32>
    %get3A_30 = arith.constant 0 : index
    %get3A_31 = arith.constant 0 : index
    %get3A_32 = vector.load %arg4[%get3A_30, %get3A_31] : memref<1x128xf32, #tpu.memory_space<vmem>>, vector<1x128xf32>
    %add3A_33 = vector.broadcast %get3A_32 : vector<1x128xf32> to vector<4096x128xf32>
    %add3A_34 = arith.addf %add3A_29, %add3A_33 : vector<4096x128xf32>
    %max3A = arith.constant 0.000000e+00 : f32
    %max3A_35 = vector.broadcast %max3A : f32 to vector<4096x128xf32>
    %max3A_36 = arith.maximumf %add3A_34, %max3A_35 : vector<4096x128xf32>
    %get3A_37 = arith.constant 0 : index
    %get3A_38 = arith.constant 0 : index
    %get3A_39 = vector.load %arg5[%get3A_37, %get3A_38] : memref<128x128xf32, #tpu.memory_space<vmem>>, vector<128x128xf32>
    %dot_general3A = arith.constant dense<0.000000e+00> : vector<4096x128xf32>
    %dot_general3A_40 = tpu.matmul %max3A_36, %get3A_39, %dot_general3A {dimension_numbers = #tpu.dot_dimension_numbers<[1], [0], [0], [1], [0, 0, 1, 1], [], []>, transpose_lhs_hint = false} : vector<4096x128xf32>, vector<128x128xf32>, vector<4096x128xf32> -> vector<4096x128xf32>
    %get3A_41 = arith.constant 0 : index
    %get3A_42 = arith.constant 0 : index
    %get3A_43 = vector.load %arg6[%get3A_41, %get3A_42] : memref<1x128xf32, #tpu.memory_space<vmem>>, vector<1x128xf32>
    %add3A_44 = vector.broadcast %get3A_43 : vector<1x128xf32> to vector<4096x128xf32>
    %add3A_45 = arith.addf %dot_general3A_40, %add3A_44 : vector<4096x128xf32>
    %max3A_46 = arith.constant 0.000000e+00 : f32
    %max3A_47 = vector.broadcast %max3A_46 : f32 to vector<4096x128xf32>
    %max3A_48 = arith.maximumf %add3A_45, %max3A_47 : vector<4096x128xf32>
    %get3A_49 = arith.constant 0 : index
    %get3A_50 = arith.constant 0 : index
    %get3A_51 = vector.load %arg7[%get3A_49, %get3A_50] : memref<128x128xf32, #tpu.memory_space<vmem>>, vector<128x128xf32>
    %dot_general3A_52 = arith.constant dense<0.000000e+00> : vector<4096x128xf32>
    %dot_general3A_53 = tpu.matmul %max3A_48, %get3A_51, %dot_general3A_52 {dimension_numbers = #tpu.dot_dimension_numbers<[1], [0], [0], [1], [0, 0, 1, 1], [], []>, transpose_lhs_hint = false} : vector<4096x128xf32>, vector<128x128xf32>, vector<4096x128xf32> -> vector<4096x128xf32>
    %get3A_54 = arith.constant 0 : index
    %get3A_55 = arith.constant 0 : index
    %get3A_56 = vector.load %arg8[%get3A_54, %get3A_55] : memref<1x128xf32, #tpu.memory_space<vmem>>, vector<1x128xf32>
    %add3A_57 = vector.broadcast %get3A_56 : vector<1x128xf32> to vector<4096x128xf32>
    %add3A_58 = arith.addf %dot_general3A_53, %add3A_57 : vector<4096x128xf32>
    %reshape3A = vector.shape_cast %add3A_58 : vector<4096x128xf32> to vector<256x16x128xf32>
    %reduce_max3A = arith.constant dense<0xFF800000> : vector<256x128xf32>
    %reduce_max3A_59 = vector.multi_reduction <maximumf>, %reshape3A, %reduce_max3A [1] : vector<256x16x128xf32> to vector<256x128xf32>
    %swap3A = arith.constant 0 : index
    %swap3A_60 = arith.constant 0 : index
    %swap3A_61 = arith.constant 0 : index
    %swap3A_62 = vector.load %arg9[%swap3A, %swap3A_60, %swap3A_61] : memref<1x256x128xf32, #tpu.memory_space<vmem>>, vector<1x256x128xf32>
    %swap3A_63 = vector.shape_cast %swap3A_62 : vector<1x256x128xf32> to vector<256x128xf32>
    %swap3A_64 = vector.shape_cast %reduce_max3A_59 : vector<256x128xf32> to vector<1x256x128xf32>
    tpu.vector_store %arg9[%swap3A, %swap3A_60, %swap3A_61], %swap3A_64 {strides = array<i32>} : memref<1x256x128xf32, #tpu.memory_space<vmem>>, vector<1x256x128xf32>,
    return
  }
  func.func @transform_0(%arg0: i32) -> (i32, i32, i32) {
    %c0_i32 = arith.constant 0 : i32
    %c0_i32_0 = arith.constant 0 : i32
    %c0_i32_1 = arith.constant 0 : i32
    return %c0_i32, %arg0, %c0_i32_0 : i32, i32, i32
  }
  func.func @transform_1(%arg0: i32) -> (i32, i32, i32) {
    %c2_i32 = arith.constant 2 : i32
    %c0_i32 = arith.constant 0 : i32
    %c0_i32_0 = arith.constant 0 : i32
    return %c2_i32, %arg0, %c0_i32 : i32, i32, i32
  }
  func.func @transform_2(%arg0: i32) -> (i32, i32) {
    %c0_i32 = arith.constant 0 : i32
    %c0_i32_0 = arith.constant 0 : i32
    %c0_i32_1 = arith.constant 0 : i32
    return %c0_i32, %c0_i32_0 : i32, i32
  }
  func.func @transform_3(%arg0: i32) -> (i32, i32) {
    %c0_i32 = arith.constant 0 : i32
    %c0_i32_0 = arith.constant 0 : i32
    %c0_i32_1 = arith.constant 0 : i32
    return %c0_i32, %c0_i32_0 : i32, i32
  }
  func.func @transform_4(%arg0: i32) -> (i32, i32) {
    %c0_i32 = arith.constant 0 : i32
    %c0_i32_0 = arith.constant 0 : i32
    %c0_i32_1 = arith.constant 0 : i32
    return %c0_i32, %c0_i32_0 : i32, i32
  }
  func.func @transform_5(%arg0: i32) -> (i32, i32) {
    %c0_i32 = arith.constant 0 : i32
    %c0_i32_0 = arith.constant 0 : i32
    %c0_i32_1 = arith.constant 0 : i32
    return %c0_i32, %c0_i32_0 : i32, i32
  }
  func.func @transform_6(%arg0: i32) -> (i32, i32) {
    %c0_i32 = arith.constant 0 : i32
    %c0_i32_0 = arith.constant 0 : i32
    %c0_i32_1 = arith.constant 0 : i32
    return %c0_i32, %c0_i32_0 : i32, i32
  }
  func.func @transform_7(%arg0: i32) -> (i32, i32) {
    %c0_i32 = arith.constant 0 : i32
    %c0_i32_0 = arith.constant 0 : i32
    %c0_i32_1 = arith.constant 0 : i32
    return %c0_i32, %c0_i32_0 : i32, i32
  }
  func.func @transform_8(%arg0: i32) -> (i32, i32, i32) {
    %c0_i32 = arith.constant 0 : i32
    %c0_i32_0 = arith.constant 0 : i32
    %c0_i32_1 = arith.constant 0 : i32
    return %c0_i32, %arg0, %c0_i32_0 : i32, i32, i32
  }
}

module attributes {stable_mosaic.version = 14 : i64} {
  func.func @_mlp_body(%arg0: i32, %arg1: memref<1x4096x128xf32, #tpu.memory_space<vmem>>, %arg2: memref<1x4096x3xf32, #tpu.memory_space<vmem>>, %arg3: memref<3x128xf32, #tpu.memory_space<vmem>>, %arg4: memref<1x128xf32, #tpu.memory_space<vmem>>, %arg5: memref<128x128xf32, #tpu.memory_space<vmem>>, %arg6: memref<1x128xf32, #tpu.memory_space<vmem>>, %arg7: memref<128x128xf32, #tpu.memory_space<vmem>>, %arg8: memref<1x128xf32, #tpu.memory_space<vmem>>, %arg9: memref<1x256x128xf32, #tpu.memory_space<vmem>>) attributes {dimension_semantics = [#tpu.dimension_semantics<arbitrary>], iteration_bounds = array<i64: 16>, scalar_prefetch = 0 : i64, scratch_operands = 0 : i64, tpu.core_type = #tpu.core_type<tc>, window_params = [{transform_indices = @transform_0, window_bounds = array<i64: 1, 4096, 128>}, {transform_indices = @transform_1, window_bounds = array<i64: 1, 4096, 3>}, {pipeline_mode = #tpu.pipeline_mode<synchronous>, transform_indices = @transform_2, window_bounds = array<i64: 3, 128>}, {pipeline_mode = #tpu.pipeline_mode<synchronous>, transform_indices = @transform_3, window_bounds = array<i64: 1, 128>}, {pipeline_mode = #tpu.pipeline_mode<synchronous>, transform_indices = @transform_4, window_bounds = array<i64: 128, 128>}, {pipeline_mode = #tpu.pipeline_mode<synchronous>, transform_indices = @transform_5, window_bounds = array<i64: 1, 128>}, {pipeline_mode = #tpu.pipeline_mode<synchronous>, transform_indices = @transform_6, window_bounds = array<i64: 128, 128>}, {pipeline_mode = #tpu.pipeline_mode<synchronous>, transform_indices = @transform_7, window_bounds = array<i64: 1, 128>}, {transform_indices = @transform_8, window_bounds = array<i64: 1, 256, 128>}]} {
    %get3A = arith.constant 0 : index
    %get3A_0 = arith.constant 0 : index
    %get3A_1 = arith.constant 0 : index
    %get3A_2 = vector.load %arg1[%get3A, %get3A_0, %get3A_1] : memref<1x4096x128xf32, #tpu.memory_space<vmem>>, vector<1x4096x128xf32>
    %get3A_3 = vector.shape_cast %get3A_2 : vector<1x4096x128xf32> to vector<4096x128xf32>
    %get3A_4 = arith.constant 0 : index
    %get3A_5 = arith.constant 0 : index
    %get3A_6 = arith.constant 0 : index
    %get3A_7 = vector.load %arg2[%get3A_4, %get3A_5, %get3A_6] : memref<1x4096x3xf32, #tpu.memory_space<vmem>>, vector<1x4096x3xf32>
    %get3A_8 = vector.shape_cast %get3A_7 : vector<1x4096x3xf32> to vector<4096x3xf32>
    %slice3A = vector.extract_strided_slice %get3A_8 {offsets = [0, 0], sizes = [4096, 1], strides = [1, 1]} : vector<4096x3xf32> to vector<4096x1xf32>
    %get3A_9 = arith.constant 0 : index
    %get3A_10 = arith.constant 0 : index
    %get3A_11 = vector.load %arg3[%get3A_9, %get3A_10] : memref<3x128xf32, #tpu.memory_space<vmem>>, vector<1x128xf32>
    %mul3A = vector.broadcast %slice3A : vector<4096x1xf32> to vector<4096x128xf32>
    %mul3A_12 = vector.broadcast %get3A_11 : vector<1x128xf32> to vector<4096x128xf32>
    %mul3A_13 = arith.mulf %mul3A, %mul3A_12 : vector<4096x128xf32>
    %slice3A_14 = vector.extract_strided_slice %get3A_8 {offsets = [0, 1], sizes = [4096, 1], strides = [1, 1]} : vector<4096x3xf32> to vector<4096x1xf32>
    %get3A_15 = arith.constant 1 : index
    %get3A_16 = arith.constant 0 : index
    %get3A_17 = vector.load %arg3[%get3A_15, %get3A_16] : memref<3x128xf32, #tpu.memory_space<vmem>>, vector<1x128xf32>
    %mul3A_18 = vector.broadcast %slice3A_14 : vector<4096x1xf32> to vector<4096x128xf32>
    %mul3A_19 = vector.broadcast %get3A_17 : vector<1x128xf32> to vector<4096x128xf32>
    %mul3A_20 = arith.mulf %mul3A_18, %mul3A_19 : vector<4096x128xf32>
    %add3A = arith.addf %mul3A_13, %mul3A_20 : vector<4096x128xf32>
    %slice3A_21 = vector.extract_strided_slice %get3A_8 {offsets = [0, 2], sizes = [4096, 1], strides = [1, 1]} : vector<4096x3xf32> to vector<4096x1xf32>
    %get3A_22 = arith.constant 2 : index
    %get3A_23 = arith.constant 0 : index
    %get3A_24 = vector.load %arg3[%get3A_22, %get3A_23] : memref<3x128xf32, #tpu.memory_space<vmem>>, vector<1x128xf32>
    %mul3A_25 = vector.broadcast %slice3A_21 : vector<4096x1xf32> to vector<4096x128xf32>
    %mul3A_26 = vector.broadcast %get3A_24 : vector<1x128xf32> to vector<4096x128xf32>
    %mul3A_27 = arith.mulf %mul3A_25, %mul3A_26 : vector<4096x128xf32>
    %add3A_28 = arith.addf %add3A, %mul3A_27 : vector<4096x128xf32>
    %add3A_29 = arith.addf %get3A_3, %add3A_28 : vector<4096x128xf32>
    %get3A_30 = arith.constant 0 : index
    %get3A_31 = arith.constant 0 : index
    %get3A_32 = vector.load %arg4[%get3A_30, %get3A_31] : memref<1x128xf32, #tpu.memory_space<vmem>>, vector<1x128xf32>
    %add3A_33 = vector.broadcast %get3A_32 : vector<1x128xf32> to vector<4096x128xf32>
    %add3A_34 = arith.addf %add3A_29, %add3A_33 : vector<4096x128xf32>
    %max3A = arith.constant 0.000000e+00 : f32
    %max3A_35 = vector.broadcast %max3A : f32 to vector<4096x128xf32>
    %max3A_36 = arith.maximumf %add3A_34, %max3A_35 : vector<4096x128xf32>
    %get3A_37 = arith.constant 0 : index
    %get3A_38 = arith.constant 0 : index
    %get3A_39 = vector.load %arg5[%get3A_37, %get3A_38] : memref<128x128xf32, #tpu.memory_space<vmem>>, vector<128x128xf32>
    %dot_general3A = arith.constant dense<0.000000e+00> : vector<4096x128xf32>
    %dot_general3A_40 = tpu.matmul %max3A_36, %get3A_39, %dot_general3A {dimension_numbers = #tpu.dot_dimension_numbers<[1], [0], [0], [1], [0, 0, 1, 1], [], []>, transpose_lhs_hint = false} : vector<4096x128xf32>, vector<128x128xf32>, vector<4096x128xf32> -> vector<4096x128xf32>
    %get3A_41 = arith.constant 0 : index
    %get3A_42 = arith.constant 0 : index
    %get3A_43 = vector.load %arg6[%get3A_41, %get3A_42] : memref<1x128xf32, #tpu.memory_space<vmem>>, vector<1x128xf32>
    %add3A_44 = vector.broadcast %get3A_43 : vector<1x128xf32> to vector<4096x128xf32>
    %add3A_45 = arith.addf %dot_general3A_40, %add3A_44 : vector<4096x128xf32>
    %max3A_46 = arith.constant 0.000000e+00 : f32
    %max3A_47 = vector.broadcast %max3A_46 : f32 to vector<4096x128xf32>
    %max3A_48 = arith.maximumf %add3A_45, %max3A_47 : vector<4096x128xf32>
    %get3A_49 = arith.constant 0 : index
    %get3A_50 = arith.constant 0 : index
    %get3A_51 = vector.load %arg7[%get3A_49, %get3A_50] : memref<128x128xf32, #tpu.memory_space<vmem>>, vector<128x128xf32>
    %dot_general3A_52 = arith.constant dense<0.000000e+00> : vector<4096x128xf32>
    %dot_general3A_53 = tpu.matmul %max3A_48, %get3A_51, %dot_general3A_52 {dimension_numbers = #tpu.dot_dimension_numbers<[1], [0], [0], [1], [0, 0, 1, 1], [], []>, transpose_lhs_hint = false} : vector<4096x128xf32>, vector<128x128xf32>, vector<4096x128xf32> -> vector<4096x128xf32>
    %get3A_54 = arith.constant 0 : index
    %get3A_55 = arith.constant 0 : index
    %get3A_56 = vector.load %arg8[%get3A_54, %get3A_55] : memref<1x128xf32, #tpu.memory_space<vmem>>, vector<1x128xf32>
    %add3A_57 = vector.broadcast %get3A_56 : vector<1x128xf32> to vector<4096x128xf32>
    %add3A_58 = arith.addf %dot_general3A_53, %add3A_57 : vector<4096x128xf32>
    %reshape3A = vector.shape_cast %add3A_58 : vector<4096x128xf32> to vector<256x16x128xf32>
    %reduce_max3A = arith.constant dense<0xFF800000> : vector<256x128xf32>
    %reduce_max3A_59 = vector.multi_reduction <maximumf>, %reshape3A, %reduce_max3A [1] : vector<256x16x128xf32> to vector<256x128xf32>
    %swap3A = arith.constant 0 : index
    %swap3A_60 = arith.constant 0 : index
    %swap3A_61 = arith.constant 0 : index
    %swap3A_62 = vector.load %arg9[%swap3A, %swap3A_60, %swap3A_61] : memref<1x256x128xf32, #tpu.memory_space<vmem>>, vector<1x256x128xf32>
    %swap3A_63 = vector.shape_cast %swap3A_62 : vector<1x256x128xf32> to vector<256x128xf32>
    %swap3A_64 = vector.shape_cast %reduce_max3A_59 : vector<256x128xf32> to vector<1x256x128xf32>
    tpu.vector_store %arg9[%swap3A, %swap3A_60, %swap3A_61], %swap3A_64 {strides = array<i32>} : memref<1x256x128xf32, #tpu.memory_space<vmem>>, vector<1x256x128xf32>,
    return
  }
  func.func @transform_0(%arg0: i32) -> (i32, i32, i32) {
    %c0_i32 = arith.constant 0 : i32
    %c0_i32_0 = arith.constant 0 : i32
    %c0_i32_1 = arith.constant 0 : i32
    return %c0_i32, %arg0, %c0_i32_0 : i32, i32, i32
  }
  func.func @transform_1(%arg0: i32) -> (i32, i32, i32) {
    %c3_i32 = arith.constant 3 : i32
    %c0_i32 = arith.constant 0 : i32
    %c0_i32_0 = arith.constant 0 : i32
    return %c3_i32, %arg0, %c0_i32 : i32, i32, i32
  }
  func.func @transform_2(%arg0: i32) -> (i32, i32) {
    %c0_i32 = arith.constant 0 : i32
    %c0_i32_0 = arith.constant 0 : i32
    %c0_i32_1 = arith.constant 0 : i32
    return %c0_i32, %c0_i32_0 : i32, i32
  }
  func.func @transform_3(%arg0: i32) -> (i32, i32) {
    %c0_i32 = arith.constant 0 : i32
    %c0_i32_0 = arith.constant 0 : i32
    %c0_i32_1 = arith.constant 0 : i32
    return %c0_i32, %c0_i32_0 : i32, i32
  }
  func.func @transform_4(%arg0: i32) -> (i32, i32) {
    %c0_i32 = arith.constant 0 : i32
    %c0_i32_0 = arith.constant 0 : i32
    %c0_i32_1 = arith.constant 0 : i32
    return %c0_i32, %c0_i32_0 : i32, i32
  }
  func.func @transform_5(%arg0: i32) -> (i32, i32) {
    %c0_i32 = arith.constant 0 : i32
    %c0_i32_0 = arith.constant 0 : i32
    %c0_i32_1 = arith.constant 0 : i32
    return %c0_i32, %c0_i32_0 : i32, i32
  }
  func.func @transform_6(%arg0: i32) -> (i32, i32) {
    %c0_i32 = arith.constant 0 : i32
    %c0_i32_0 = arith.constant 0 : i32
    %c0_i32_1 = arith.constant 0 : i32
    return %c0_i32, %c0_i32_0 : i32, i32
  }
  func.func @transform_7(%arg0: i32) -> (i32, i32) {
    %c0_i32 = arith.constant 0 : i32
    %c0_i32_0 = arith.constant 0 : i32
    %c0_i32_1 = arith.constant 0 : i32
    return %c0_i32, %c0_i32_0 : i32, i32
  }
  func.func @transform_8(%arg0: i32) -> (i32, i32, i32) {
    %c0_i32 = arith.constant 0 : i32
    %c0_i32_0 = arith.constant 0 : i32
    %c0_i32_1 = arith.constant 0 : i32
    return %c0_i32, %arg0, %c0_i32_0 : i32, i32, i32
  }
}

</mosaic_0001>

<sc_bundles>
// kernel: kernel.16.cloned.1.call-start
scs
__scs_entry_jumppad:
0x0: {  	(pc) =	sbr.rel $0x88, $3  }
0x1: {  	(tag) =	ssettag $0x0;
	lr =	simm.s32 $0x1  }
0x2: {  	[smem:$0x3F95] =	sst lr;
	_ =	strace $0xD0000000  }
0x3: {  	_ = 	snop  }
0x4: {  	_ = 	snop  }
0x5: {  	_ = 	snop  }
0x6: {  	_ = 	snop  }
0x7: {  	_ = 	snop  }
__scs_overlays_trampoline_lowered:
0x8: {  	[smem:$0x3FA4] =	sst s0  }
0x9: {  	[smem:$0x3FA5] =	sst s1  }
0xa: {  	[smem:$0x3FA6] =	sst s2  }
0xb: {  	[smem:$0x3FA7] =	sst s3  }
0xc: {  	[smem:$0x3FA8] =	sst s4  }
0xd: {  	[smem:$0x3FA9] =	sst s5  }
0xe: {  	[smem:$0x3FAA] =	sst s6  }
0xf: {  	[smem:$0x3FAB] =	sst s7  }
0x10: {  	[smem:$0x3FAC] =	sst s8  }
0x11: {  	[smem:$0x3FAD] =	sst s9;
	s0 =	simm.s32 @!p0 $0x0  }
0x12: {  	s1 =	sld [smem:$0x3F93];
	s0 =	simm.s32 @p0 $0x1  }
0x13: {  	[smem:$0x3FAE] =	sst s0;
	s0 =	simm.s32 @!p1 $0x0  }
0x14: {  	s2 =	sld [smem:$0x3F92];
	s0 =	simm.s32 @p1 $0x1  }
0x15: {  	[smem:$0x3FAF] =	sst s0;
	s0 =	simm.s32 @!p2 $0x0  }
0x16: {  	s3 =	sld [smem:$0x3FDB];
	s0 =	simm.s32 @p2 $0x1  }
0x17: {  	s4 =	simm.s32 $0x1BF5;
	[smem:$0x3FB1] =	sst s0  }
0x18: {  	s0 =	sld [smem:$0x3F94];
	_ =	swait.ge [sflag:s4], $0x0  }
0x19: {  	s7 =	sld [smem:$0x3F95]  }
0x1a: {  	s8 =	sadd.s32 $0xFFFFE003, lr  }
0x1b: {  	s9 =	sadd.s32 $0xFFFFFEF7, lr;
	s5 =	simm.s32 $0xFFFFFFFF;
	p2 =	slt.u32 s8, $0xFFFFF086  }
0x1c: {  	p1 =	slt.u32 s9, $0xF7A;
	s5 =	simm.s32 @!p2 $0x0  }
0x1d: {  	s5 =	simm.s32 @p1 $0x1;
	p0 =	seq.s32 s7, s2  }
0x1e: {  	s7 =	smul.u32 @!p0 $0xF7A, s2;
	p2 =	seq.s32 @!p0 s5, $0x0  }
0x1f: {  	s9 =	smul.u32 $0xF7A, s1;
	s8 =	simm.s32 @!p0 $0x1BF5;
	p2 =	por !p2, p0  }
0x20: {  	[sflag:s8] =	ssyncset.s32 @!p0 $0xFFFFF086;
	s6 =	sadd.s32 @!p0 s3, s7;
	s7 =	simm.s32 @!p0 $0x108  }
0x21: {  	s3 =	sadd.s32 s3, s9;
	s6 =	sadd.s32 @!p0 $0x88, s6;
	s7 =	simm.s32 @p2 $0x1082  }
0x22: {  	[simem:s7], [sflag:s8] =	dma.local @!p0 [hbm:s6], $0xF7A  }
0x23: {  	s9 =	sor.u32 $0xD0000000, s2;
	s6 =	simm.s32 $0x108;
	_ =	swait.ge @!p0 [sflag:s8], $0x0  }
0x24: {  	s3 =	sadd.s32 $0x88, s3;
	s6 =	simm.s32 @!p1 $0x1082;
	[sflag:s4] =	ssyncset.s32 $0xFFFFF086  }
0x25: {  	[simem:s6], [sflag:s4] =	dma.local [hbm:s3], $0xF7A  }
0x26: {  	[smem:$0x3F95] =	sst s1;
	(tag) =	ssettag s2;
	_ =	strace s9  }
0x27: {  	s1 =	sld [smem:$0x3FA5]  }
0x28: {  	s2 =	sld [smem:$0x3FA6]  }
0x29: {  	s4 =	sld [smem:$0x3FA8]  }
0x2a: {  	p0 =	seq.s32 s5, $0x0;
	s5 =	sld [smem:$0x3FA9]  }
0x2b: {  	s6 =	sld [smem:$0x3FAA]  }
0x2c: {  	s7 =	sld [smem:$0x3FAB]  }
0x2d: {  	s3 =	simm.s32 $0x108;
	s8 =	sld [smem:$0x3FAC]  }
0x2e: {  	s3 =	simm.s32 @!p0 $0x1082;
	s9 =	sld [smem:$0x3FAD]  }
0x2f: {  	lr =	sadd.s32 s0, s3;
	s0 =	sld [smem:$0x3FA4]  }
0x30: {  	s3 =	sld [smem:$0x3FA7]  }
0x31: {  	[smem:$0x3FB0] =	sst s10  }
0x32: {  	s10 =	sld [smem:$0x3FAE];
	_ =	sdelay $0x3  }
0x33: {  	p0 =	seq.s32 s10, $0x1;
	s10 =	sld [smem:$0x3FB0];
	_ =	sdelay $0x3  }
0x34: {  	[smem:$0x3FB0] =	sst s10  }
0x35: {  	s10 =	sld [smem:$0x3FAF];
	_ =	sdelay $0x3  }
0x36: {  	p1 =	seq.s32 s10, $0x1;
	s10 =	sld [smem:$0x3FB0];
	_ =	sdelay $0x3  }
0x37: {  	[smem:$0x3FB0] =	sst s10  }
0x38: {  	s10 =	sld [smem:$0x3FB1]  }
0x39: {  	_ = 	snop;
	(pc) =	sbr.ind lr, $3  }
0x3a: {  	_ = 	snop  }
0x3b: {  	_ = 	snop  }
0x3c: {  	p2 =	seq.s32 s10, $0x1;
	s10 =	sld [smem:$0x3FB0]  }
0x3d: {  	_ =	shalt  }
0x3e: {  	_ =	shalt  }
0x3f: {  	_ =	shalt  }
0x40: {  	_ =	shalt  }
0x41: {  	_ =	shalt  }
0x42: {  	_ =	shalt  }
0x43: {  	_ =	shalt  }
0x44: {  	_ =	shalt  }
0x45: {  	_ =	shalt  }
0x46: {  	_ =	shalt  }
0x47: {  	_ =	shalt  }
0x48: {  	_ =	shalt  }
0x49: {  	_ =	shalt  }
0x4a: {  	_ =	shalt  }
0x4b: {  	_ =	shalt  }
0x4c: {  	_ =	shalt  }
0x4d: {  	_ =	shalt  }
0x4e: {  	_ =	shalt  }
0x4f: {  	_ =	shalt  }
0x50: {  	_ =	shalt  }
0x51: {  	_ =	shalt  }
0x52: {  	_ =	shalt  }
0x53: {  	_ =	shalt  }
0x54: {  	_ =	shalt  }
0x55: {  	_ =	shalt  }
0x56: {  	_ =	shalt  }
0x57: {  	_ =	shalt  }
0x58: {  	_ =	shalt  }
0x59: {  	_ =	shalt  }
0x5a: {  	_ =	shalt  }
0x5b: {  	_ =	shalt  }
0x5c: {  	_ =	shalt  }
0x5d: {  	_ =	shalt  }
0x5e: {  	_ =	shalt  }
0x5f: {  	_ =	shalt  }
0x60: {  	_ =	shalt  }
0x61: {  	_ =	shalt  }
0x62: {  	_ =	shalt  }
0x63: {  	_ =	shalt  }
0x64: {  	_ =	shalt  }
0x65: {  	_ =	shalt  }
0x66: {  	_ =	shalt  }
0x67: {  	_ =	shalt  }
0x68: {  	_ =	shalt  }
0x69: {  	_ =	shalt  }
0x6a: {  	_ =	shalt  }
0x6b: {  	_ =	shalt  }
0x6c: {  	_ =	shalt  }
0x6d: {  	_ =	shalt  }
0x6e: {  	_ =	shalt  }
0x6f: {  	_ =	shalt  }
0x70: {  	_ =	shalt  }
0x71: {  	_ =	shalt  }
0x72: {  	_ =	shalt  }
0x73: {  	_ =	shalt  }
0x74: {  	_ =	shalt  }
0x75: {  	_ =	shalt  }
0x76: {  	_ =	shalt  }
0x77: {  	_ =	shalt  }
0x78: {  	_ =	shalt  }
0x79: {  	_ =	shalt  }
0x7a: {  	_ =	shalt  }
0x7b: {  	_ =	shalt  }
0x7c: {  	_ =	shalt  }
0x7d: {  	_ =	shalt  }
0x7e: {  	_ =	shalt  }
0x7f: {  	_ =	shalt  }
0x80: {  	_ =	shalt  }
0x81: {  	_ =	shalt  }
0x82: {  	_ =	shalt  }
0x83: {  	_ =	shalt  }
0x84: {  	_ =	shalt  }
0x85: {  	_ =	shalt  }
0x86: {  	_ =	shalt  }
0x87: {  	_ =	shalt  }
.Lfunc_end0:
.L_simem_size_0:
called_computation_lowered:
.L_overlay_start_0:
0x88: {  	s2 =	sld [smem:$0x3FD9]  }
0x89: {  	s3 =	sld [smem:$0x3FFE];
	_ =	sdelay $0x1  }
0x8a: {  	s1 =	srdreg.scid  }
0x8b: {  	s0 =	sand.u32 $0x1, s1  }
0x8c: {  	s17 =	sshll.u32 s0, $0xA;
	s2 =	sadd.s32 s3, s2  }
0x8d: {  	s2 =	sadd.s32 s2, s17  }
0x8e: {  	[smem:$0x3FBC] =	sst s2  }
0x8f: {  	_ = 	snop  }
0x90: {  	s2 =	sld [smem:$0x3FD0];
	(tm) =	ssettm $0x1  }
0x91: {  	s18 =	sld [smem:$0x3FFB];
	_ =	sdelay $0x3  }
0x92: {  	_ =	strace s18  }
0x93: {  	s3 =	sld [smem:$0x3FFC];
	_ =	sdelay $0x3  }
0x94: {  	_ =	strace s3  }
0x95: {  	s3 =	sld [smem:$0x3FFD];
	_ =	sdelay $0x3  }
0x96: {  	_ =	strace s3  }
0x97: {  	_ =	strace $0x8FFFFFFF  }
0x98: {  	s19 =	sld [smem:$0x3FDB];
	_ =	sdelay $0x1  }
0x99: {  	s4 =	simm.s32 $_scs_section_size  }
0x9a: {  	s5 =	simm.s32 $_size__tile_overlayer_lowered;
	s6 =	simm.s32 $_tile_overlayer_lowered  }
0x9b: {  	s22 =	simm.s32 $0x1BFF;
	s21 =	sshll.u32 s6, $0x1;
	s3 =	sadd.s32 s4, s19  }
0x9c: {  	s7 =	simm.s32 $0x0;
	s20 =	sshll.u32 s5, $0x1;
	s5 =	sadd.s32 s21, s3  }
0x9d: {  	[timem:s7], [sflag:s22] =	dma.local [hbm:s5], s20  }
0x9e: {  	_ =	swait.ge [sflag:s22], s20  }
0x9f: {  	s4 =	ssub.s32 $0x0, s20;
	[sflag:s22] =	ssyncset.done $0x0  }
0xa0: {  	[sflag:s22] =	ssyncadd.s32 s4;
	_ =	sdelay $0x1  }
0xa1: {  	s23 =	simm.s32 $0x1B8B  }
0xa2: {  	_ =	swait.ge [sflag:s23], $0x1  }
0xa3: {  	[sflag:s23] =	ssyncset.done $0x0  }
0xa4: {  	s25 =	simm.s32 $0x1B8E;
	s24 =	sld [smem:$0x3FFE];
	[sflag:s23] =	ssyncadd.s32 $0xFFFFFFFF  }
0xa5: {  	s26 =	simm.s32 $execute0_lowered;
	[smem:$0x3FD2] =	sst s25  }
0xa6: {  	s5 =	sshll.u32 s26, $0x1;
	_ =	strace $0x80000046;
	[dreg:$0x1] =	wrdreg $0xFFFFFFFF  }
0xa7: {  	s28 =	simm.s32 $_size_execute0_lowered;
	s3 =	sadd.s32 s3, s5;
	[dreg:$0x0] =	wrdreg $0x0  }
0xa8: {  	s5 =	sshll.u32 s28, $0x1;
	[dreg:$0x2] =	wrdreg s3  }
0xa9: {  	[dreg:$0x3] =	wrdreg s5  }
0xaa: {  	[dreg:$0x4] =	wrdreg $0xC0  }
0xab: {  	_ =	task [dreg:s7], $0x5FFFF  }
0xac: {  	[dreg:$0x1] =	wrdreg $0xFFFFFFFF  }
0xad: {  	[dreg:$0x0] =	wrdreg $0x60  }
0xae: {  	[dreg:$0x2] =	wrdreg s2  }
0xaf: {  	[dreg:$0x3] =	wrdreg s24  }
0xb0: {  	[dreg:$0x4] =	wrdreg $0x9  }
0xb1: {  	_ =	task.clear_ibuf [dreg:s7], $0x5FFFF;
	_ =	strace $0x90000046  }
0xb2: {  	s29 =	simm.s32 $0x9;
	_ =	strace $0x80000048  }
0xb3: {  	_ =	swait.ge [sflag:s29], $0x1  }
0xb4: {  	[sflag:s29] =	ssyncadd.s32 $0xFFFFFFFF  }
0xb5: {  	_ =	strace $0x90000048  }
0xb6: {  	_ =	sfence  }
0xb7: {  	s30 =	sld [smem:$0x0];
	_ =	sdelay $0x2  }
0xb8: {  	s31 =	sshll.u32 s1, $0xD;
	s1 =	sshrl.u32 s1, $0x2  }
0xb9: {  	s3 =	sand.u32 $0x4000, s31;
	s1 =	sadd.s32 s1, s30  }
0xba: {  	s0 =	sor.u32 s3, s0;
	s1 =	sshll.u32 s1, $0x11  }
0xbb: {  	s0 =	sor.u32 s1, s0  }
0xbc: {  	s0 =	sadd.s32 $0x8F2B, s0  }
0xbd: {  	[sflag:s0] =	ssyncadd.remote.s32 $0x1  }
0xbe: {  	_ =	sfence.sel $0xFFFF  }
0xbf: {  	[dreg:$0x0] =	wrdreg $0xFFFFFFFF;
	(pc) =	sbr.abs _section_cstart, $3  }
0xc0: {  	[dreg:$0x1] =	wrdreg $0xFFFFFFFF  }
0xc1: {  	_ =	task.clear_ibuf [dreg:s7], $0x2FFFF;
	_ =	strace $0x9FFFFFFF  }
0xc2: {  	(tm) =	ssettm $0x7FFFFFFF  }
0xc3: {  	_ =	shalt  }
tec
execute0_lowered:
.L_overlay_start_1:
0x0: {  	(tag) =	ssettag $0x1  }
0x1: {  	s2 =	rddreg [dreg:$0x0]  }
0x2: {  	s4 =	rddreg [dreg:$0x1];
	s3 =	srdreg.scid  }
0x3: {  	s0 =	rddreg [dreg:$0x2];
	s1 =	stileid.u32  }
0x4: {  	s10 =	simm.s32 $0x1;
	s11 =	simm.s32 $0x0;
	s5 =	sand.u32 $0x1, s3  }
0x5: {  	s3 =	simm.s32 $0x0;
	s6 =	sshll.u32 s1, $0xC;
	s8 =	sshll.u32 s1, $0x10  }
0x6: {  	s7 =	sshll.u32 s5, $0xB;
	[smem:$0x7FF] =	sst s3;
	s29 =	ssub.s32 $0x2, s5  }
0x7: {  	s8 =	sadd.s32 s8, s4;
	s30 =	sshll.u32 s5, $0xF;
	s6 =	sor.u32 s7, s6  }
0x8: {  	_ =	strace $0x80000047;
	s9 =	sshrl.u32 s29, $0x1;
	s31 =	sadd.s32 s30, s8  }
0x9: {  	s8 =	simm.s32 $0x80;
	s6 =	sshrl.u32 s6, $0x3;
	s7 =	ssub.s32 s29, s9  }
0xa: {  	s9 =	simm.s32 $0x800;
	s6 =	sadd.s32 s6, s4;
	s5 =	smax.u32 s7, $0x1  }
0xb: {  	s7 =	simm.s32 $0x2;
	s4 =	sadd.s32 $0x3400, s6;
	s6 =	sadd.s32 $0x6400, s31  }
.LBB2_1:
0xc: {  	[tilespmem:s3], [sflag:$0x2] =	stream.linear.gather [hbm4b:s4+s3], $0x800, $0x38;
	[tilespmem:$0x4800] =	vst v63  }
0xd: {  	_ =	swait.ge [sflag:s7], $0x800  }
0xe: {  	[sflag:s7] =	ssyncset.done $0x0  }
0xf: {  	s12 =	simm.s32 $0x0;
	[sflag:s7] =	ssyncadd.s32 $0xFFFFF800  }
0x10: {  	[tilespmem:s9], [sflag:$0x1] =	stream.indirect.gather [hbm4b:s2+s8], $0x80, s12, s8, $0xb8;
	[tilespmem:$0x4800] =	vst v63  }
0x11: {  	_ =	swait.ge [sflag:s10], $0x4000  }
0x12: {  	[sflag:s10] =	ssyncset.done $0x0  }
0x13: {  	[sflag:s10] =	ssyncadd.s32 $0xFFFFC000  }
0x14: {  	[hbm4b:s6+s3] =	stream.linear.scatter [tilespmem:s9], [sflag:$0x2], $0x4000, $0x38;
	[tilespmem:$0x4800] =	vst v63  }
0x15: {  	s13 =	simm.s32 $0x200;
	_ =	swait.ge [sflag:s7], $0x4000  }
0x16: {  	s14 =	simm.s32 $0x400;
	s12 =	sadd.s32 $0x800, s6;
	[sflag:s7] =	ssyncset.done $0x0  }
.LBB2_2:
0x17: {  	s15 =	sshra.s32 s13, $0x2  }
0x18: {  	[sflag:s7] =	ssyncadd.s32 $0xFFFFC000;
	s13 =	smov.u32 s14;
	s16 =	sadd.s32 $0x200, s14  }
0x19: {  	[tilespmem:s9], [sflag:$0x1] =	stream.indirect.gather [hbm4b:s2+s8], $0x80, s15, s8, $0xb8;
	[tilespmem:$0x4800] =	vst v63  }
0x1a: {  	p0 =	sne.s32 s14, $0x1E00;
	_ =	swait.ge [sflag:s10], $0x4000  }
.Ltmp0:
0x1b: {  	[sflag:s10] =	ssyncset.done $0x0;
	(pc) =	sbr.rel @p0 .LBB2_2-.Ltmp0, $4  }
0x1c: {  	[sflag:s10] =	ssyncadd.s32 $0xFFFFC000  }
0x1d: {  	[hbm4b:s12+s3] =	stream.linear.scatter [tilespmem:s9], [sflag:$0x2], $0x4000, $0x38;
	[tilespmem:$0x4800] =	vst v63  }
0x1e: {  	_ =	swait.ge [sflag:s7], $0x4000  }
0x1f: {  	s14 =	smov.u32 s16;
	s12 =	sadd.s32 $0x800, s12;
	[sflag:s7] =	ssyncset.done $0x0  }
0x20: {  	s13 =	sshra.s32 s13, $0x2;
	[sflag:s7] =	ssyncadd.s32 $0xFFFFC000  }
0x21: {  	[tilespmem:s9], [sflag:$0x1] =	stream.indirect.gather [hbm4b:s2+s8], $0x80, s13, s8, $0xb8;
	[tilespmem:$0x4800] =	vst v63  }
0x22: {  	s11 =	sadd.s32 $0x1, s11;
	_ =	swait.ge [sflag:s10], $0x4000  }
0x23: {  	p0 =	sne.s32 s11, s5;
	[sflag:s10] =	ssyncset.done $0x0  }
.Ltmp1:
0x24: {  	[sflag:s10] =	ssyncadd.s32 $0xFFFFC000;
	(pc) =	sbr.rel @p0 .LBB2_1-.Ltmp1, $4  }
0x25: {  	[hbm4b:s12+s3] =	stream.linear.scatter [tilespmem:s9], [sflag:$0x2], $0x4000, $0x38;
	[tilespmem:$0x4800] =	vst v63  }
0x26: {  	_ =	swait.ge [sflag:s7], $0x4000  }
0x27: {  	[sflag:s7] =	ssyncset.done $0x0  }
0x28: {  	[sflag:s7] =	ssyncadd.s32 $0xFFFFC000  }
0x29: {  	_ =	sfence.sel $0x180000  }
0x2a: {  	[bflag:$0x0] =	sbarrier.arrive $0xFFFF  }
0x2b: {  	p0 =	sne.s32 s1, $0x0;
	_ =	strace $0x90000047  }
0x2c: {  	s0 =	sadd.s32 @!p0 $0x100000, s0;
	[bflag:$0x2] =	sbarrier.arrive $0xFFFF  }
0x2d: {  	[sflag:s0] =	ssyncadd.tile.s32 @!p0 $0x1;
	_ =	shalt  }
.Lfunc_end2:
_tile_overlayer_lowered:
.L_overlay_start_2:
0x2e: {  	(tag) =	ssettag $0x2  }
0x2f: {  	s0 =	rddreg [dreg:$0x0];
	s2 =	stileid.u32  }
0x30: {  	s1 =	rddreg [dreg:$0x1];
	p0 =	sne.s32 s2, $0x0  }
0x31: {  	s3 =	rddreg [dreg:$0x2];
	[bflag:$0x3] =	sbarrier.arrive $0xFFFF;
	s2 =	simm.s32 @!p0 $0x1C02  }
0x32: {  	[timem:s3], [sflag:s2] =	dma.local @!p0 [hbm:s0], s1  }
0x33: {  	s0 =	simm.s32 @!p0 $0x2  }
0x34: {  	_ =	swait.ge @!p0 [sflag:s0], s1  }
0x35: {  	s1 =	ssub.s32 @!p0 $0x0, s1;
	[sflag:s0] =	ssyncset.done @!p0 $0x0  }
0x36: {  	[sflag:s0] =	ssyncadd.s32 @!p0 s1  }
0x37: {  	[bflag:$0x3] =	sbarrier.arrive $0xFFFF  }
0x38: {  	_ =	shalt  }

// kernel: kernel.19.cloned.1.call-start
scs
__scs_entry_jumppad:
0x0: {  	(pc) =	sbr.rel $0x88, $3  }
0x1: {  	(tag) =	ssettag $0x0;
	lr =	simm.s32 $0x1  }
0x2: {  	[smem:$0x3F95] =	sst lr;
	_ =	strace $0xD0000000  }
0x3: {  	_ = 	snop  }
0x4: {  	_ = 	snop  }
0x5: {  	_ = 	snop  }
0x6: {  	_ = 	snop  }
0x7: {  	_ = 	snop  }
__scs_overlays_trampoline_lowered:
0x8: {  	[smem:$0x3FA4] =	sst s0  }
0x9: {  	[smem:$0x3FA5] =	sst s1  }
0xa: {  	[smem:$0x3FA6] =	sst s2  }
0xb: {  	[smem:$0x3FA7] =	sst s3  }
0xc: {  	[smem:$0x3FA8] =	sst s4  }
0xd: {  	[smem:$0x3FA9] =	sst s5  }
0xe: {  	[smem:$0x3FAA] =	sst s6  }
0xf: {  	[smem:$0x3FAB] =	sst s7  }
0x10: {  	[smem:$0x3FAC] =	sst s8  }
0x11: {  	[smem:$0x3FAD] =	sst s9;
	s0 =	simm.s32 @!p0 $0x0  }
0x12: {  	s1 =	sld [smem:$0x3F93];
	s0 =	simm.s32 @p0 $0x1  }
0x13: {  	[smem:$0x3FAE] =	sst s0;
	s0 =	simm.s32 @!p1 $0x0  }
0x14: {  	s2 =	sld [smem:$0x3F92];
	s0 =	simm.s32 @p1 $0x1  }
0x15: {  	[smem:$0x3FAF] =	sst s0;
	s0 =	simm.s32 @!p2 $0x0  }
0x16: {  	s3 =	sld [smem:$0x3FDB];
	s0 =	simm.s32 @p2 $0x1  }
0x17: {  	s4 =	simm.s32 $0x1BF5;
	[smem:$0x3FB1] =	sst s0  }
0x18: {  	s0 =	sld [smem:$0x3F94];
	_ =	swait.ge [sflag:s4], $0x0  }
0x19: {  	s7 =	sld [smem:$0x3F95]  }
0x1a: {  	s8 =	sadd.s32 $0xFFFFE003, lr  }
0x1b: {  	s9 =	sadd.s32 $0xFFFFFEF7, lr;
	s5 =	simm.s32 $0xFFFFFFFF;
	p2 =	slt.u32 s8, $0xFFFFF086  }
0x1c: {  	p1 =	slt.u32 s9, $0xF7A;
	s5 =	simm.s32 @!p2 $0x0  }
0x1d: {  	s5 =	simm.s32 @p1 $0x1;
	p0 =	seq.s32 s7, s2  }
0x1e: {  	s7 =	smul.u32 @!p0 $0xF7A, s2;
	p2 =	seq.s32 @!p0 s5, $0x0  }
0x1f: {  	s9 =	smul.u32 $0xF7A, s1;
	s8 =	simm.s32 @!p0 $0x1BF5;
	p2 =	por !p2, p0  }
0x20: {  	[sflag:s8] =	ssyncset.s32 @!p0 $0xFFFFF086;
	s6 =	sadd.s32 @!p0 s3, s7;
	s7 =	simm.s32 @!p0 $0x108  }
0x21: {  	s3 =	sadd.s32 s3, s9;
	s6 =	sadd.s32 @!p0 $0x88, s6;
	s7 =	simm.s32 @p2 $0x1082  }
0x22: {  	[simem:s7], [sflag:s8] =	dma.local @!p0 [hbm:s6], $0xF7A  }
0x23: {  	s9 =	sor.u32 $0xD0000000, s2;
	s6 =	simm.s32 $0x108;
	_ =	swait.ge @!p0 [sflag:s8], $0x0  }
0x24: {  	s3 =	sadd.s32 $0x88, s3;
	s6 =	simm.s32 @!p1 $0x1082;
	[sflag:s4] =	ssyncset.s32 $0xFFFFF086  }
0x25: {  	[simem:s6], [sflag:s4] =	dma.local [hbm:s3], $0xF7A  }
0x26: {  	[smem:$0x3F95] =	sst s1;
	(tag) =	ssettag s2;
	_ =	strace s9  }
0x27: {  	s1 =	sld [smem:$0x3FA5]  }
0x28: {  	s2 =	sld [smem:$0x3FA6]  }
0x29: {  	s4 =	sld [smem:$0x3FA8]  }
0x2a: {  	p0 =	seq.s32 s5, $0x0;
	s5 =	sld [smem:$0x3FA9]  }
0x2b: {  	s6 =	sld [smem:$0x3FAA]  }
0x2c: {  	s7 =	sld [smem:$0x3FAB]  }
0x2d: {  	s3 =	simm.s32 $0x108;
	s8 =	sld [smem:$0x3FAC]  }
0x2e: {  	s3 =	simm.s32 @!p0 $0x1082;
	s9 =	sld [smem:$0x3FAD]  }
0x2f: {  	lr =	sadd.s32 s0, s3;
	s0 =	sld [smem:$0x3FA4]  }
0x30: {  	s3 =	sld [smem:$0x3FA7]  }
0x31: {  	[smem:$0x3FB0] =	sst s10  }
0x32: {  	s10 =	sld [smem:$0x3FAE];
	_ =	sdelay $0x3  }
0x33: {  	p0 =	seq.s32 s10, $0x1;
	s10 =	sld [smem:$0x3FB0];
	_ =	sdelay $0x3  }
0x34: {  	[smem:$0x3FB0] =	sst s10  }
0x35: {  	s10 =	sld [smem:$0x3FAF];
	_ =	sdelay $0x3  }
0x36: {  	p1 =	seq.s32 s10, $0x1;
	s10 =	sld [smem:$0x3FB0];
	_ =	sdelay $0x3  }
0x37: {  	[smem:$0x3FB0] =	sst s10  }
0x38: {  	s10 =	sld [smem:$0x3FB1]  }
0x39: {  	_ = 	snop;
	(pc) =	sbr.ind lr, $3  }
0x3a: {  	_ = 	snop  }
0x3b: {  	_ = 	snop  }
0x3c: {  	p2 =	seq.s32 s10, $0x1;
	s10 =	sld [smem:$0x3FB0]  }
0x3d: {  	_ =	shalt  }
0x3e: {  	_ =	shalt  }
0x3f: {  	_ =	shalt  }
0x40: {  	_ =	shalt  }
0x41: {  	_ =	shalt  }
0x42: {  	_ =	shalt  }
0x43: {  	_ =	shalt  }
0x44: {  	_ =	shalt  }
0x45: {  	_ =	shalt  }
0x46: {  	_ =	shalt  }
0x47: {  	_ =	shalt  }
0x48: {  	_ =	shalt  }
0x49: {  	_ =	shalt  }
0x4a: {  	_ =	shalt  }
0x4b: {  	_ =	shalt  }
0x4c: {  	_ =	shalt  }
0x4d: {  	_ =	shalt  }
0x4e: {  	_ =	shalt  }
0x4f: {  	_ =	shalt  }
0x50: {  	_ =	shalt  }
0x51: {  	_ =	shalt  }
0x52: {  	_ =	shalt  }
0x53: {  	_ =	shalt  }
0x54: {  	_ =	shalt  }
0x55: {  	_ =	shalt  }
0x56: {  	_ =	shalt  }
0x57: {  	_ =	shalt  }
0x58: {  	_ =	shalt  }
0x59: {  	_ =	shalt  }
0x5a: {  	_ =	shalt  }
0x5b: {  	_ =	shalt  }
0x5c: {  	_ =	shalt  }
0x5d: {  	_ =	shalt  }
0x5e: {  	_ =	shalt  }
0x5f: {  	_ =	shalt  }
0x60: {  	_ =	shalt  }
0x61: {  	_ =	shalt  }
0x62: {  	_ =	shalt  }
0x63: {  	_ =	shalt  }
0x64: {  	_ =	shalt  }
0x65: {  	_ =	shalt  }
0x66: {  	_ =	shalt  }
0x67: {  	_ =	shalt  }
0x68: {  	_ =	shalt  }
0x69: {  	_ =	shalt  }
0x6a: {  	_ =	shalt  }
0x6b: {  	_ =	shalt  }
0x6c: {  	_ =	shalt  }
0x6d: {  	_ =	shalt  }
0x6e: {  	_ =	shalt  }
0x6f: {  	_ =	shalt  }
0x70: {  	_ =	shalt  }
0x71: {  	_ =	shalt  }
0x72: {  	_ =	shalt  }
0x73: {  	_ =	shalt  }
0x74: {  	_ =	shalt  }
0x75: {  	_ =	shalt  }
0x76: {  	_ =	shalt  }
0x77: {  	_ =	shalt  }
0x78: {  	_ =	shalt  }
0x79: {  	_ =	shalt  }
0x7a: {  	_ =	shalt  }
0x7b: {  	_ =	shalt  }
0x7c: {  	_ =	shalt  }
0x7d: {  	_ =	shalt  }
0x7e: {  	_ =	shalt  }
0x7f: {  	_ =	shalt  }
0x80: {  	_ =	shalt  }
0x81: {  	_ =	shalt  }
0x82: {  	_ =	shalt  }
0x83: {  	_ =	shalt  }
0x84: {  	_ =	shalt  }
0x85: {  	_ =	shalt  }
0x86: {  	_ =	shalt  }
0x87: {  	_ =	shalt  }
.Lfunc_end0:
.L_simem_size_0:
called_computation.1_lowered:
.L_overlay_start_0:
0x88: {  	s2 =	sld [smem:$0x3FD9]  }
0x89: {  	s3 =	sld [smem:$0x3FFE];
	_ =	sdelay $0x1  }
0x8a: {  	s1 =	srdreg.scid  }
0x8b: {  	s0 =	sand.u32 $0x1, s1  }
0x8c: {  	s17 =	sshll.u32 s0, $0xA;
	s2 =	sadd.s32 s3, s2  }
0x8d: {  	s2 =	sadd.s32 s2, s17  }
0x8e: {  	[smem:$0x3FBC] =	sst s2  }
0x8f: {  	_ = 	snop  }
0x90: {  	s18 =	sld [smem:$0x3FD0];
	(tm) =	ssettm $0x1  }
0x91: {  	s19 =	sld [smem:$0x3FFB];
	_ =	sdelay $0x3  }
0x92: {  	_ =	strace s19  }
0x93: {  	s2 =	sld [smem:$0x3FFC];
	_ =	sdelay $0x3  }
0x94: {  	_ =	strace s2  }
0x95: {  	s2 =	sld [smem:$0x3FFD];
	_ =	sdelay $0x3  }
0x96: {  	_ =	strace s2  }
0x97: {  	_ =	strace $0x8FFFFFFF  }
0x98: {  	s20 =	sld [smem:$0x3FDB];
	_ =	sdelay $0x1  }
0x99: {  	s4 =	simm.s32 $_scs_section_size  }
0x9a: {  	s5 =	simm.s32 $_size__tile_overlayer_lowered;
	s6 =	simm.s32 $_tile_overlayer_lowered  }
0x9b: {  	s7 =	simm.s32 $0x1BFF;
	s21 =	sshll.u32 s6, $0x1;
	s4 =	sadd.s32 s4, s20  }
0x9c: {  	s22 =	simm.s32 $0x0;
	s5 =	sshll.u32 s5, $0x1;
	s6 =	sadd.s32 s21, s4  }
0x9d: {  	[timem:s22], [sflag:s7] =	dma.local [hbm:s6], s5  }
0x9e: {  	_ =	swait.ge [sflag:s7], s5  }
0x9f: {  	s5 =	ssub.s32 $0x0, s5;
	[sflag:s7] =	ssyncset.done $0x0  }
0xa0: {  	[sflag:s7] =	ssyncadd.s32 s5;
	_ =	sdelay $0x1  }
0xa1: {  	s23 =	simm.s32 $0x1B8B  }
0xa2: {  	_ =	swait.ge [sflag:s23], $0x1  }
0xa3: {  	[sflag:s23] =	ssyncset.done $0x0  }
0xa4: {  	[sflag:s23] =	ssyncadd.s32 $0xFFFFFFFF  }
0xa5: {  	s5 =	sld [smem:$0x0]  }
0xa6: {  	s6 =	sand.u32 $0xFFFFFFFE, s1  }
0xa7: {  	p0 =	sne.s32 s1, s6  }
0xa8: {  	s6 =	sshll.u32 @p0 s6, $0xE  }
0xa9: {  	s6 =	sadd.s32 @p0 $0x11B8D, s6;
	s7 =	sshll.u32 @p0 s5, $0x11  }
0xaa: {  	s6 =	sor.u32 @p0 s7, s6  }
0xab: {  	[sflag:s6] =	ssyncadd.remote.s32 @p0 $0x1;
	_ =	sdelay $0x1  }
0xac: {  	s6 =	simm.s32 @p0 $0x1B8D  }
0xad: {  	_ =	swait.eq @p0 [sflag:s6], $0x1  }
0xae: {  	[sflag:s6] =	ssyncadd.s32 @p0 $0xFFFFFFFF  }
0xaf: {  	s7 =	sshll.u32 @!p0 s1, $0xE  }
0xb0: {  	s7 =	sor.u32 @!p0 $0x4000, s7;
	s6 =	simm.s32 @!p0 $0x1B8D  }
0xb1: {  	s5 =	sshll.u32 @!p0 s5, $0x11;
	s7 =	sadd.s32 @!p0 $0x11B8D, s7;
	_ =	swait.eq @!p0 [sflag:s6], $0x1  }
0xb2: {  	s5 =	sor.u32 @!p0 s5, s7;
	[sflag:s6] =	ssyncadd.s32 @!p0 $0xFFFFFFFF  }
0xb3: {  	s25 =	simm.s32 $0x1B8E;
	s24 =	sld [smem:$0x3FFE];
	[sflag:s5] =	ssyncadd.remote.s32 @!p0 $0x1  }
0xb4: {  	s26 =	simm.s32 $execute0_lowered;
	[smem:$0x3FD2] =	sst s25  }
0xb5: {  	s6 =	sshll.u32 s26, $0x1;
	_ =	strace $0x80000049;
	[dreg:$0x1] =	wrdreg $0xFFFFFFFF  }
0xb6: {  	s28 =	simm.s32 $_size_execute0_lowered;
	s4 =	sadd.s32 s4, s6;
	[dreg:$0x0] =	wrdreg $0x0  }
0xb7: {  	s6 =	sshll.u32 s28, $0x1;
	[dreg:$0x2] =	wrdreg s4  }
0xb8: {  	[dreg:$0x3] =	wrdreg s6  }
0xb9: {  	[dreg:$0x4] =	wrdreg $0xC0  }
0xba: {  	_ =	task [dreg:s22], $0x5FFFF  }
0xbb: {  	[dreg:$0x1] =	wrdreg $0xFFFFFFFF  }
0xbc: {  	[dreg:$0x0] =	wrdreg $0x60  }
0xbd: {  	[dreg:$0x2] =	wrdreg s18  }
0xbe: {  	[dreg:$0x3] =	wrdreg s24  }
0xbf: {  	[dreg:$0x4] =	wrdreg $0xA  }
0xc0: {  	_ =	task.clear_ibuf [dreg:s22], $0x5FFFF;
	_ =	strace $0x90000049  }
0xc1: {  	s29 =	simm.s32 $0xA;
	_ =	strace $0x8000004B  }
0xc2: {  	_ =	swait.ge [sflag:s29], $0x1  }
0xc3: {  	[sflag:s29] =	ssyncadd.s32 $0xFFFFFFFF  }
0xc4: {  	_ =	strace $0x9000004B  }
0xc5: {  	_ =	sfence  }
0xc6: {  	s30 =	sld [smem:$0x0];
	_ =	sdelay $0x2  }
0xc7: {  	s31 =	sshll.u32 s1, $0xD;
	s1 =	sshrl.u32 s1, $0x2  }
0xc8: {  	s4 =	sand.u32 $0x4000, s31;
	s1 =	sadd.s32 s1, s30  }
0xc9: {  	s0 =	sor.u32 s4, s0;
	s1 =	sshll.u32 s1, $0x11  }
0xca: {  	s0 =	sor.u32 s1, s0  }
0xcb: {  	s0 =	sadd.s32 $0x8F2B, s0  }
0xcc: {  	[sflag:s0] =	ssyncadd.remote.s32 $0x1  }
0xcd: {  	_ =	sfence.sel $0xFFFF  }
0xce: {  	[dreg:$0x0] =	wrdreg $0xFFFFFFFF;
	(pc) =	sbr.abs _section_cstart, $3  }
0xcf: {  	[dreg:$0x1] =	wrdreg $0xFFFFFFFF  }
0xd0: {  	_ =	task.clear_ibuf [dreg:s22], $0x2FFFF;
	_ =	strace $0x9FFFFFFF  }
0xd1: {  	(tm) =	ssettm $0x7FFFFFFF  }
tec
execute0_lowered:
.L_overlay_start_1:
0x0: {  	(tag) =	ssettag $0x1  }
0x1: {  	s2 =	rddreg [dreg:$0x0]  }
0x2: {  	s4 =	rddreg [dreg:$0x1];
	s3 =	srdreg.scid  }
0x3: {  	s0 =	rddreg [dreg:$0x2];
	s1 =	stileid.u32  }
0x4: {  	s10 =	simm.s32 $0x1;
	s11 =	simm.s32 $0x0;
	s5 =	sand.u32 $0x1, s3  }
0x5: {  	s3 =	simm.s32 $0x0;
	s6 =	sshll.u32 s1, $0xC;
	s8 =	sshll.u32 s1, $0x10  }
0x6: {  	s7 =	sshll.u32 s5, $0xB;
	[smem:$0x7FF] =	sst s3;
	s29 =	ssub.s32 $0x2, s5  }
0x7: {  	s8 =	sadd.s32 s8, s4;
	s30 =	sshll.u32 s5, $0xF;
	s6 =	sor.u32 s7, s6  }
0x8: {  	_ =	strace $0x8000004A;
	s9 =	sshrl.u32 s29, $0x1;
	s31 =	sadd.s32 s30, s8  }
0x9: {  	s8 =	simm.s32 $0x80;
	s6 =	sshrl.u32 s6, $0x3;
	s7 =	ssub.s32 s29, s9  }
0xa: {  	s9 =	simm.s32 $0x800;
	s6 =	sadd.s32 s6, s4;
	s5 =	smax.u32 s7, $0x1  }
0xb: {  	s7 =	simm.s32 $0x2;
	s4 =	sadd.s32 $0x106400, s6;
	s6 =	sadd.s32 $0x108400, s31  }
.LBB2_1:
0xc: {  	[tilespmem:s3], [sflag:$0x2] =	stream.linear.gather [hbm4b:s4+s3], $0x800, $0x38;
	[tilespmem:$0x4800] =	vst v63  }
0xd: {  	_ =	swait.ge [sflag:s7], $0x800  }
0xe: {  	[sflag:s7] =	ssyncset.done $0x0  }
0xf: {  	s12 =	simm.s32 $0x0;
	[sflag:s7] =	ssyncadd.s32 $0xFFFFF800  }
0x10: {  	[tilespmem:s9], [sflag:$0x1] =	stream.indirect.gather [hbm4b:s2+s8], $0x80, s12, s8, $0xb8;
	[tilespmem:$0x4800] =	vst v63  }
0x11: {  	_ =	swait.ge [sflag:s10], $0x4000  }
0x12: {  	[sflag:s10] =	ssyncset.done $0x0  }
0x13: {  	[sflag:s10] =	ssyncadd.s32 $0xFFFFC000  }
0x14: {  	[hbm4b:s6+s3] =	stream.linear.scatter [tilespmem:s9], [sflag:$0x2], $0x4000, $0x38;
	[tilespmem:$0x4800] =	vst v63  }
0x15: {  	s13 =	simm.s32 $0x200;
	_ =	swait.ge [sflag:s7], $0x4000  }
0x16: {  	s14 =	simm.s32 $0x400;
	s12 =	sadd.s32 $0x800, s6;
	[sflag:s7] =	ssyncset.done $0x0  }
.LBB2_2:
0x17: {  	s15 =	sshra.s32 s13, $0x2  }
0x18: {  	[sflag:s7] =	ssyncadd.s32 $0xFFFFC000;
	s13 =	smov.u32 s14;
	s16 =	sadd.s32 $0x200, s14  }
0x19: {  	[tilespmem:s9], [sflag:$0x1] =	stream.indirect.gather [hbm4b:s2+s8], $0x80, s15, s8, $0xb8;
	[tilespmem:$0x4800] =	vst v63  }
0x1a: {  	p0 =	sne.s32 s14, $0x1E00;
	_ =	swait.ge [sflag:s10], $0x4000  }
.Ltmp0:
0x1b: {  	[sflag:s10] =	ssyncset.done $0x0;
	(pc) =	sbr.rel @p0 .LBB2_2-.Ltmp0, $4  }
0x1c: {  	[sflag:s10] =	ssyncadd.s32 $0xFFFFC000  }
0x1d: {  	[hbm4b:s12+s3] =	stream.linear.scatter [tilespmem:s9], [sflag:$0x2], $0x4000, $0x38;
	[tilespmem:$0x4800] =	vst v63  }
0x1e: {  	_ =	swait.ge [sflag:s7], $0x4000  }
0x1f: {  	s14 =	smov.u32 s16;
	s12 =	sadd.s32 $0x800, s12;
	[sflag:s7] =	ssyncset.done $0x0  }
0x20: {  	s13 =	sshra.s32 s13, $0x2;
	[sflag:s7] =	ssyncadd.s32 $0xFFFFC000  }
0x21: {  	[tilespmem:s9], [sflag:$0x1] =	stream.indirect.gather [hbm4b:s2+s8], $0x80, s13, s8, $0xb8;
	[tilespmem:$0x4800] =	vst v63  }
0x22: {  	s11 =	sadd.s32 $0x1, s11;
	_ =	swait.ge [sflag:s10], $0x4000  }
0x23: {  	p0 =	sne.s32 s11, s5;
	[sflag:s10] =	ssyncset.done $0x0  }
.Ltmp1:
0x24: {  	[sflag:s10] =	ssyncadd.s32 $0xFFFFC000;
	(pc) =	sbr.rel @p0 .LBB2_1-.Ltmp1, $4  }
0x25: {  	[hbm4b:s12+s3] =	stream.linear.scatter [tilespmem:s9], [sflag:$0x2], $0x4000, $0x38;
	[tilespmem:$0x4800] =	vst v63  }
0x26: {  	_ =	swait.ge [sflag:s7], $0x4000  }
0x27: {  	[sflag:s7] =	ssyncset.done $0x0  }
0x28: {  	[sflag:s7] =	ssyncadd.s32 $0xFFFFC000  }
0x29: {  	_ =	sfence.sel $0x180000  }
0x2a: {  	[bflag:$0x0] =	sbarrier.arrive $0xFFFF  }
0x2b: {  	p0 =	sne.s32 s1, $0x0;
	_ =	strace $0x9000004A  }
0x2c: {  	s0 =	sadd.s32 @!p0 $0x100000, s0;
	[bflag:$0x2] =	sbarrier.arrive $0xFFFF  }
0x2d: {  	[sflag:s0] =	ssyncadd.tile.s32 @!p0 $0x1;
	_ =	shalt  }
.Lfunc_end2:
_tile_overlayer_lowered:
.L_overlay_start_2:
0x2e: {  	(tag) =	ssettag $0x2  }
0x2f: {  	s0 =	rddreg [dreg:$0x0];
	s2 =	stileid.u32  }
0x30: {  	s1 =	rddreg [dreg:$0x1];
	p0 =	sne.s32 s2, $0x0  }
0x31: {  	s3 =	rddreg [dreg:$0x2];
	[bflag:$0x3] =	sbarrier.arrive $0xFFFF;
	s2 =	simm.s32 @!p0 $0x1C02  }
0x32: {  	[timem:s3], [sflag:s2] =	dma.local @!p0 [hbm:s0], s1  }
0x33: {  	s0 =	simm.s32 @!p0 $0x2  }
0x34: {  	_ =	swait.ge @!p0 [sflag:s0], s1  }
0x35: {  	s1 =	ssub.s32 @!p0 $0x0, s1;
	[sflag:s0] =	ssyncset.done @!p0 $0x0  }
0x36: {  	[sflag:s0] =	ssyncadd.s32 @!p0 s1  }
0x37: {  	[bflag:$0x3] =	sbarrier.arrive $0xFFFF  }
0x38: {  	_ =	shalt  }

// kernel: kernel.22.cloned.1.call-start
scs
__scs_entry_jumppad:
0x0: {  	(pc) =	sbr.rel $0x88, $3  }
0x1: {  	(tag) =	ssettag $0x0;
	lr =	simm.s32 $0x1  }
0x2: {  	[smem:$0x3F95] =	sst lr;
	_ =	strace $0xD0000000  }
0x3: {  	_ = 	snop  }
0x4: {  	_ = 	snop  }
0x5: {  	_ = 	snop  }
0x6: {  	_ = 	snop  }
0x7: {  	_ = 	snop  }
__scs_overlays_trampoline_lowered:
0x8: {  	[smem:$0x3FA4] =	sst s0  }
0x9: {  	[smem:$0x3FA5] =	sst s1  }
0xa: {  	[smem:$0x3FA6] =	sst s2  }
0xb: {  	[smem:$0x3FA7] =	sst s3  }
0xc: {  	[smem:$0x3FA8] =	sst s4  }
0xd: {  	[smem:$0x3FA9] =	sst s5  }
0xe: {  	[smem:$0x3FAA] =	sst s6  }
0xf: {  	[smem:$0x3FAB] =	sst s7  }
0x10: {  	[smem:$0x3FAC] =	sst s8  }
0x11: {  	[smem:$0x3FAD] =	sst s9;
	s0 =	simm.s32 @!p0 $0x0  }
0x12: {  	s1 =	sld [smem:$0x3F93];
	s0 =	simm.s32 @p0 $0x1  }
0x13: {  	[smem:$0x3FAE] =	sst s0;
	s0 =	simm.s32 @!p1 $0x0  }
0x14: {  	s2 =	sld [smem:$0x3F92];
	s0 =	simm.s32 @p1 $0x1  }
0x15: {  	[smem:$0x3FAF] =	sst s0;
	s0 =	simm.s32 @!p2 $0x0  }
0x16: {  	s3 =	sld [smem:$0x3FDB];
	s0 =	simm.s32 @p2 $0x1  }
0x17: {  	s4 =	simm.s32 $0x1BF5;
	[smem:$0x3FB1] =	sst s0  }
0x18: {  	s0 =	sld [smem:$0x3F94];
	_ =	swait.ge [sflag:s4], $0x0  }
0x19: {  	s7 =	sld [smem:$0x3F95]  }
0x1a: {  	s8 =	sadd.s32 $0xFFFFE003, lr  }
0x1b: {  	s9 =	sadd.s32 $0xFFFFFEF7, lr;
	s5 =	simm.s32 $0xFFFFFFFF;
	p2 =	slt.u32 s8, $0xFFFFF086  }
0x1c: {  	p1 =	slt.u32 s9, $0xF7A;
	s5 =	simm.s32 @!p2 $0x0  }
0x1d: {  	s5 =	simm.s32 @p1 $0x1;
	p0 =	seq.s32 s7, s2  }
0x1e: {  	s7 =	smul.u32 @!p0 $0xF7A, s2;
	p2 =	seq.s32 @!p0 s5, $0x0  }
0x1f: {  	s9 =	smul.u32 $0xF7A, s1;
	s8 =	simm.s32 @!p0 $0x1BF5;
	p2 =	por !p2, p0  }
0x20: {  	[sflag:s8] =	ssyncset.s32 @!p0 $0xFFFFF086;
	s6 =	sadd.s32 @!p0 s3, s7;
	s7 =	simm.s32 @!p0 $0x108  }
0x21: {  	s3 =	sadd.s32 s3, s9;
	s6 =	sadd.s32 @!p0 $0x88, s6;
	s7 =	simm.s32 @p2 $0x1082  }
0x22: {  	[simem:s7], [sflag:s8] =	dma.local @!p0 [hbm:s6], $0xF7A  }
0x23: {  	s9 =	sor.u32 $0xD0000000, s2;
	s6 =	simm.s32 $0x108;
	_ =	swait.ge @!p0 [sflag:s8], $0x0  }
0x24: {  	s3 =	sadd.s32 $0x88, s3;
	s6 =	simm.s32 @!p1 $0x1082;
	[sflag:s4] =	ssyncset.s32 $0xFFFFF086  }
0x25: {  	[simem:s6], [sflag:s4] =	dma.local [hbm:s3], $0xF7A  }
0x26: {  	[smem:$0x3F95] =	sst s1;
	(tag) =	ssettag s2;
	_ =	strace s9  }
0x27: {  	s1 =	sld [smem:$0x3FA5]  }
0x28: {  	s2 =	sld [smem:$0x3FA6]  }
0x29: {  	s4 =	sld [smem:$0x3FA8]  }
0x2a: {  	p0 =	seq.s32 s5, $0x0;
	s5 =	sld [smem:$0x3FA9]  }
0x2b: {  	s6 =	sld [smem:$0x3FAA]  }
0x2c: {  	s7 =	sld [smem:$0x3FAB]  }
0x2d: {  	s3 =	simm.s32 $0x108;
	s8 =	sld [smem:$0x3FAC]  }
0x2e: {  	s3 =	simm.s32 @!p0 $0x1082;
	s9 =	sld [smem:$0x3FAD]  }
0x2f: {  	lr =	sadd.s32 s0, s3;
	s0 =	sld [smem:$0x3FA4]  }
0x30: {  	s3 =	sld [smem:$0x3FA7]  }
0x31: {  	[smem:$0x3FB0] =	sst s10  }
0x32: {  	s10 =	sld [smem:$0x3FAE];
	_ =	sdelay $0x3  }
0x33: {  	p0 =	seq.s32 s10, $0x1;
	s10 =	sld [smem:$0x3FB0];
	_ =	sdelay $0x3  }
0x34: {  	[smem:$0x3FB0] =	sst s10  }
0x35: {  	s10 =	sld [smem:$0x3FAF];
	_ =	sdelay $0x3  }
0x36: {  	p1 =	seq.s32 s10, $0x1;
	s10 =	sld [smem:$0x3FB0];
	_ =	sdelay $0x3  }
0x37: {  	[smem:$0x3FB0] =	sst s10  }
0x38: {  	s10 =	sld [smem:$0x3FB1]  }
0x39: {  	_ = 	snop;
	(pc) =	sbr.ind lr, $3  }
0x3a: {  	_ = 	snop  }
0x3b: {  	_ = 	snop  }
0x3c: {  	p2 =	seq.s32 s10, $0x1;
	s10 =	sld [smem:$0x3FB0]  }
0x3d: {  	_ =	shalt  }
0x3e: {  	_ =	shalt  }
0x3f: {  	_ =	shalt  }
0x40: {  	_ =	shalt  }
0x41: {  	_ =	shalt  }
0x42: {  	_ =	shalt  }
0x43: {  	_ =	shalt  }
0x44: {  	_ =	shalt  }
0x45: {  	_ =	shalt  }
0x46: {  	_ =	shalt  }
0x47: {  	_ =	shalt  }
0x48: {  	_ =	shalt  }
0x49: {  	_ =	shalt  }
0x4a: {  	_ =	shalt  }
0x4b: {  	_ =	shalt  }
0x4c: {  	_ =	shalt  }
0x4d: {  	_ =	shalt  }
0x4e: {  	_ =	shalt  }
0x4f: {  	_ =	shalt  }
0x50: {  	_ =	shalt  }
0x51: {  	_ =	shalt  }
0x52: {  	_ =	shalt  }
0x53: {  	_ =	shalt  }
0x54: {  	_ =	shalt  }
0x55: {  	_ =	shalt  }
0x56: {  	_ =	shalt  }
0x57: {  	_ =	shalt  }
0x58: {  	_ =	shalt  }
0x59: {  	_ =	shalt  }
0x5a: {  	_ =	shalt  }
0x5b: {  	_ =	shalt  }
0x5c: {  	_ =	shalt  }
0x5d: {  	_ =	shalt  }
0x5e: {  	_ =	shalt  }
0x5f: {  	_ =	shalt  }
0x60: {  	_ =	shalt  }
0x61: {  	_ =	shalt  }
0x62: {  	_ =	shalt  }
0x63: {  	_ =	shalt  }
0x64: {  	_ =	shalt  }
0x65: {  	_ =	shalt  }
0x66: {  	_ =	shalt  }
0x67: {  	_ =	shalt  }
0x68: {  	_ =	shalt  }
0x69: {  	_ =	shalt  }
0x6a: {  	_ =	shalt  }
0x6b: {  	_ =	shalt  }
0x6c: {  	_ =	shalt  }
0x6d: {  	_ =	shalt  }
0x6e: {  	_ =	shalt  }
0x6f: {  	_ =	shalt  }
0x70: {  	_ =	shalt  }
0x71: {  	_ =	shalt  }
0x72: {  	_ =	shalt  }
0x73: {  	_ =	shalt  }
0x74: {  	_ =	shalt  }
0x75: {  	_ =	shalt  }
0x76: {  	_ =	shalt  }
0x77: {  	_ =	shalt  }
0x78: {  	_ =	shalt  }
0x79: {  	_ =	shalt  }
0x7a: {  	_ =	shalt  }
0x7b: {  	_ =	shalt  }
0x7c: {  	_ =	shalt  }
0x7d: {  	_ =	shalt  }
0x7e: {  	_ =	shalt  }
0x7f: {  	_ =	shalt  }
0x80: {  	_ =	shalt  }
0x81: {  	_ =	shalt  }
0x82: {  	_ =	shalt  }
0x83: {  	_ =	shalt  }
0x84: {  	_ =	shalt  }
0x85: {  	_ =	shalt  }
0x86: {  	_ =	shalt  }
0x87: {  	_ =	shalt  }
.Lfunc_end0:
.L_simem_size_0:
called_computation.2_lowered:
.L_overlay_start_0:
0x88: {  	s2 =	sld [smem:$0x3FD9]  }
0x89: {  	s3 =	sld [smem:$0x3FFE];
	_ =	sdelay $0x1  }
0x8a: {  	s1 =	srdreg.scid  }
0x8b: {  	s0 =	sand.u32 $0x1, s1  }
0x8c: {  	s17 =	sshll.u32 s0, $0xA;
	s2 =	sadd.s32 s3, s2  }
0x8d: {  	s2 =	sadd.s32 s2, s17  }
0x8e: {  	[smem:$0x3FBC] =	sst s2  }
0x8f: {  	_ = 	snop  }
0x90: {  	s18 =	sld [smem:$0x3FD0];
	(tm) =	ssettm $0x1  }
0x91: {  	s19 =	sld [smem:$0x3FFB];
	_ =	sdelay $0x3  }
0x92: {  	_ =	strace s19  }
0x93: {  	s2 =	sld [smem:$0x3FFC];
	_ =	sdelay $0x3  }
0x94: {  	_ =	strace s2  }
0x95: {  	s2 =	sld [smem:$0x3FFD];
	_ =	sdelay $0x3  }
0x96: {  	_ =	strace s2  }
0x97: {  	_ =	strace $0x8FFFFFFF  }
0x98: {  	s20 =	sld [smem:$0x3FDB];
	_ =	sdelay $0x1  }
0x99: {  	s4 =	simm.s32 $_scs_section_size  }
0x9a: {  	s5 =	simm.s32 $_size__tile_overlayer_lowered;
	s6 =	simm.s32 $_tile_overlayer_lowered  }
0x9b: {  	s7 =	simm.s32 $0x1BFF;
	s21 =	sshll.u32 s6, $0x1;
	s4 =	sadd.s32 s4, s20  }
0x9c: {  	s22 =	simm.s32 $0x0;
	s5 =	sshll.u32 s5, $0x1;
	s6 =	sadd.s32 s21, s4  }
0x9d: {  	[timem:s22], [sflag:s7] =	dma.local [hbm:s6], s5  }
0x9e: {  	_ =	swait.ge [sflag:s7], s5  }
0x9f: {  	s5 =	ssub.s32 $0x0, s5;
	[sflag:s7] =	ssyncset.done $0x0  }
0xa0: {  	[sflag:s7] =	ssyncadd.s32 s5;
	_ =	sdelay $0x1  }
0xa1: {  	s23 =	simm.s32 $0x1B8B  }
0xa2: {  	_ =	swait.ge [sflag:s23], $0x1  }
0xa3: {  	[sflag:s23] =	ssyncset.done $0x0  }
0xa4: {  	[sflag:s23] =	ssyncadd.s32 $0xFFFFFFFF  }
0xa5: {  	s5 =	sld [smem:$0x0]  }
0xa6: {  	s6 =	sand.u32 $0xFFFFFFFE, s1  }
0xa7: {  	p0 =	sne.s32 s1, s6  }
0xa8: {  	s6 =	sshll.u32 @p0 s6, $0xE  }
0xa9: {  	s6 =	sadd.s32 @p0 $0x11B8D, s6;
	s7 =	sshll.u32 @p0 s5, $0x11  }
0xaa: {  	s6 =	sor.u32 @p0 s7, s6  }
0xab: {  	[sflag:s6] =	ssyncadd.remote.s32 @p0 $0x1;
	_ =	sdelay $0x1  }
0xac: {  	s6 =	simm.s32 @p0 $0x1B8D  }
0xad: {  	_ =	swait.eq @p0 [sflag:s6], $0x1  }
0xae: {  	[sflag:s6] =	ssyncadd.s32 @p0 $0xFFFFFFFF  }
0xaf: {  	s7 =	sshll.u32 @!p0 s1, $0xE  }
0xb0: {  	s7 =	sor.u32 @!p0 $0x4000, s7;
	s6 =	simm.s32 @!p0 $0x1B8D  }
0xb1: {  	s5 =	sshll.u32 @!p0 s5, $0x11;
	s7 =	sadd.s32 @!p0 $0x11B8D, s7;
	_ =	swait.eq @!p0 [sflag:s6], $0x1  }
0xb2: {  	s5 =	sor.u32 @!p0 s5, s7;
	[sflag:s6] =	ssyncadd.s32 @!p0 $0xFFFFFFFF  }
0xb3: {  	s25 =	simm.s32 $0x1B8E;
	s24 =	sld [smem:$0x3FFE];
	[sflag:s5] =	ssyncadd.remote.s32 @!p0 $0x1  }
0xb4: {  	s26 =	simm.s32 $execute0_lowered;
	[smem:$0x3FD2] =	sst s25  }
0xb5: {  	s6 =	sshll.u32 s26, $0x1;
	_ =	strace $0x8000004C;
	[dreg:$0x1] =	wrdreg $0xFFFFFFFF  }
0xb6: {  	s28 =	simm.s32 $_size_execute0_lowered;
	s4 =	sadd.s32 s4, s6;
	[dreg:$0x0] =	wrdreg $0x0  }
0xb7: {  	s6 =	sshll.u32 s28, $0x1;
	[dreg:$0x2] =	wrdreg s4  }
0xb8: {  	[dreg:$0x3] =	wrdreg s6  }
0xb9: {  	[dreg:$0x4] =	wrdreg $0xC0  }
0xba: {  	_ =	task [dreg:s22], $0x5FFFF  }
0xbb: {  	[dreg:$0x1] =	wrdreg $0xFFFFFFFF  }
0xbc: {  	[dreg:$0x0] =	wrdreg $0x60  }
0xbd: {  	[dreg:$0x2] =	wrdreg s18  }
0xbe: {  	[dreg:$0x3] =	wrdreg s24  }
0xbf: {  	[dreg:$0x4] =	wrdreg $0xB  }
0xc0: {  	_ =	task.clear_ibuf [dreg:s22], $0x5FFFF;
	_ =	strace $0x9000004C  }
0xc1: {  	s29 =	simm.s32 $0xB;
	_ =	strace $0x8000004E  }
0xc2: {  	_ =	swait.ge [sflag:s29], $0x1  }
0xc3: {  	[sflag:s29] =	ssyncadd.s32 $0xFFFFFFFF  }
0xc4: {  	_ =	strace $0x9000004E  }
0xc5: {  	_ =	sfence  }
0xc6: {  	s30 =	sld [smem:$0x0];
	_ =	sdelay $0x2  }
0xc7: {  	s31 =	sshll.u32 s1, $0xD;
	s1 =	sshrl.u32 s1, $0x2  }
0xc8: {  	s4 =	sand.u32 $0x4000, s31;
	s1 =	sadd.s32 s1, s30  }
0xc9: {  	s0 =	sor.u32 s4, s0;
	s1 =	sshll.u32 s1, $0x11  }
0xca: {  	s0 =	sor.u32 s1, s0  }
0xcb: {  	s0 =	sadd.s32 $0x8F2B, s0  }
0xcc: {  	[sflag:s0] =	ssyncadd.remote.s32 $0x1  }
0xcd: {  	_ =	sfence.sel $0xFFFF  }
0xce: {  	[dreg:$0x0] =	wrdreg $0xFFFFFFFF;
	(pc) =	sbr.abs _section_cstart, $3  }
0xcf: {  	[dreg:$0x1] =	wrdreg $0xFFFFFFFF  }
0xd0: {  	_ =	task.clear_ibuf [dreg:s22], $0x2FFFF;
	_ =	strace $0x9FFFFFFF  }
0xd1: {  	(tm) =	ssettm $0x7FFFFFFF  }
tec
execute0_lowered:
.L_overlay_start_1:
0x0: {  	(tag) =	ssettag $0x1  }
0x1: {  	s2 =	rddreg [dreg:$0x0]  }
0x2: {  	s4 =	rddreg [dreg:$0x1];
	s3 =	srdreg.scid  }
0x3: {  	s0 =	rddreg [dreg:$0x2];
	s1 =	stileid.u32  }
0x4: {  	s10 =	simm.s32 $0x1;
	s11 =	simm.s32 $0x0;
	s5 =	sand.u32 $0x1, s3  }
0x5: {  	s3 =	simm.s32 $0x0;
	s6 =	sshll.u32 s1, $0xC;
	s8 =	sshll.u32 s1, $0x10  }
0x6: {  	s7 =	sshll.u32 s5, $0xB;
	[smem:$0x7FF] =	sst s3;
	s29 =	ssub.s32 $0x2, s5  }
0x7: {  	s8 =	sadd.s32 s8, s4;
	s30 =	sshll.u32 s5, $0xF;
	s6 =	sor.u32 s7, s6  }
0x8: {  	_ =	strace $0x8000004D;
	s9 =	sshrl.u32 s29, $0x1;
	s31 =	sadd.s32 s30, s8  }
0x9: {  	s8 =	simm.s32 $0x80;
	s6 =	sshrl.u32 s6, $0x3;
	s7 =	ssub.s32 s29, s9  }
0xa: {  	s9 =	simm.s32 $0x800;
	s6 =	sadd.s32 s6, s4;
	s5 =	smax.u32 s7, $0x1  }
0xb: {  	s7 =	simm.s32 $0x2;
	s4 =	sadd.s32 $0x208400, s6;
	s6 =	sadd.s32 $0x20A400, s31  }
.LBB2_1:
0xc: {  	[tilespmem:s3], [sflag:$0x2] =	stream.linear.gather [hbm4b:s4+s3], $0x800, $0x38;
	[tilespmem:$0x4800] =	vst v63  }
0xd: {  	_ =	swait.ge [sflag:s7], $0x800  }
0xe: {  	[sflag:s7] =	ssyncset.done $0x0  }
0xf: {  	s12 =	simm.s32 $0x0;
	[sflag:s7] =	ssyncadd.s32 $0xFFFFF800  }
0x10: {  	[tilespmem:s9], [sflag:$0x1] =	stream.indirect.gather [hbm4b:s2+s8], $0x80, s12, s8, $0xb8;
	[tilespmem:$0x4800] =	vst v63  }
0x11: {  	_ =	swait.ge [sflag:s10], $0x4000  }
0x12: {  	[sflag:s10] =	ssyncset.done $0x0  }
0x13: {  	[sflag:s10] =	ssyncadd.s32 $0xFFFFC000  }
0x14: {  	[hbm4b:s6+s3] =	stream.linear.scatter [tilespmem:s9], [sflag:$0x2], $0x4000, $0x38;
	[tilespmem:$0x4800] =	vst v63  }
0x15: {  	s13 =	simm.s32 $0x200;
	_ =	swait.ge [sflag:s7], $0x4000  }
0x16: {  	s14 =	simm.s32 $0x400;
	s12 =	sadd.s32 $0x800, s6;
	[sflag:s7] =	ssyncset.done $0x0  }
.LBB2_2:
0x17: {  	s15 =	sshra.s32 s13, $0x2  }
0x18: {  	[sflag:s7] =	ssyncadd.s32 $0xFFFFC000;
	s13 =	smov.u32 s14;
	s16 =	sadd.s32 $0x200, s14  }
0x19: {  	[tilespmem:s9], [sflag:$0x1] =	stream.indirect.gather [hbm4b:s2+s8], $0x80, s15, s8, $0xb8;
	[tilespmem:$0x4800] =	vst v63  }
0x1a: {  	p0 =	sne.s32 s14, $0x1E00;
	_ =	swait.ge [sflag:s10], $0x4000  }
.Ltmp0:
0x1b: {  	[sflag:s10] =	ssyncset.done $0x0;
	(pc) =	sbr.rel @p0 .LBB2_2-.Ltmp0, $4  }
0x1c: {  	[sflag:s10] =	ssyncadd.s32 $0xFFFFC000  }
0x1d: {  	[hbm4b:s12+s3] =	stream.linear.scatter [tilespmem:s9], [sflag:$0x2], $0x4000, $0x38;
	[tilespmem:$0x4800] =	vst v63  }
0x1e: {  	_ =	swait.ge [sflag:s7], $0x4000  }
0x1f: {  	s14 =	smov.u32 s16;
	s12 =	sadd.s32 $0x800, s12;
	[sflag:s7] =	ssyncset.done $0x0  }
0x20: {  	s13 =	sshra.s32 s13, $0x2;
	[sflag:s7] =	ssyncadd.s32 $0xFFFFC000  }
0x21: {  	[tilespmem:s9], [sflag:$0x1] =	stream.indirect.gather [hbm4b:s2+s8], $0x80, s13, s8, $0xb8;
	[tilespmem:$0x4800] =	vst v63  }
0x22: {  	s11 =	sadd.s32 $0x1, s11;
	_ =	swait.ge [sflag:s10], $0x4000  }
0x23: {  	p0 =	sne.s32 s11, s5;
	[sflag:s10] =	ssyncset.done $0x0  }
.Ltmp1:
0x24: {  	[sflag:s10] =	ssyncadd.s32 $0xFFFFC000;
	(pc) =	sbr.rel @p0 .LBB2_1-.Ltmp1, $4  }
0x25: {  	[hbm4b:s12+s3] =	stream.linear.scatter [tilespmem:s9], [sflag:$0x2], $0x4000, $0x38;
	[tilespmem:$0x4800] =	vst v63  }
0x26: {  	_ =	swait.ge [sflag:s7], $0x4000  }
0x27: {  	[sflag:s7] =	ssyncset.done $0x0  }
0x28: {  	[sflag:s7] =	ssyncadd.s32 $0xFFFFC000  }
0x29: {  	_ =	sfence.sel $0x180000  }
0x2a: {  	[bflag:$0x0] =	sbarrier.arrive $0xFFFF  }
0x2b: {  	p0 =	sne.s32 s1, $0x0;
	_ =	strace $0x9000004D  }
0x2c: {  	s0 =	sadd.s32 @!p0 $0x100000, s0;
	[bflag:$0x2] =	sbarrier.arrive $0xFFFF  }
0x2d: {  	[sflag:s0] =	ssyncadd.tile.s32 @!p0 $0x1;
	_ =	shalt  }
.Lfunc_end2:
_tile_overlayer_lowered:
.L_overlay_start_2:
0x2e: {  	(tag) =	ssettag $0x2  }
0x2f: {  	s0 =	rddreg [dreg:$0x0];
	s2 =	stileid.u32  }
0x30: {  	s1 =	rddreg [dreg:$0x1];
	p0 =	sne.s32 s2, $0x0  }
0x31: {  	s3 =	rddreg [dreg:$0x2];
	[bflag:$0x3] =	sbarrier.arrive $0xFFFF;
	s2 =	simm.s32 @!p0 $0x1C02  }
0x32: {  	[timem:s3], [sflag:s2] =	dma.local @!p0 [hbm:s0], s1  }
0x33: {  	s0 =	simm.s32 @!p0 $0x2  }
0x34: {  	_ =	swait.ge @!p0 [sflag:s0], s1  }
0x35: {  	s1 =	ssub.s32 @!p0 $0x0, s1;
	[sflag:s0] =	ssyncset.done @!p0 $0x0  }
0x36: {  	[sflag:s0] =	ssyncadd.s32 @!p0 s1  }
0x37: {  	[bflag:$0x3] =	sbarrier.arrive $0xFFFF  }
0x38: {  	_ =	shalt  }

// kernel: kernel.25.cloned.1.call-start
scs
__scs_entry_jumppad:
0x0: {  	(pc) =	sbr.rel $0x88, $3  }
0x1: {  	(tag) =	ssettag $0x0;
	lr =	simm.s32 $0x1  }
0x2: {  	[smem:$0x3F95] =	sst lr;
	_ =	strace $0xD0000000  }
0x3: {  	_ = 	snop  }
0x4: {  	_ = 	snop  }
0x5: {  	_ = 	snop  }
0x6: {  	_ = 	snop  }
0x7: {  	_ = 	snop  }
__scs_overlays_trampoline_lowered:
0x8: {  	[smem:$0x3FA4] =	sst s0  }
0x9: {  	[smem:$0x3FA5] =	sst s1  }
0xa: {  	[smem:$0x3FA6] =	sst s2  }
0xb: {  	[smem:$0x3FA7] =	sst s3  }
0xc: {  	[smem:$0x3FA8] =	sst s4  }
0xd: {  	[smem:$0x3FA9] =	sst s5  }
0xe: {  	[smem:$0x3FAA] =	sst s6  }
0xf: {  	[smem:$0x3FAB] =	sst s7  }
0x10: {  	[smem:$0x3FAC] =	sst s8  }
0x11: {  	[smem:$0x3FAD] =	sst s9;
	s0 =	simm.s32 @!p0 $0x0  }
0x12: {  	s1 =	sld [smem:$0x3F93];
	s0 =	simm.s32 @p0 $0x1  }
0x13: {  	[smem:$0x3FAE] =	sst s0;
	s0 =	simm.s32 @!p1 $0x0  }
0x14: {  	s2 =	sld [smem:$0x3F92];
	s0 =	simm.s32 @p1 $0x1  }
0x15: {  	[smem:$0x3FAF] =	sst s0;
	s0 =	simm.s32 @!p2 $0x0  }
0x16: {  	s3 =	sld [smem:$0x3FDB];
	s0 =	simm.s32 @p2 $0x1  }
0x17: {  	s4 =	simm.s32 $0x1BF5;
	[smem:$0x3FB1] =	sst s0  }
0x18: {  	s0 =	sld [smem:$0x3F94];
	_ =	swait.ge [sflag:s4], $0x0  }
0x19: {  	s7 =	sld [smem:$0x3F95]  }
0x1a: {  	s8 =	sadd.s32 $0xFFFFE003, lr  }
0x1b: {  	s9 =	sadd.s32 $0xFFFFFEF7, lr;
	s5 =	simm.s32 $0xFFFFFFFF;
	p2 =	slt.u32 s8, $0xFFFFF086  }
0x1c: {  	p1 =	slt.u32 s9, $0xF7A;
	s5 =	simm.s32 @!p2 $0x0  }
0x1d: {  	s5 =	simm.s32 @p1 $0x1;
	p0 =	seq.s32 s7, s2  }
0x1e: {  	s7 =	smul.u32 @!p0 $0xF7A, s2;
	p2 =	seq.s32 @!p0 s5, $0x0  }
0x1f: {  	s9 =	smul.u32 $0xF7A, s1;
	s8 =	simm.s32 @!p0 $0x1BF5;
	p2 =	por !p2, p0  }
0x20: {  	[sflag:s8] =	ssyncset.s32 @!p0 $0xFFFFF086;
	s6 =	sadd.s32 @!p0 s3, s7;
	s7 =	simm.s32 @!p0 $0x108  }
0x21: {  	s3 =	sadd.s32 s3, s9;
	s6 =	sadd.s32 @!p0 $0x88, s6;
	s7 =	simm.s32 @p2 $0x1082  }
0x22: {  	[simem:s7], [sflag:s8] =	dma.local @!p0 [hbm:s6], $0xF7A  }
0x23: {  	s9 =	sor.u32 $0xD0000000, s2;
	s6 =	simm.s32 $0x108;
	_ =	swait.ge @!p0 [sflag:s8], $0x0  }
0x24: {  	s3 =	sadd.s32 $0x88, s3;
	s6 =	simm.s32 @!p1 $0x1082;
	[sflag:s4] =	ssyncset.s32 $0xFFFFF086  }
0x25: {  	[simem:s6], [sflag:s4] =	dma.local [hbm:s3], $0xF7A  }
0x26: {  	[smem:$0x3F95] =	sst s1;
	(tag) =	ssettag s2;
	_ =	strace s9  }
0x27: {  	s1 =	sld [smem:$0x3FA5]  }
0x28: {  	s2 =	sld [smem:$0x3FA6]  }
0x29: {  	s4 =	sld [smem:$0x3FA8]  }
0x2a: {  	p0 =	seq.s32 s5, $0x0;
	s5 =	sld [smem:$0x3FA9]  }
0x2b: {  	s6 =	sld [smem:$0x3FAA]  }
0x2c: {  	s7 =	sld [smem:$0x3FAB]  }
0x2d: {  	s3 =	simm.s32 $0x108;
	s8 =	sld [smem:$0x3FAC]  }
0x2e: {  	s3 =	simm.s32 @!p0 $0x1082;
	s9 =	sld [smem:$0x3FAD]  }
0x2f: {  	lr =	sadd.s32 s0, s3;
	s0 =	sld [smem:$0x3FA4]  }
0x30: {  	s3 =	sld [smem:$0x3FA7]  }
0x31: {  	[smem:$0x3FB0] =	sst s10  }
0x32: {  	s10 =	sld [smem:$0x3FAE];
	_ =	sdelay $0x3  }
0x33: {  	p0 =	seq.s32 s10, $0x1;
	s10 =	sld [smem:$0x3FB0];
	_ =	sdelay $0x3  }
0x34: {  	[smem:$0x3FB0] =	sst s10  }
0x35: {  	s10 =	sld [smem:$0x3FAF];
	_ =	sdelay $0x3  }
0x36: {  	p1 =	seq.s32 s10, $0x1;
	s10 =	sld [smem:$0x3FB0];
	_ =	sdelay $0x3  }
0x37: {  	[smem:$0x3FB0] =	sst s10  }
0x38: {  	s10 =	sld [smem:$0x3FB1]  }
0x39: {  	_ = 	snop;
	(pc) =	sbr.ind lr, $3  }
0x3a: {  	_ = 	snop  }
0x3b: {  	_ = 	snop  }
0x3c: {  	p2 =	seq.s32 s10, $0x1;
	s10 =	sld [smem:$0x3FB0]  }
0x3d: {  	_ =	shalt  }
0x3e: {  	_ =	shalt  }
0x3f: {  	_ =	shalt  }
0x40: {  	_ =	shalt  }
0x41: {  	_ =	shalt  }
0x42: {  	_ =	shalt  }
0x43: {  	_ =	shalt  }
0x44: {  	_ =	shalt  }
0x45: {  	_ =	shalt  }
0x46: {  	_ =	shalt  }
0x47: {  	_ =	shalt  }
0x48: {  	_ =	shalt  }
0x49: {  	_ =	shalt  }
0x4a: {  	_ =	shalt  }
0x4b: {  	_ =	shalt  }
0x4c: {  	_ =	shalt  }
0x4d: {  	_ =	shalt  }
0x4e: {  	_ =	shalt  }
0x4f: {  	_ =	shalt  }
0x50: {  	_ =	shalt  }
0x51: {  	_ =	shalt  }
0x52: {  	_ =	shalt  }
0x53: {  	_ =	shalt  }
0x54: {  	_ =	shalt  }
0x55: {  	_ =	shalt  }
0x56: {  	_ =	shalt  }
0x57: {  	_ =	shalt  }
0x58: {  	_ =	shalt  }
0x59: {  	_ =	shalt  }
0x5a: {  	_ =	shalt  }
0x5b: {  	_ =	shalt  }
0x5c: {  	_ =	shalt  }
0x5d: {  	_ =	shalt  }
0x5e: {  	_ =	shalt  }
0x5f: {  	_ =	shalt  }
0x60: {  	_ =	shalt  }
0x61: {  	_ =	shalt  }
0x62: {  	_ =	shalt  }
0x63: {  	_ =	shalt  }
0x64: {  	_ =	shalt  }
0x65: {  	_ =	shalt  }
0x66: {  	_ =	shalt  }
0x67: {  	_ =	shalt  }
0x68: {  	_ =	shalt  }
0x69: {  	_ =	shalt  }
0x6a: {  	_ =	shalt  }
0x6b: {  	_ =	shalt  }
0x6c: {  	_ =	shalt  }
0x6d: {  	_ =	shalt  }
0x6e: {  	_ =	shalt  }
0x6f: {  	_ =	shalt  }
0x70: {  	_ =	shalt  }
0x71: {  	_ =	shalt  }
0x72: {  	_ =	shalt  }
0x73: {  	_ =	shalt  }
0x74: {  	_ =	shalt  }
0x75: {  	_ =	shalt  }
0x76: {  	_ =	shalt  }
0x77: {  	_ =	shalt  }
0x78: {  	_ =	shalt  }
0x79: {  	_ =	shalt  }
0x7a: {  	_ =	shalt  }
0x7b: {  	_ =	shalt  }
0x7c: {  	_ =	shalt  }
0x7d: {  	_ =	shalt  }
0x7e: {  	_ =	shalt  }
0x7f: {  	_ =	shalt  }
0x80: {  	_ =	shalt  }
0x81: {  	_ =	shalt  }
0x82: {  	_ =	shalt  }
0x83: {  	_ =	shalt  }
0x84: {  	_ =	shalt  }
0x85: {  	_ =	shalt  }
0x86: {  	_ =	shalt  }
0x87: {  	_ =	shalt  }
.Lfunc_end0:
.L_simem_size_0:
called_computation.3_lowered:
.L_overlay_start_0:
0x88: {  	s2 =	sld [smem:$0x3FD9]  }
0x89: {  	s3 =	sld [smem:$0x3FFE];
	_ =	sdelay $0x1  }
0x8a: {  	s1 =	srdreg.scid  }
0x8b: {  	s0 =	sand.u32 $0x1, s1  }
0x8c: {  	s17 =	sshll.u32 s0, $0xA;
	s2 =	sadd.s32 s3, s2  }
0x8d: {  	s2 =	sadd.s32 s2, s17  }
0x8e: {  	[smem:$0x3FBC] =	sst s2  }
0x8f: {  	_ = 	snop  }
0x90: {  	s18 =	sld [smem:$0x3FD0];
	(tm) =	ssettm $0x1  }
0x91: {  	s19 =	sld [smem:$0x3FFB];
	_ =	sdelay $0x3  }
0x92: {  	_ =	strace s19  }
0x93: {  	s2 =	sld [smem:$0x3FFC];
	_ =	sdelay $0x3  }
0x94: {  	_ =	strace s2  }
0x95: {  	s2 =	sld [smem:$0x3FFD];
	_ =	sdelay $0x3  }
0x96: {  	_ =	strace s2  }
0x97: {  	_ =	strace $0x8FFFFFFF  }
0x98: {  	s20 =	sld [smem:$0x3FDB];
	_ =	sdelay $0x1  }
0x99: {  	s4 =	simm.s32 $_scs_section_size  }
0x9a: {  	s5 =	simm.s32 $_size__tile_overlayer_lowered;
	s6 =	simm.s32 $_tile_overlayer_lowered  }
0x9b: {  	s7 =	simm.s32 $0x1BFF;
	s21 =	sshll.u32 s6, $0x1;
	s4 =	sadd.s32 s4, s20  }
0x9c: {  	s22 =	simm.s32 $0x0;
	s5 =	sshll.u32 s5, $0x1;
	s6 =	sadd.s32 s21, s4  }
0x9d: {  	[timem:s22], [sflag:s7] =	dma.local [hbm:s6], s5  }
0x9e: {  	_ =	swait.ge [sflag:s7], s5  }
0x9f: {  	s5 =	ssub.s32 $0x0, s5;
	[sflag:s7] =	ssyncset.done $0x0  }
0xa0: {  	[sflag:s7] =	ssyncadd.s32 s5;
	_ =	sdelay $0x1  }
0xa1: {  	s23 =	simm.s32 $0x1B8B  }
0xa2: {  	_ =	swait.ge [sflag:s23], $0x1  }
0xa3: {  	[sflag:s23] =	ssyncset.done $0x0  }
0xa4: {  	[sflag:s23] =	ssyncadd.s32 $0xFFFFFFFF  }
0xa5: {  	s5 =	sld [smem:$0x0]  }
0xa6: {  	s6 =	sand.u32 $0xFFFFFFFE, s1  }
0xa7: {  	p0 =	sne.s32 s1, s6  }
0xa8: {  	s6 =	sshll.u32 @p0 s6, $0xE  }
0xa9: {  	s6 =	sadd.s32 @p0 $0x11B8D, s6;
	s7 =	sshll.u32 @p0 s5, $0x11  }
0xaa: {  	s6 =	sor.u32 @p0 s7, s6  }
0xab: {  	[sflag:s6] =	ssyncadd.remote.s32 @p0 $0x1;
	_ =	sdelay $0x1  }
0xac: {  	s6 =	simm.s32 @p0 $0x1B8D  }
0xad: {  	_ =	swait.eq @p0 [sflag:s6], $0x1  }
0xae: {  	[sflag:s6] =	ssyncadd.s32 @p0 $0xFFFFFFFF  }
0xaf: {  	s7 =	sshll.u32 @!p0 s1, $0xE  }
0xb0: {  	s7 =	sor.u32 @!p0 $0x4000, s7;
	s6 =	simm.s32 @!p0 $0x1B8D  }
0xb1: {  	s5 =	sshll.u32 @!p0 s5, $0x11;
	s7 =	sadd.s32 @!p0 $0x11B8D, s7;
	_ =	swait.eq @!p0 [sflag:s6], $0x1  }
0xb2: {  	s5 =	sor.u32 @!p0 s5, s7;
	[sflag:s6] =	ssyncadd.s32 @!p0 $0xFFFFFFFF  }
0xb3: {  	s25 =	simm.s32 $0x1B8E;
	s24 =	sld [smem:$0x3FFE];
	[sflag:s5] =	ssyncadd.remote.s32 @!p0 $0x1  }
0xb4: {  	s26 =	simm.s32 $execute0_lowered;
	[smem:$0x3FD2] =	sst s25  }
0xb5: {  	s6 =	sshll.u32 s26, $0x1;
	_ =	strace $0x8000004F;
	[dreg:$0x1] =	wrdreg $0xFFFFFFFF  }
0xb6: {  	s28 =	simm.s32 $_size_execute0_lowered;
	s4 =	sadd.s32 s4, s6;
	[dreg:$0x0] =	wrdreg $0x0  }
0xb7: {  	s6 =	sshll.u32 s28, $0x1;
	[dreg:$0x2] =	wrdreg s4  }
0xb8: {  	[dreg:$0x3] =	wrdreg s6  }
0xb9: {  	[dreg:$0x4] =	wrdreg $0xC0  }
0xba: {  	_ =	task [dreg:s22], $0x5FFFF  }
0xbb: {  	[dreg:$0x1] =	wrdreg $0xFFFFFFFF  }
0xbc: {  	[dreg:$0x0] =	wrdreg $0x60  }
0xbd: {  	[dreg:$0x2] =	wrdreg s18  }
0xbe: {  	[dreg:$0x3] =	wrdreg s24  }
0xbf: {  	[dreg:$0x4] =	wrdreg $0xC  }
0xc0: {  	_ =	task.clear_ibuf [dreg:s22], $0x5FFFF;
	_ =	strace $0x9000004F  }
0xc1: {  	s29 =	simm.s32 $0xC;
	_ =	strace $0x80000051  }
0xc2: {  	_ =	swait.ge [sflag:s29], $0x1  }
0xc3: {  	[sflag:s29] =	ssyncadd.s32 $0xFFFFFFFF  }
0xc4: {  	_ =	strace $0x90000051  }
0xc5: {  	_ =	sfence  }
0xc6: {  	s30 =	sld [smem:$0x0];
	_ =	sdelay $0x2  }
0xc7: {  	s31 =	sshll.u32 s1, $0xD;
	s1 =	sshrl.u32 s1, $0x2  }
0xc8: {  	s4 =	sand.u32 $0x4000, s31;
	s1 =	sadd.s32 s1, s30  }
0xc9: {  	s0 =	sor.u32 s4, s0;
	s1 =	sshll.u32 s1, $0x11  }
0xca: {  	s0 =	sor.u32 s1, s0  }
0xcb: {  	s0 =	sadd.s32 $0x8F2B, s0  }
0xcc: {  	[sflag:s0] =	ssyncadd.remote.s32 $0x1  }
0xcd: {  	_ =	sfence.sel $0xFFFF  }
0xce: {  	[dreg:$0x0] =	wrdreg $0xFFFFFFFF;
	(pc) =	sbr.abs _section_cstart, $3  }
0xcf: {  	[dreg:$0x1] =	wrdreg $0xFFFFFFFF  }
0xd0: {  	_ =	task.clear_ibuf [dreg:s22], $0x2FFFF;
	_ =	strace $0x9FFFFFFF  }
0xd1: {  	(tm) =	ssettm $0x7FFFFFFF  }
tec
execute0_lowered:
.L_overlay_start_1:
0x0: {  	(tag) =	ssettag $0x1  }
0x1: {  	s2 =	rddreg [dreg:$0x0]  }
0x2: {  	s4 =	rddreg [dreg:$0x1];
	s3 =	srdreg.scid  }
0x3: {  	s0 =	rddreg [dreg:$0x2];
	s1 =	stileid.u32  }
0x4: {  	s10 =	simm.s32 $0x1;
	s11 =	simm.s32 $0x0;
	s5 =	sand.u32 $0x1, s3  }
0x5: {  	s3 =	simm.s32 $0x0;
	s6 =	sshll.u32 s1, $0xC;
	s8 =	sshll.u32 s1, $0x10  }
0x6: {  	s7 =	sshll.u32 s5, $0xB;
	[smem:$0x7FF] =	sst s3;
	s29 =	ssub.s32 $0x2, s5  }
0x7: {  	s8 =	sadd.s32 s8, s4;
	s30 =	sshll.u32 s5, $0xF;
	s6 =	sor.u32 s7, s6  }
0x8: {  	_ =	strace $0x80000050;
	s9 =	sshrl.u32 s29, $0x1;
	s31 =	sadd.s32 s30, s8  }
0x9: {  	s8 =	simm.s32 $0x80;
	s6 =	sshrl.u32 s6, $0x3;
	s7 =	ssub.s32 s29, s9  }
0xa: {  	s9 =	simm.s32 $0x800;
	s6 =	sadd.s32 s6, s4;
	s5 =	smax.u32 s7, $0x1  }
0xb: {  	s7 =	simm.s32 $0x2;
	s4 =	sadd.s32 $0x30A400, s6;
	s6 =	sadd.s32 $0x30C400, s31  }
.LBB2_1:
0xc: {  	[tilespmem:s3], [sflag:$0x2] =	stream.linear.gather [hbm4b:s4+s3], $0x800, $0x38;
	[tilespmem:$0x4800] =	vst v63  }
0xd: {  	_ =	swait.ge [sflag:s7], $0x800  }
0xe: {  	[sflag:s7] =	ssyncset.done $0x0  }
0xf: {  	s12 =	simm.s32 $0x0;
	[sflag:s7] =	ssyncadd.s32 $0xFFFFF800  }
0x10: {  	[tilespmem:s9], [sflag:$0x1] =	stream.indirect.gather [hbm4b:s2+s8], $0x80, s12, s8, $0xb8;
	[tilespmem:$0x4800] =	vst v63  }
0x11: {  	_ =	swait.ge [sflag:s10], $0x4000  }
0x12: {  	[sflag:s10] =	ssyncset.done $0x0  }
0x13: {  	[sflag:s10] =	ssyncadd.s32 $0xFFFFC000  }
0x14: {  	[hbm4b:s6+s3] =	stream.linear.scatter [tilespmem:s9], [sflag:$0x2], $0x4000, $0x38;
	[tilespmem:$0x4800] =	vst v63  }
0x15: {  	s13 =	simm.s32 $0x200;
	_ =	swait.ge [sflag:s7], $0x4000  }
0x16: {  	s14 =	simm.s32 $0x400;
	s12 =	sadd.s32 $0x800, s6;
	[sflag:s7] =	ssyncset.done $0x0  }
.LBB2_2:
0x17: {  	s15 =	sshra.s32 s13, $0x2  }
0x18: {  	[sflag:s7] =	ssyncadd.s32 $0xFFFFC000;
	s13 =	smov.u32 s14;
	s16 =	sadd.s32 $0x200, s14  }
0x19: {  	[tilespmem:s9], [sflag:$0x1] =	stream.indirect.gather [hbm4b:s2+s8], $0x80, s15, s8, $0xb8;
	[tilespmem:$0x4800] =	vst v63  }
0x1a: {  	p0 =	sne.s32 s14, $0x1E00;
	_ =	swait.ge [sflag:s10], $0x4000  }
.Ltmp0:
0x1b: {  	[sflag:s10] =	ssyncset.done $0x0;
	(pc) =	sbr.rel @p0 .LBB2_2-.Ltmp0, $4  }
0x1c: {  	[sflag:s10] =	ssyncadd.s32 $0xFFFFC000  }
0x1d: {  	[hbm4b:s12+s3] =	stream.linear.scatter [tilespmem:s9], [sflag:$0x2], $0x4000, $0x38;
	[tilespmem:$0x4800] =	vst v63  }
0x1e: {  	_ =	swait.ge [sflag:s7], $0x4000  }
0x1f: {  	s14 =	smov.u32 s16;
	s12 =	sadd.s32 $0x800, s12;
	[sflag:s7] =	ssyncset.done $0x0  }
0x20: {  	s13 =	sshra.s32 s13, $0x2;
	[sflag:s7] =	ssyncadd.s32 $0xFFFFC000  }
0x21: {  	[tilespmem:s9], [sflag:$0x1] =	stream.indirect.gather [hbm4b:s2+s8], $0x80, s13, s8, $0xb8;
	[tilespmem:$0x4800] =	vst v63  }
0x22: {  	s11 =	sadd.s32 $0x1, s11;
	_ =	swait.ge [sflag:s10], $0x4000  }
0x23: {  	p0 =	sne.s32 s11, s5;
	[sflag:s10] =	ssyncset.done $0x0  }
.Ltmp1:
0x24: {  	[sflag:s10] =	ssyncadd.s32 $0xFFFFC000;
	(pc) =	sbr.rel @p0 .LBB2_1-.Ltmp1, $4  }
0x25: {  	[hbm4b:s12+s3] =	stream.linear.scatter [tilespmem:s9], [sflag:$0x2], $0x4000, $0x38;
	[tilespmem:$0x4800] =	vst v63  }
0x26: {  	_ =	swait.ge [sflag:s7], $0x4000  }
0x27: {  	[sflag:s7] =	ssyncset.done $0x0  }
0x28: {  	[sflag:s7] =	ssyncadd.s32 $0xFFFFC000  }
0x29: {  	_ =	sfence.sel $0x180000  }
0x2a: {  	[bflag:$0x0] =	sbarrier.arrive $0xFFFF  }
0x2b: {  	p0 =	sne.s32 s1, $0x0;
	_ =	strace $0x90000050  }
0x2c: {  	s0 =	sadd.s32 @!p0 $0x100000, s0;
	[bflag:$0x2] =	sbarrier.arrive $0xFFFF  }
0x2d: {  	[sflag:s0] =	ssyncadd.tile.s32 @!p0 $0x1;
	_ =	shalt  }
.Lfunc_end2:
_tile_overlayer_lowered:
.L_overlay_start_2:
0x2e: {  	(tag) =	ssettag $0x2  }
0x2f: {  	s0 =	rddreg [dreg:$0x0];
	s2 =	stileid.u32  }
0x30: {  	s1 =	rddreg [dreg:$0x1];
	p0 =	sne.s32 s2, $0x0  }
0x31: {  	s3 =	rddreg [dreg:$0x2];
	[bflag:$0x3] =	sbarrier.arrive $0xFFFF;
	s2 =	simm.s32 @!p0 $0x1C02  }
0x32: {  	[timem:s3], [sflag:s2] =	dma.local @!p0 [hbm:s0], s1  }
0x33: {  	s0 =	simm.s32 @!p0 $0x2  }
0x34: {  	_ =	swait.ge @!p0 [sflag:s0], s1  }
0x35: {  	s1 =	ssub.s32 @!p0 $0x0, s1;
	[sflag:s0] =	ssyncset.done @!p0 $0x0  }
0x36: {  	[sflag:s0] =	ssyncadd.s32 @!p0 s1  }
0x37: {  	[bflag:$0x3] =	sbarrier.arrive $0xFFFF  }
0x38: {  	_ =	shalt  }

</sc_bundles>
